<compile_context>
chip_gen: v7x
topology: tpu7x:2x2x1
jax: 0.10.2.dev20260603
libtpu: 0.0.44.dev20260713+nightly
codegen_flags: <defaults>
</compile_context>

<pallas_src>
import functools

import jax
import jax.numpy as jnp
from jax import lax
from jax.experimental import pallas as pl
from jax.experimental.pallas import tpu as pltpu
from jax.experimental.pallas import tpu_sc as plsc

N = 10000
E = 320000
H = 128
G = 128

NC = 2
NS = 16
NW = NC * NS
EPW = E // NW
K = 80
NCHUNK = EPW // K
WR = 624
XR = N - NS * WR

_mesh = plsc.VectorSubcoreMesh(
    core_axis_name="c", subcore_axis_name="s", num_cores=NC, num_subcores=NS
)


@functools.partial(
    pl.kernel,
    out_type=jax.ShapeDtypeStruct((NC, N, H), jnp.float32),
    mesh=_mesh,
    scratch_types=[
        pltpu.VMEM((2, K), jnp.int32),
        pltpu.VMEM((EPW,), jnp.float32),
        pltpu.VMEM((K, H), jnp.float32),
        pltpu.VMEM_SHARED((N, H), jnp.float32),
        pltpu.SemaphoreType.DMA,
    ],
    compiler_params=pltpu.CompilerParams(needs_layout_passes=False),
)
def _sc_agg(h_hbm, sd_hbm, w_hbm, out_hbm,
            sd_v, w_v, rows_v, acc_sh, sem):
    cid = lax.axis_index("c")
    sid = lax.axis_index("s")
    wid = cid * NS + sid

    zvec = jnp.zeros((16,), jnp.float32)

    def zrow(i, _):
        for c in range(H // 16):
            rows_v[i, pl.ds(c * 16, 16)] = zvec
        return 0

    lax.fori_loop(0, K, zrow, 0)
    zbase = sid * WR
    for j in range(WR // K):
        pltpu.sync_copy(rows_v, acc_sh.at[pl.ds(zbase + j * K, K)])
    zrem = WR - (WR // K) * K
    if zrem:
        pltpu.sync_copy(rows_v.at[pl.ds(0, zrem)],
                        acc_sh.at[pl.ds(zbase + (WR // K) * K, zrem)])

    @pl.when(sid == NS - 1)
    def _ztail():
        pltpu.sync_copy(rows_v.at[pl.ds(0, XR)], acc_sh.at[pl.ds(NS * WR, XR)])

    plsc.subcore_barrier()

    pltpu.sync_copy(w_hbm.at[wid], w_v)

    def chunk(g, _):
        pltpu.sync_copy(sd_hbm.at[wid, g], sd_v)
        pltpu.async_copy(h_hbm.at[sd_v.at[0]], rows_v, sem).wait()

        def edge(i, _):
            ii = jnp.full((16,), g * K + i, jnp.int32)
            wv = plsc.load_gather(w_v, [ii])
            for c in range(H // 16):
                sl = pl.ds(c * 16, 16)
                rows_v[i, sl] = rows_v[i, sl] * wv
            return 0

        lax.fori_loop(0, K, edge, 0)

        pltpu.sync_copy(rows_v, acc_sh.at[sd_v.at[1]], add=True)
        return 0

    lax.fori_loop(0, NCHUNK, chunk, 0)
    plsc.subcore_barrier()

    obase = sid * WR
    pltpu.sync_copy(acc_sh.at[pl.ds(obase, WR)],
                    out_hbm.at[cid, pl.ds(obase, WR)])

    @pl.when(sid == NS - 1)
    def _otail():
        pltpu.sync_copy(acc_sh.at[pl.ds(NS * WR, XR)],
                        out_hbm.at[cid, pl.ds(NS * WR, XR)])


R = 1000
NB = N // R


def _tc_layer_body(h_ref, agg_ref, wrel_ref, wroot_ref, b_ref, out_ref, *, relu):
    agg = agg_ref[0] + agg_ref[1]
    out = (jnp.dot(agg, wrel_ref[...], preferred_element_type=jnp.float32)
           + jnp.dot(h_ref[...], wroot_ref[...], preferred_element_type=jnp.float32)
           + b_ref[...])
    if relu:
        out = jnp.maximum(out, 0.0)
    out_ref[...] = out


def _tc_layer(h, agg2, wrelT, wrootT, b, relu):
    return pl.pallas_call(
        functools.partial(_tc_layer_body, relu=relu),
        grid=(NB,),
        in_specs=[
            pl.BlockSpec((R, H), lambda i: (i, 0)),
            pl.BlockSpec((NC, R, H), lambda i: (0, i, 0)),
            pl.BlockSpec((H, H), lambda i: (0, 0)),
            pl.BlockSpec((H, H), lambda i: (0, 0)),
            pl.BlockSpec((1, H), lambda i: (0, 0)),
        ],
        out_specs=pl.BlockSpec((R, H), lambda i: (i, 0)),
        out_shape=jax.ShapeDtypeStruct((N, H), jnp.float32),
    )(h, agg2, wrelT, wrootT, b)


def _tc_final_body(h_ref, agg_ref, wrel_ref, wroot_ref, b_ref, batch_ref,
                   out_ref, sums_ref, cnt_ref):
    i = pl.program_id(0)

    @pl.when(i == 0)
    def _init():
        sums_ref[...] = jnp.zeros((G, H), jnp.float32)
        cnt_ref[...] = jnp.zeros((G, H), jnp.float32)

    agg = agg_ref[0] + agg_ref[1]
    h3 = (jnp.dot(agg, wrel_ref[...], preferred_element_type=jnp.float32)
          + jnp.dot(h_ref[...], wroot_ref[...], preferred_element_type=jnp.float32)
          + b_ref[...])
    bv = batch_ref[0, 0, :]
    seg = lax.broadcasted_iota(jnp.int32, (G, R), 0)
    onehot = (seg == bv[None, :]).astype(jnp.float32)
    sums_ref[...] += jnp.dot(onehot, h3, preferred_element_type=jnp.float32)
    cnt_ref[...] += jnp.dot(onehot, jnp.ones((R, H), jnp.float32),
                            preferred_element_type=jnp.float32)

    @pl.when(i == NB - 1)
    def _fin():
        out_ref[...] = sums_ref[...] / jnp.maximum(cnt_ref[...], 1.0)


def _tc_final(h, agg2, wrelT, wrootT, b, batch_f):
    return pl.pallas_call(
        _tc_final_body,
        grid=(NB,),
        in_specs=[
            pl.BlockSpec((R, H), lambda i: (i, 0)),
            pl.BlockSpec((NC, R, H), lambda i: (0, i, 0)),
            pl.BlockSpec((H, H), lambda i: (0, 0)),
            pl.BlockSpec((H, H), lambda i: (0, 0)),
            pl.BlockSpec((1, H), lambda i: (0, 0)),
            pl.BlockSpec((1, 1, R), lambda i: (i, 0, 0)),
        ],
        out_specs=pl.BlockSpec((G, H), lambda i: (0, 0)),
        out_shape=jax.ShapeDtypeStruct((G, H), jnp.float32),
        scratch_shapes=[
            pltpu.VMEM((G, H), jnp.float32),
            pltpu.VMEM((G, H), jnp.float32),
        ],
    )(h, agg2, wrelT, wrootT, b, batch_f)


def kernel(x, edge_index, edge_weight, batch, Wrel, brel, Wroot):
    src3 = edge_index[0].reshape(NW, NCHUNK, K)
    dst3 = edge_index[1].reshape(NW, NCHUNK, K)
    sd4 = jnp.stack([src3, dst3], axis=2)
    w3 = edge_weight.reshape(NW, EPW)
    batch_f = batch.reshape(NB, 1, R)

    h = x
    out = None
    for i in range(Wrel.shape[0]):
        agg2 = _sc_agg(h, sd4, w3)
        wrelT = Wrel[i].T
        wrootT = Wroot[i].T
        b = brel[i][None, :]
        if i < Wrel.shape[0] - 1:
            h = _tc_layer(h, agg2, wrelT, wrootT, b, relu=True)
        else:
            out = _tc_final(h, agg2, wrelT, wrootT, b, batch_f)
    return out

# --- scband reference (transcript-rebuilt; emitter-appended) ---
"""Pipeline reference for scband-graph-conv-encoder-30124900614325 (READ-ONLY COPY).

The authoritative reference and input builder live on the scoring server;
editing this copy changes nothing except your own understanding.
"""

import jax, jax.numpy as jnp
import numpy as np

N = 10000
E = 320000
D = 128
H = 128
G = 128
L = 3

def setup_inputs(seed: int = 0):
    key = jax.random.key(seed)
    ks = jax.random.split(key, 8)
    x = jax.random.normal(ks[0], (N, D), dtype=jnp.float32)
    edge_index = jax.random.randint(ks[1], (2, E), 0, N, dtype=jnp.int32)
    edge_weight = jax.random.uniform(ks[2], (E,), dtype=jnp.float32)
    batch = jnp.sort(jax.random.randint(ks[3], (N,), 0, G, dtype=jnp.int32))
    Wrel = jax.random.normal(ks[4], (L, H, H), dtype=jnp.float32) * (1.0 / np.sqrt(H))
    brel = jnp.zeros((L, H), dtype=jnp.float32)
    Wroot = jax.random.normal(ks[5], (L, H, H), dtype=jnp.float32) * (1.0 / np.sqrt(H))
    return {"x": x, "edge_index": edge_index, "edge_weight": edge_weight, "batch": batch, "Wrel": Wrel, "brel": brel, "Wroot": Wroot}

def reference(x, edge_index, edge_weight, batch, Wrel, brel, Wroot):
    # PyG GraphConv: out = lin_rel(aggr_{j->i} e_ji * x_j) + lin_root(x_i)
    src = edge_index[0]
    dst = edge_index[1]
    h = x
    for i in range(L):
        msg = h[src] * edge_weight[:, None]
        agg = jax.ops.segment_sum(msg, dst, num_segments=N)
        h = agg @ Wrel[i].T + brel[i] + h @ Wroot[i].T
        if i < L - 1:
            h = jax.nn.relu(h)
            # dropout p=0.0 -> no-op
    # global_mean_pool
    sums = jax.ops.segment_sum(h, batch, num_segments=G)
    cnt = jax.ops.segment_sum(jnp.ones((N,), dtype=jnp.float32), batch, num_segments=G)
    return sums / jnp.maximum(cnt, 1.0)[:, None]

if __name__ == "__main__":
    import jax
    _d = setup_inputs()
    print(jax.jit(kernel)(*tuple(_d.values())))

</pallas_src>

<mosaic_0001>
#map = affine_map<(d0, d1) -> (0, 0)>
#map1 = affine_map<(d0, d1) -> (0, 0, 0, 0)>
#map2 = affine_map<(d0, d1) -> (0, 0, 0)>
module attributes {stable_mosaic.version = 14 : i64} {
  func.func @_sc_agg(%arg0: i32, %arg1: i32, %arg2: memref<10000x128xf32, #tpu.memory_space<hbm>>, %arg3: memref<32x125x2x80xi32, #tpu.memory_space<hbm>>, %arg4: memref<32x10000xf32, #tpu.memory_space<hbm>>, %arg5: memref<2x10000x128xf32, #tpu.memory_space<hbm>>, %arg6: memref<2x80xi32, #tpu.memory_space<vmem>>, %arg7: memref<10000xf32, #tpu.memory_space<vmem>>, %arg8: memref<80x128xf32, #tpu.memory_space<vmem>>, %arg9: memref<10000x128xf32, #tpu.memory_space<vmem_shared>>, %arg10: memref<!tpu.dma_semaphore, #tpu.memory_space<semaphore_mem>>) attributes {dimension_semantics = [#tpu.dimension_semantics<core_parallel>, #tpu.dimension_semantics<subcore_parallel>], iteration_bounds = array<i64: 2, 16>, scalar_prefetch = 0 : i64, scratch_operands = 5 : i64, tpu.core_type = #tpu.core_type<sc_vector_subcore>, window_params = [{transform_indices = #map}, {transform_indices = #map1}, {transform_indices = #map}, {transform_indices = #map2}]} {
    %mul3A = arith.constant 16 : i32
    %mul3A_0 = arith.muli %arg0, %mul3A : i32
    %add3A = arith.addi %mul3A_0, %arg1 : i32
    %broadcast_in_dim3A = arith.constant 0.000000e+00 : f32
    %broadcast_in_dim3A_1 = vector.broadcast %broadcast_in_dim3A : f32 to vector<16xf32>
    %scan3A = arith.constant 0 : i32
    %scan3A_2 = arith.constant 0 : i32
    %scan3A_3 = arith.constant 80 : i32
    %scan3A_4 = arith.addi %scan3A_2, %scan3A_3 : i32
    %scan3A_5 = arith.constant 1 : i32
    %scan3A_6 = scf.for %scan3A_43 = %scan3A_2 to %scan3A_4 step %scan3A_5 iter_args(%scan3A_44 = %scan3A) -> (i32)  : i32 {
      %swap3A = arith.index_cast %scan3A_43 : i32 to index
      %swap3A_45 = arith.constant 0 : index
      %swap3A_46 = tpu.vector_load %arg8[%swap3A, %swap3A_45] {strides = array<i32>} : memref<80x128xf32, #tpu.memory_space<vmem>>, vector<16xf32>,
      tpu.vector_store %arg8[%swap3A, %swap3A_45], %broadcast_in_dim3A_1 {strides = array<i32>} : memref<80x128xf32, #tpu.memory_space<vmem>>, vector<16xf32>,
      %swap3A_47 = arith.index_cast %scan3A_43 : i32 to index
      %swap3A_48 = arith.constant 16 : index
      %swap3A_49 = tpu.vector_load %arg8[%swap3A_47, %swap3A_48] {strides = array<i32>} : memref<80x128xf32, #tpu.memory_space<vmem>>, vector<16xf32>,
      tpu.vector_store %arg8[%swap3A_47, %swap3A_48], %broadcast_in_dim3A_1 {strides = array<i32>} : memref<80x128xf32, #tpu.memory_space<vmem>>, vector<16xf32>,
      %swap3A_50 = arith.index_cast %scan3A_43 : i32 to index
      %swap3A_51 = arith.constant 32 : index
      %swap3A_52 = tpu.vector_load %arg8[%swap3A_50, %swap3A_51] {strides = array<i32>} : memref<80x128xf32, #tpu.memory_space<vmem>>, vector<16xf32>,
      tpu.vector_store %arg8[%swap3A_50, %swap3A_51], %broadcast_in_dim3A_1 {strides = array<i32>} : memref<80x128xf32, #tpu.memory_space<vmem>>, vector<16xf32>,
      %swap3A_53 = arith.index_cast %scan3A_43 : i32 to index
      %swap3A_54 = arith.constant 48 : index
      %swap3A_55 = tpu.vector_load %arg8[%swap3A_53, %swap3A_54] {strides = array<i32>} : memref<80x128xf32, #tpu.memory_space<vmem>>, vector<16xf32>,
      tpu.vector_store %arg8[%swap3A_53, %swap3A_54], %broadcast_in_dim3A_1 {strides = array<i32>} : memref<80x128xf32, #tpu.memory_space<vmem>>, vector<16xf32>,
      %swap3A_56 = arith.index_cast %scan3A_43 : i32 to index
      %swap3A_57 = arith.constant 64 : index
      %swap3A_58 = tpu.vector_load %arg8[%swap3A_56, %swap3A_57] {strides = array<i32>} : memref<80x128xf32, #tpu.memory_space<vmem>>, vector<16xf32>,
      tpu.vector_store %arg8[%swap3A_56, %swap3A_57], %broadcast_in_dim3A_1 {strides = array<i32>} : memref<80x128xf32, #tpu.memory_space<vmem>>, vector<16xf32>,
      %swap3A_59 = arith.index_cast %scan3A_43 : i32 to index
      %swap3A_60 = arith.constant 80 : index
      %swap3A_61 = tpu.vector_load %arg8[%swap3A_59, %swap3A_60] {strides = array<i32>} : memref<80x128xf32, #tpu.memory_space<vmem>>, vector<16xf32>,
      tpu.vector_store %arg8[%swap3A_59, %swap3A_60], %broadcast_in_dim3A_1 {strides = array<i32>} : memref<80x128xf32, #tpu.memory_space<vmem>>, vector<16xf32>,
      %swap3A_62 = arith.index_cast %scan3A_43 : i32 to index
      %swap3A_63 = arith.constant 96 : index
      %swap3A_64 = tpu.vector_load %arg8[%swap3A_62, %swap3A_63] {strides = array<i32>} : memref<80x128xf32, #tpu.memory_space<vmem>>, vector<16xf32>,
      tpu.vector_store %arg8[%swap3A_62, %swap3A_63], %broadcast_in_dim3A_1 {strides = array<i32>} : memref<80x128xf32, #tpu.memory_space<vmem>>, vector<16xf32>,
      %swap3A_65 = arith.index_cast %scan3A_43 : i32 to index
      %swap3A_66 = arith.constant 112 : index
      %swap3A_67 = tpu.vector_load %arg8[%swap3A_65, %swap3A_66] {strides = array<i32>} : memref<80x128xf32, #tpu.memory_space<vmem>>, vector<16xf32>,
      tpu.vector_store %arg8[%swap3A_65, %swap3A_66], %broadcast_in_dim3A_1 {strides = array<i32>} : memref<80x128xf32, #tpu.memory_space<vmem>>, vector<16xf32>,
      %scan3A_68 = arith.constant 0 : i32
      scf.yield %scan3A_68 : i32
    }
    %scan3A_7 = arith.constant 80 : i32
    %mul3A_8 = arith.constant 624 : i32
    %mul3A_9 = arith.muli %arg1, %mul3A_8 : i32
    %add3A_10 = arith.constant 0 : i32
    %add3A_11 = arith.addi %mul3A_9, %add3A_10 : i32
    "tpu.region"() ({
      %run_scoped3A = tpu.sem_alloc : memref<!tpu.dma_semaphore, #tpu.memory_space<semaphore_mem>>
      %dma_start3A = arith.constant 0 : i32
      %dma_start3A_43 = tpu.memref_slice %arg9[%add3A_11, %dma_start3A] : memref<10000x128xf32, #tpu.memory_space<vmem_shared>> -> memref<80x128xf32, #tpu.memory_space<vmem_shared>>
      %dma_start3A_44 = arith.constant 0 : i32
      %dma_start3A_45 = tpu.memref_slice %arg9[%add3A_11, %dma_start3A_44] : memref<10000x128xf32, #tpu.memory_space<vmem_shared>> -> memref<80x128xf32, #tpu.memory_space<vmem_shared>>
      tpu.enqueue_dma source(%arg8 : memref<80x128xf32, #tpu.memory_space<vmem>>) target(%dma_start3A_45 : memref<80x128xf32, #tpu.memory_space<vmem_shared>>) target_semaphore(%run_scoped3A : memref<!tpu.dma_semaphore, #tpu.memory_space<semaphore_mem>>)
      %dma_wait3A = arith.constant 0 : i32
      %dma_wait3A_46 = tpu.memref_slice %arg9[%add3A_11, %dma_wait3A] : memref<10000x128xf32, #tpu.memory_space<vmem_shared>> -> memref<80x128xf32, #tpu.memory_space<vmem_shared>>
      %dma_wait3A_47 = arith.constant 0 : i32
      %dma_wait3A_48 = tpu.memref_slice %arg9[%add3A_11, %dma_wait3A_47] : memref<10000x128xf32, #tpu.memory_space<vmem_shared>> -> memref<80x128xf32, #tpu.memory_space<vmem_shared>>
      tpu.wait_dma2 semaphore(%run_scoped3A : memref<!tpu.dma_semaphore, #tpu.memory_space<semaphore_mem>>) src(%arg8 : memref<80x128xf32, #tpu.memory_space<vmem>>) dst(%dma_wait3A_48 : memref<80x128xf32, #tpu.memory_space<vmem_shared>>)
      tpu.yield
    }) : () -> ()
    %add3A_12 = arith.constant 80 : i32
    %add3A_13 = arith.addi %mul3A_9, %add3A_12 : i32
    "tpu.region"() ({
      %run_scoped3A = tpu.sem_alloc : memref<!tpu.dma_semaphore, #tpu.memory_space<semaphore_mem>>
      %dma_start3A = arith.constant 0 : i32
      %dma_start3A_43 = tpu.memref_slice %arg9[%add3A_13, %dma_start3A] : memref<10000x128xf32, #tpu.memory_space<vmem_shared>> -> memref<80x128xf32, #tpu.memory_space<vmem_shared>>
      %dma_start3A_44 = arith.constant 0 : i32
      %dma_start3A_45 = tpu.memref_slice %arg9[%add3A_13, %dma_start3A_44] : memref<10000x128xf32, #tpu.memory_space<vmem_shared>> -> memref<80x128xf32, #tpu.memory_space<vmem_shared>>
      tpu.enqueue_dma source(%arg8 : memref<80x128xf32, #tpu.memory_space<vmem>>) target(%dma_start3A_45 : memref<80x128xf32, #tpu.memory_space<vmem_shared>>) target_semaphore(%run_scoped3A : memref<!tpu.dma_semaphore, #tpu.memory_space<semaphore_mem>>)
      %dma_wait3A = arith.constant 0 : i32
      %dma_wait3A_46 = tpu.memref_slice %arg9[%add3A_13, %dma_wait3A] : memref<10000x128xf32, #tpu.memory_space<vmem_shared>> -> memref<80x128xf32, #tpu.memory_space<vmem_shared>>
      %dma_wait3A_47 = arith.constant 0 : i32
      %dma_wait3A_48 = tpu.memref_slice %arg9[%add3A_13, %dma_wait3A_47] : memref<10000x128xf32, #tpu.memory_space<vmem_shared>> -> memref<80x128xf32, #tpu.memory_space<vmem_shared>>
      tpu.wait_dma2 semaphore(%run_scoped3A : memref<!tpu.dma_semaphore, #tpu.memory_space<semaphore_mem>>) src(%arg8 : memref<80x128xf32, #tpu.memory_space<vmem>>) dst(%dma_wait3A_48 : memref<80x128xf32, #tpu.memory_space<vmem_shared>>)
      tpu.yield
    }) : () -> ()
    %add3A_14 = arith.constant 160 : i32
    %add3A_15 = arith.addi %mul3A_9, %add3A_14 : i32
    "tpu.region"() ({
      %run_scoped3A = tpu.sem_alloc : memref<!tpu.dma_semaphore, #tpu.memory_space<semaphore_mem>>
      %dma_start3A = arith.constant 0 : i32
      %dma_start3A_43 = tpu.memref_slice %arg9[%add3A_15, %dma_start3A] : memref<10000x128xf32, #tpu.memory_space<vmem_shared>> -> memref<80x128xf32, #tpu.memory_space<vmem_shared>>
      %dma_start3A_44 = arith.constant 0 : i32
      %dma_start3A_45 = tpu.memref_slice %arg9[%add3A_15, %dma_start3A_44] : memref<10000x128xf32, #tpu.memory_space<vmem_shared>> -> memref<80x128xf32, #tpu.memory_space<vmem_shared>>
      tpu.enqueue_dma source(%arg8 : memref<80x128xf32, #tpu.memory_space<vmem>>) target(%dma_start3A_45 : memref<80x128xf32, #tpu.memory_space<vmem_shared>>) target_semaphore(%run_scoped3A : memref<!tpu.dma_semaphore, #tpu.memory_space<semaphore_mem>>)
      %dma_wait3A = arith.constant 0 : i32
      %dma_wait3A_46 = tpu.memref_slice %arg9[%add3A_15, %dma_wait3A] : memref<10000x128xf32, #tpu.memory_space<vmem_shared>> -> memref<80x128xf32, #tpu.memory_space<vmem_shared>>
      %dma_wait3A_47 = arith.constant 0 : i32
      %dma_wait3A_48 = tpu.memref_slice %arg9[%add3A_15, %dma_wait3A_47] : memref<10000x128xf32, #tpu.memory_space<vmem_shared>> -> memref<80x128xf32, #tpu.memory_space<vmem_shared>>
      tpu.wait_dma2 semaphore(%run_scoped3A : memref<!tpu.dma_semaphore, #tpu.memory_space<semaphore_mem>>) src(%arg8 : memref<80x128xf32, #tpu.memory_space<vmem>>) dst(%dma_wait3A_48 : memref<80x128xf32, #tpu.memory_space<vmem_shared>>)
      tpu.yield
    }) : () -> ()
    %add3A_16 = arith.constant 240 : i32
    %add3A_17 = arith.addi %mul3A_9, %add3A_16 : i32
    "tpu.region"() ({
      %run_scoped3A = tpu.sem_alloc : memref<!tpu.dma_semaphore, #tpu.memory_space<semaphore_mem>>
      %dma_start3A = arith.constant 0 : i32
      %dma_start3A_43 = tpu.memref_slice %arg9[%add3A_17, %dma_start3A] : memref<10000x128xf32, #tpu.memory_space<vmem_shared>> -> memref<80x128xf32, #tpu.memory_space<vmem_shared>>
      %dma_start3A_44 = arith.constant 0 : i32
      %dma_start3A_45 = tpu.memref_slice %arg9[%add3A_17, %dma_start3A_44] : memref<10000x128xf32, #tpu.memory_space<vmem_shared>> -> memref<80x128xf32, #tpu.memory_space<vmem_shared>>
      tpu.enqueue_dma source(%arg8 : memref<80x128xf32, #tpu.memory_space<vmem>>) target(%dma_start3A_45 : memref<80x128xf32, #tpu.memory_space<vmem_shared>>) target_semaphore(%run_scoped3A : memref<!tpu.dma_semaphore, #tpu.memory_space<semaphore_mem>>)
      %dma_wait3A = arith.constant 0 : i32
      %dma_wait3A_46 = tpu.memref_slice %arg9[%add3A_17, %dma_wait3A] : memref<10000x128xf32, #tpu.memory_space<vmem_shared>> -> memref<80x128xf32, #tpu.memory_space<vmem_shared>>
      %dma_wait3A_47 = arith.constant 0 : i32
      %dma_wait3A_48 = tpu.memref_slice %arg9[%add3A_17, %dma_wait3A_47] : memref<10000x128xf32, #tpu.memory_space<vmem_shared>> -> memref<80x128xf32, #tpu.memory_space<vmem_shared>>
      tpu.wait_dma2 semaphore(%run_scoped3A : memref<!tpu.dma_semaphore, #tpu.memory_space<semaphore_mem>>) src(%arg8 : memref<80x128xf32, #tpu.memory_space<vmem>>) dst(%dma_wait3A_48 : memref<80x128xf32, #tpu.memory_space<vmem_shared>>)
      tpu.yield
    }) : () -> ()
    %add3A_18 = arith.constant 320 : i32
    %add3A_19 = arith.addi %mul3A_9, %add3A_18 : i32
    "tpu.region"() ({
      %run_scoped3A = tpu.sem_alloc : memref<!tpu.dma_semaphore, #tpu.memory_space<semaphore_mem>>
      %dma_start3A = arith.constant 0 : i32
      %dma_start3A_43 = tpu.memref_slice %arg9[%add3A_19, %dma_start3A] : memref<10000x128xf32, #tpu.memory_space<vmem_shared>> -> memref<80x128xf32, #tpu.memory_space<vmem_shared>>
      %dma_start3A_44 = arith.constant 0 : i32
      %dma_start3A_45 = tpu.memref_slice %arg9[%add3A_19, %dma_start3A_44] : memref<10000x128xf32, #tpu.memory_space<vmem_shared>> -> memref<80x128xf32, #tpu.memory_space<vmem_shared>>
      tpu.enqueue_dma source(%arg8 : memref<80x128xf32, #tpu.memory_space<vmem>>) target(%dma_start3A_45 : memref<80x128xf32, #tpu.memory_space<vmem_shared>>) target_semaphore(%run_scoped3A : memref<!tpu.dma_semaphore, #tpu.memory_space<semaphore_mem>>)
      %dma_wait3A = arith.constant 0 : i32
      %dma_wait3A_46 = tpu.memref_slice %arg9[%add3A_19, %dma_wait3A] : memref<10000x128xf32, #tpu.memory_space<vmem_shared>> -> memref<80x128xf32, #tpu.memory_space<vmem_shared>>
      %dma_wait3A_47 = arith.constant 0 : i32
      %dma_wait3A_48 = tpu.memref_slice %arg9[%add3A_19, %dma_wait3A_47] : memref<10000x128xf32, #tpu.memory_space<vmem_shared>> -> memref<80x128xf32, #tpu.memory_space<vmem_shared>>
      tpu.wait_dma2 semaphore(%run_scoped3A : memref<!tpu.dma_semaphore, #tpu.memory_space<semaphore_mem>>) src(%arg8 : memref<80x128xf32, #tpu.memory_space<vmem>>) dst(%dma_wait3A_48 : memref<80x128xf32, #tpu.memory_space<vmem_shared>>)
      tpu.yield
    }) : () -> ()
    %add3A_20 = arith.constant 400 : i32
    %add3A_21 = arith.addi %mul3A_9, %add3A_20 : i32
    "tpu.region"() ({
      %run_scoped3A = tpu.sem_alloc : memref<!tpu.dma_semaphore, #tpu.memory_space<semaphore_mem>>
      %dma_start3A = arith.constant 0 : i32
      %dma_start3A_43 = tpu.memref_slice %arg9[%add3A_21, %dma_start3A] : memref<10000x128xf32, #tpu.memory_space<vmem_shared>> -> memref<80x128xf32, #tpu.memory_space<vmem_shared>>
      %dma_start3A_44 = arith.constant 0 : i32
      %dma_start3A_45 = tpu.memref_slice %arg9[%add3A_21, %dma_start3A_44] : memref<10000x128xf32, #tpu.memory_space<vmem_shared>> -> memref<80x128xf32, #tpu.memory_space<vmem_shared>>
      tpu.enqueue_dma source(%arg8 : memref<80x128xf32, #tpu.memory_space<vmem>>) target(%dma_start3A_45 : memref<80x128xf32, #tpu.memory_space<vmem_shared>>) target_semaphore(%run_scoped3A : memref<!tpu.dma_semaphore, #tpu.memory_space<semaphore_mem>>)
      %dma_wait3A = arith.constant 0 : i32
      %dma_wait3A_46 = tpu.memref_slice %arg9[%add3A_21, %dma_wait3A] : memref<10000x128xf32, #tpu.memory_space<vmem_shared>> -> memref<80x128xf32, #tpu.memory_space<vmem_shared>>
      %dma_wait3A_47 = arith.constant 0 : i32
      %dma_wait3A_48 = tpu.memref_slice %arg9[%add3A_21, %dma_wait3A_47] : memref<10000x128xf32, #tpu.memory_space<vmem_shared>> -> memref<80x128xf32, #tpu.memory_space<vmem_shared>>
      tpu.wait_dma2 semaphore(%run_scoped3A : memref<!tpu.dma_semaphore, #tpu.memory_space<semaphore_mem>>) src(%arg8 : memref<80x128xf32, #tpu.memory_space<vmem>>) dst(%dma_wait3A_48 : memref<80x128xf32, #tpu.memory_space<vmem_shared>>)
      tpu.yield
    }) : () -> ()
    %add3A_22 = arith.constant 480 : i32
    %add3A_23 = arith.addi %mul3A_9, %add3A_22 : i32
    "tpu.region"() ({
      %run_scoped3A = tpu.sem_alloc : memref<!tpu.dma_semaphore, #tpu.memory_space<semaphore_mem>>
      %dma_start3A = arith.constant 0 : i32
      %dma_start3A_43 = tpu.memref_slice %arg9[%add3A_23, %dma_start3A] : memref<10000x128xf32, #tpu.memory_space<vmem_shared>> -> memref<80x128xf32, #tpu.memory_space<vmem_shared>>
      %dma_start3A_44 = arith.constant 0 : i32
      %dma_start3A_45 = tpu.memref_slice %arg9[%add3A_23, %dma_start3A_44] : memref<10000x128xf32, #tpu.memory_space<vmem_shared>> -> memref<80x128xf32, #tpu.memory_space<vmem_shared>>
      tpu.enqueue_dma source(%arg8 : memref<80x128xf32, #tpu.memory_space<vmem>>) target(%dma_start3A_45 : memref<80x128xf32, #tpu.memory_space<vmem_shared>>) target_semaphore(%run_scoped3A : memref<!tpu.dma_semaphore, #tpu.memory_space<semaphore_mem>>)
      %dma_wait3A = arith.constant 0 : i32
      %dma_wait3A_46 = tpu.memref_slice %arg9[%add3A_23, %dma_wait3A] : memref<10000x128xf32, #tpu.memory_space<vmem_shared>> -> memref<80x128xf32, #tpu.memory_space<vmem_shared>>
      %dma_wait3A_47 = arith.constant 0 : i32
      %dma_wait3A_48 = tpu.memref_slice %arg9[%add3A_23, %dma_wait3A_47] : memref<10000x128xf32, #tpu.memory_space<vmem_shared>> -> memref<80x128xf32, #tpu.memory_space<vmem_shared>>
      tpu.wait_dma2 semaphore(%run_scoped3A : memref<!tpu.dma_semaphore, #tpu.memory_space<semaphore_mem>>) src(%arg8 : memref<80x128xf32, #tpu.memory_space<vmem>>) dst(%dma_wait3A_48 : memref<80x128xf32, #tpu.memory_space<vmem_shared>>)
      tpu.yield
    }) : () -> ()
    %add3A_24 = arith.constant 560 : i32
    %add3A_25 = arith.addi %mul3A_9, %add3A_24 : i32
    "tpu.region"() ({
      %run_scoped3A = tpu.sem_alloc : memref<!tpu.dma_semaphore, #tpu.memory_space<semaphore_mem>>
      %dma_start3A = arith.constant 0 : i32
      %dma_start3A_43 = arith.constant 0 : i32
      %dma_start3A_44 = tpu.memref_slice %arg8[%dma_start3A, %dma_start3A_43] : memref<80x128xf32, #tpu.memory_space<vmem>> -> memref<64x128xf32, #tpu.memory_space<vmem>>
      %dma_start3A_45 = arith.constant 0 : i32
      %dma_start3A_46 = tpu.memref_slice %arg9[%add3A_25, %dma_start3A_45] : memref<10000x128xf32, #tpu.memory_space<vmem_shared>> -> memref<64x128xf32, #tpu.memory_space<vmem_shared>>
      %dma_start3A_47 = arith.constant 0 : i32
      %dma_start3A_48 = tpu.memref_slice %arg9[%add3A_25, %dma_start3A_47] : memref<10000x128xf32, #tpu.memory_space<vmem_shared>> -> memref<64x128xf32, #tpu.memory_space<vmem_shared>>
      %dma_start3A_49 = arith.constant 0 : i32
      %dma_start3A_50 = arith.constant 0 : i32
      %dma_start3A_51 = tpu.memref_slice %arg8[%dma_start3A_49, %dma_start3A_50] : memref<80x128xf32, #tpu.memory_space<vmem>> -> memref<64x128xf32, #tpu.memory_space<vmem>>
      tpu.enqueue_dma source(%dma_start3A_51 : memref<64x128xf32, #tpu.memory_space<vmem>>) target(%dma_start3A_48 : memref<64x128xf32, #tpu.memory_space<vmem_shared>>) target_semaphore(%run_scoped3A : memref<!tpu.dma_semaphore, #tpu.memory_space<semaphore_mem>>)
      %dma_wait3A = arith.constant 0 : i32
      %dma_wait3A_52 = arith.constant 0 : i32
      %dma_wait3A_53 = tpu.memref_slice %arg8[%dma_wait3A, %dma_wait3A_52] : memref<80x128xf32, #tpu.memory_space<vmem>> -> memref<64x128xf32, #tpu.memory_space<vmem>>
      %dma_wait3A_54 = arith.constant 0 : i32
      %dma_wait3A_55 = tpu.memref_slice %arg9[%add3A_25, %dma_wait3A_54] : memref<10000x128xf32, #tpu.memory_space<vmem_shared>> -> memref<64x128xf32, #tpu.memory_space<vmem_shared>>
      %dma_wait3A_56 = arith.constant 0 : i32
      %dma_wait3A_57 = tpu.memref_slice %arg9[%add3A_25, %dma_wait3A_56] : memref<10000x128xf32, #tpu.memory_space<vmem_shared>> -> memref<64x128xf32, #tpu.memory_space<vmem_shared>>
      %dma_wait3A_58 = arith.constant 0 : i32
      %dma_wait3A_59 = arith.constant 0 : i32
      %dma_wait3A_60 = tpu.memref_slice %arg8[%dma_wait3A_58, %dma_wait3A_59] : memref<80x128xf32, #tpu.memory_space<vmem>> -> memref<64x128xf32, #tpu.memory_space<vmem>>
      tpu.wait_dma2 semaphore(%run_scoped3A : memref<!tpu.dma_semaphore, #tpu.memory_space<semaphore_mem>>) src(%dma_wait3A_60 : memref<64x128xf32, #tpu.memory_space<vmem>>) dst(%dma_wait3A_57 : memref<64x128xf32, #tpu.memory_space<vmem_shared>>)
      tpu.yield
    }) : () -> ()
    %eq3A = arith.constant 15 : i32
    %eq3A_26 = arith.cmpi eq, %arg1, %eq3A : i32
    %convert_element_type3A = arith.extui %eq3A_26 : i1 to i32
    %cond3A = arith.constant 0 : i32
    %cond3A_27 = arith.cmpi ne, %convert_element_type3A, %cond3A : i32
    scf.if %cond3A_27 {
      "tpu.region"() ({
        %run_scoped3A = tpu.sem_alloc : memref<!tpu.dma_semaphore, #tpu.memory_space<semaphore_mem>>
        %dma_start3A = arith.constant 0 : i32
        %dma_start3A_43 = arith.constant 0 : i32
        %dma_start3A_44 = tpu.memref_slice %arg8[%dma_start3A, %dma_start3A_43] : memref<80x128xf32, #tpu.memory_space<vmem>> -> memref<16x128xf32, #tpu.memory_space<vmem>>
        %dma_start3A_45 = arith.constant 9984 : i32
        %dma_start3A_46 = arith.constant 0 : i32
        %dma_start3A_47 = tpu.memref_slice %arg9[%dma_start3A_45, %dma_start3A_46] : memref<10000x128xf32, #tpu.memory_space<vmem_shared>> -> memref<16x128xf32, #tpu.memory_space<vmem_shared>>
        %dma_start3A_48 = arith.constant 9984 : i32
        %dma_start3A_49 = arith.constant 0 : i32
        %dma_start3A_50 = tpu.memref_slice %arg9[%dma_start3A_48, %dma_start3A_49] : memref<10000x128xf32, #tpu.memory_space<vmem_shared>> -> memref<16x128xf32, #tpu.memory_space<vmem_shared>>
        %dma_start3A_51 = arith.constant 0 : i32
        %dma_start3A_52 = arith.constant 0 : i32
        %dma_start3A_53 = tpu.memref_slice %arg8[%dma_start3A_51, %dma_start3A_52] : memref<80x128xf32, #tpu.memory_space<vmem>> -> memref<16x128xf32, #tpu.memory_space<vmem>>
        tpu.enqueue_dma source(%dma_start3A_53 : memref<16x128xf32, #tpu.memory_space<vmem>>) target(%dma_start3A_50 : memref<16x128xf32, #tpu.memory_space<vmem_shared>>) target_semaphore(%run_scoped3A : memref<!tpu.dma_semaphore, #tpu.memory_space<semaphore_mem>>)
        %dma_wait3A = arith.constant 0 : i32
        %dma_wait3A_54 = arith.constant 0 : i32
        %dma_wait3A_55 = tpu.memref_slice %arg8[%dma_wait3A, %dma_wait3A_54] : memref<80x128xf32, #tpu.memory_space<vmem>> -> memref<16x128xf32, #tpu.memory_space<vmem>>
        %dma_wait3A_56 = arith.constant 9984 : i32
        %dma_wait3A_57 = arith.constant 0 : i32
        %dma_wait3A_58 = tpu.memref_slice %arg9[%dma_wait3A_56, %dma_wait3A_57] : memref<10000x128xf32, #tpu.memory_space<vmem_shared>> -> memref<16x128xf32, #tpu.memory_space<vmem_shared>>
        %dma_wait3A_59 = arith.constant 9984 : i32
        %dma_wait3A_60 = arith.constant 0 : i32
        %dma_wait3A_61 = tpu.memref_slice %arg9[%dma_wait3A_59, %dma_wait3A_60] : memref<10000x128xf32, #tpu.memory_space<vmem_shared>> -> memref<16x128xf32, #tpu.memory_space<vmem_shared>>
        %dma_wait3A_62 = arith.constant 0 : i32
        %dma_wait3A_63 = arith.constant 0 : i32
        %dma_wait3A_64 = tpu.memref_slice %arg8[%dma_wait3A_62, %dma_wait3A_63] : memref<80x128xf32, #tpu.memory_space<vmem>> -> memref<16x128xf32, #tpu.memory_space<vmem>>
        tpu.wait_dma2 semaphore(%run_scoped3A : memref<!tpu.dma_semaphore, #tpu.memory_space<semaphore_mem>>) src(%dma_wait3A_64 : memref<16x128xf32, #tpu.memory_space<vmem>>) dst(%dma_wait3A_61 : memref<16x128xf32, #tpu.memory_space<vmem_shared>>)
        tpu.yield
      }) : () -> ()
    } else {
    }
    %barrier3A = arith.constant 0 : index
    tpu.barrier barrier_id(%barrier3A)
    "tpu.region"() ({
      %run_scoped3A = tpu.sem_alloc : memref<!tpu.dma_semaphore, #tpu.memory_space<semaphore_mem>>
      %dma_start3A = arith.constant 0 : i32
      %dma_start3A_43 = tpu.memref_slice %arg4[%add3A, %dma_start3A] : memref<32x10000xf32, #tpu.memory_space<hbm>> -> memref<1x10000xf32, #tpu.memory_space<hbm>>
      %dma_start3A_44 = tpu.memref_squeeze %dma_start3A_43 : memref<1x10000xf32, #tpu.memory_space<hbm>> -> memref<10000xf32, #tpu.memory_space<hbm>>
      %dma_start3A_45 = arith.constant 0 : i32
      %dma_start3A_46 = tpu.memref_slice %arg4[%add3A, %dma_start3A_45] : memref<32x10000xf32, #tpu.memory_space<hbm>> -> memref<1x10000xf32, #tpu.memory_space<hbm>>
      %dma_start3A_47 = tpu.memref_squeeze %dma_start3A_46 : memref<1x10000xf32, #tpu.memory_space<hbm>> -> memref<10000xf32, #tpu.memory_space<hbm>>
      tpu.enqueue_dma source(%dma_start3A_47 : memref<10000xf32, #tpu.memory_space<hbm>>) target(%arg7 : memref<10000xf32, #tpu.memory_space<vmem>>) target_semaphore(%run_scoped3A : memref<!tpu.dma_semaphore, #tpu.memory_space<semaphore_mem>>)
      %dma_wait3A = arith.constant 0 : i32
      %dma_wait3A_48 = tpu.memref_slice %arg4[%add3A, %dma_wait3A] : memref<32x10000xf32, #tpu.memory_space<hbm>> -> memref<1x10000xf32, #tpu.memory_space<hbm>>
      %dma_wait3A_49 = tpu.memref_squeeze %dma_wait3A_48 : memref<1x10000xf32, #tpu.memory_space<hbm>> -> memref<10000xf32, #tpu.memory_space<hbm>>
      %dma_wait3A_50 = arith.constant 0 : i32
      %dma_wait3A_51 = tpu.memref_slice %arg4[%add3A, %dma_wait3A_50] : memref<32x10000xf32, #tpu.memory_space<hbm>> -> memref<1x10000xf32, #tpu.memory_space<hbm>>
      %dma_wait3A_52 = tpu.memref_squeeze %dma_wait3A_51 : memref<1x10000xf32, #tpu.memory_space<hbm>> -> memref<10000xf32, #tpu.memory_space<hbm>>
      tpu.wait_dma2 semaphore(%run_scoped3A : memref<!tpu.dma_semaphore, #tpu.memory_space<semaphore_mem>>) src(%dma_wait3A_52 : memref<10000xf32, #tpu.memory_space<hbm>>) dst(%arg7 : memref<10000xf32, #tpu.memory_space<vmem>>)
      tpu.yield
    }) : () -> ()
    %scan3A_28 = arith.constant 0 : i32
    %scan3A_29 = arith.constant 0 : i32
    %scan3A_30 = arith.constant 125 : i32
    %scan3A_31 = arith.addi %scan3A_29, %scan3A_30 : i32
    %scan3A_32 = arith.constant 1 : i32
    %scan3A_33 = scf.for %scan3A_43 = %scan3A_29 to %scan3A_31 step %scan3A_32 iter_args(%scan3A_44 = %scan3A_28) -> (i32)  : i32 {
      "tpu.region"() ({
        %run_scoped3A_65 = tpu.sem_alloc : memref<!tpu.dma_semaphore, #tpu.memory_space<semaphore_mem>>
        %dma_start3A_66 = arith.constant 0 : i32
        %dma_start3A_67 = arith.constant 0 : i32
        %dma_start3A_68 = tpu.memref_slice %arg3[%add3A, %scan3A_43, %dma_start3A_66, %dma_start3A_67] : memref<32x125x2x80xi32, #tpu.memory_space<hbm>> -> memref<1x1x2x80xi32, #tpu.memory_space<hbm>>
        %dma_start3A_69 = tpu.memref_squeeze %dma_start3A_68 : memref<1x1x2x80xi32, #tpu.memory_space<hbm>> -> memref<2x80xi32, #tpu.memory_space<hbm>>
        %dma_start3A_70 = arith.constant 0 : i32
        %dma_start3A_71 = arith.constant 0 : i32
        %dma_start3A_72 = tpu.memref_slice %arg3[%add3A, %scan3A_43, %dma_start3A_70, %dma_start3A_71] : memref<32x125x2x80xi32, #tpu.memory_space<hbm>> -> memref<1x1x2x80xi32, #tpu.memory_space<hbm>>
        %dma_start3A_73 = tpu.memref_squeeze %dma_start3A_72 : memref<1x1x2x80xi32, #tpu.memory_space<hbm>> -> memref<2x80xi32, #tpu.memory_space<hbm>>
        tpu.enqueue_dma source(%dma_start3A_73 : memref<2x80xi32, #tpu.memory_space<hbm>>) target(%arg6 : memref<2x80xi32, #tpu.memory_space<vmem>>) target_semaphore(%run_scoped3A_65 : memref<!tpu.dma_semaphore, #tpu.memory_space<semaphore_mem>>)
        %dma_wait3A_74 = arith.constant 0 : i32
        %dma_wait3A_75 = arith.constant 0 : i32
        %dma_wait3A_76 = tpu.memref_slice %arg3[%add3A, %scan3A_43, %dma_wait3A_74, %dma_wait3A_75] : memref<32x125x2x80xi32, #tpu.memory_space<hbm>> -> memref<1x1x2x80xi32, #tpu.memory_space<hbm>>
        %dma_wait3A_77 = tpu.memref_squeeze %dma_wait3A_76 : memref<1x1x2x80xi32, #tpu.memory_space<hbm>> -> memref<2x80xi32, #tpu.memory_space<hbm>>
        %dma_wait3A_78 = arith.constant 0 : i32
        %dma_wait3A_79 = arith.constant 0 : i32
        %dma_wait3A_80 = tpu.memref_slice %arg3[%add3A, %scan3A_43, %dma_wait3A_78, %dma_wait3A_79] : memref<32x125x2x80xi32, #tpu.memory_space<hbm>> -> memref<1x1x2x80xi32, #tpu.memory_space<hbm>>
        %dma_wait3A_81 = tpu.memref_squeeze %dma_wait3A_80 : memref<1x1x2x80xi32, #tpu.memory_space<hbm>> -> memref<2x80xi32, #tpu.memory_space<hbm>>
        tpu.wait_dma2 semaphore(%run_scoped3A_65 : memref<!tpu.dma_semaphore, #tpu.memory_space<semaphore_mem>>) src(%dma_wait3A_81 : memref<2x80xi32, #tpu.memory_space<hbm>>) dst(%arg6 : memref<2x80xi32, #tpu.memory_space<vmem>>)
        tpu.yield
      }) : () -> ()
      %dma_start3A = arith.constant 0 : i32
      %dma_start3A_45 = arith.constant 0 : i32
      %dma_start3A_46 = tpu.memref_slice %arg6[%dma_start3A, %dma_start3A_45] : memref<2x80xi32, #tpu.memory_space<vmem>> -> memref<1x80xi32, #tpu.memory_space<vmem>>
      %dma_start3A_47 = tpu.memref_squeeze %dma_start3A_46 : memref<1x80xi32, #tpu.memory_space<vmem>> -> memref<80xi32, #tpu.memory_space<vmem>>
      %dma_start3A_48 = arith.constant 0 : i32
      %dma_start3A_49 = arith.constant 0 : i32
      %dma_start3A_50 = tpu.memref_slice %arg2[%dma_start3A_48, %dma_start3A_49] : memref<10000x128xf32, #tpu.memory_space<hbm>> -> memref<10000x128xf32, #tpu.memory_space<hbm>>
      tpu.enqueue_indirect_dma source(%dma_start3A_50 : memref<10000x128xf32, #tpu.memory_space<hbm>>) target(%arg8 : memref<80x128xf32, #tpu.memory_space<vmem>>) offsets(%dma_start3A_47 : memref<80xi32, #tpu.memory_space<vmem>>) semaphore(%arg10 : memref<!tpu.dma_semaphore, #tpu.memory_space<semaphore_mem>>)
      %dma_wait3A = arith.constant 0 : i32
      %dma_wait3A_51 = arith.constant 0 : i32
      %dma_wait3A_52 = tpu.memref_slice %arg6[%dma_wait3A, %dma_wait3A_51] : memref<2x80xi32, #tpu.memory_space<vmem>> -> memref<1x80xi32, #tpu.memory_space<vmem>>
      %dma_wait3A_53 = tpu.memref_squeeze %dma_wait3A_52 : memref<1x80xi32, #tpu.memory_space<vmem>> -> memref<80xi32, #tpu.memory_space<vmem>>
      %dma_wait3A_54 = arith.constant 0 : i32
      %dma_wait3A_55 = arith.constant 0 : i32
      %dma_wait3A_56 = tpu.memref_slice %arg2[%dma_wait3A_54, %dma_wait3A_55] : memref<10000x128xf32, #tpu.memory_space<hbm>> -> memref<10000x128xf32, #tpu.memory_space<hbm>>
      tpu.wait_indirect_dma semaphore(%arg10 : memref<!tpu.dma_semaphore, #tpu.memory_space<semaphore_mem>>) src(%dma_wait3A_56 : memref<10000x128xf32, #tpu.memory_space<hbm>>) dst(%arg8 : memref<80x128xf32, #tpu.memory_space<vmem>>)
      %scan3A_57 = arith.constant 0 : i32
      %scan3A_58 = arith.constant 0 : i32
      %scan3A_59 = arith.constant 80 : i32
      %scan3A_60 = arith.addi %scan3A_58, %scan3A_59 : i32
      %scan3A_61 = arith.constant 1 : i32
      %scan3A_62 = scf.for %scan3A_65 = %scan3A_58 to %scan3A_60 step %scan3A_61 iter_args(%scan3A_66 = %scan3A_57) -> (i32)  : i32 {
        %mul3A_67 = arith.constant 80 : i32
        %mul3A_68 = arith.muli %scan3A_43, %mul3A_67 : i32
        %add3A_69 = arith.addi %mul3A_68, %scan3A_65 : i32
        %broadcast_in_dim3A_70 = vector.broadcast %add3A_69 : i32 to vector<16xi32>
        %gather3A = tpu.vector_load_idx %arg7[%broadcast_in_dim3A_70] : memref<10000xf32, #tpu.memory_space<vmem>>[vector<16xi32>], vector<16xf32>,
        %get3A = arith.index_cast %scan3A_65 : i32 to index
        %get3A_71 = arith.constant 0 : index
        %get3A_72 = tpu.vector_load %arg8[%get3A, %get3A_71] {strides = array<i32>} : memref<80x128xf32, #tpu.memory_space<vmem>>, vector<16xf32>,
        %mul3A_73 = arith.mulf %get3A_72, %gather3A : vector<16xf32>
        %swap3A = arith.index_cast %scan3A_65 : i32 to index
        %swap3A_74 = arith.constant 0 : index
        %swap3A_75 = tpu.vector_load %arg8[%swap3A, %swap3A_74] {strides = array<i32>} : memref<80x128xf32, #tpu.memory_space<vmem>>, vector<16xf32>,
        tpu.vector_store %arg8[%swap3A, %swap3A_74], %mul3A_73 {strides = array<i32>} : memref<80x128xf32, #tpu.memory_space<vmem>>, vector<16xf32>,
        %get3A_76 = arith.index_cast %scan3A_65 : i32 to index
        %get3A_77 = arith.constant 16 : index
        %get3A_78 = tpu.vector_load %arg8[%get3A_76, %get3A_77] {strides = array<i32>} : memref<80x128xf32, #tpu.memory_space<vmem>>, vector<16xf32>,
        %mul3A_79 = arith.mulf %get3A_78, %gather3A : vector<16xf32>
        %swap3A_80 = arith.index_cast %scan3A_65 : i32 to index
        %swap3A_81 = arith.constant 16 : index
        %swap3A_82 = tpu.vector_load %arg8[%swap3A_80, %swap3A_81] {strides = array<i32>} : memref<80x128xf32, #tpu.memory_space<vmem>>, vector<16xf32>,
        tpu.vector_store %arg8[%swap3A_80, %swap3A_81], %mul3A_79 {strides = array<i32>} : memref<80x128xf32, #tpu.memory_space<vmem>>, vector<16xf32>,
        %get3A_83 = arith.index_cast %scan3A_65 : i32 to index
        %get3A_84 = arith.constant 32 : index
        %get3A_85 = tpu.vector_load %arg8[%get3A_83, %get3A_84] {strides = array<i32>} : memref<80x128xf32, #tpu.memory_space<vmem>>, vector<16xf32>,
        %mul3A_86 = arith.mulf %get3A_85, %gather3A : vector<16xf32>
        %swap3A_87 = arith.index_cast %scan3A_65 : i32 to index
        %swap3A_88 = arith.constant 32 : index
        %swap3A_89 = tpu.vector_load %arg8[%swap3A_87, %swap3A_88] {strides = array<i32>} : memref<80x128xf32, #tpu.memory_space<vmem>>, vector<16xf32>,
        tpu.vector_store %arg8[%swap3A_87, %swap3A_88], %mul3A_86 {strides = array<i32>} : memref<80x128xf32, #tpu.memory_space<vmem>>, vector<16xf32>,
        %get3A_90 = arith.index_cast %scan3A_65 : i32 to index
        %get3A_91 = arith.constant 48 : index
        %get3A_92 = tpu.vector_load %arg8[%get3A_90, %get3A_91] {strides = array<i32>} : memref<80x128xf32, #tpu.memory_space<vmem>>, vector<16xf32>,
        %mul3A_93 = arith.mulf %get3A_92, %gather3A : vector<16xf32>
        %swap3A_94 = arith.index_cast %scan3A_65 : i32 to index
        %swap3A_95 = arith.constant 48 : index
        %swap3A_96 = tpu.vector_load %arg8[%swap3A_94, %swap3A_95] {strides = array<i32>} : memref<80x128xf32, #tpu.memory_space<vmem>>, vector<16xf32>,
        tpu.vector_store %arg8[%swap3A_94, %swap3A_95], %mul3A_93 {strides = array<i32>} : memref<80x128xf32, #tpu.memory_space<vmem>>, vector<16xf32>,
        %get3A_97 = arith.index_cast %scan3A_65 : i32 to index
        %get3A_98 = arith.constant 64 : index
        %get3A_99 = tpu.vector_load %arg8[%get3A_97, %get3A_98] {strides = array<i32>} : memref<80x128xf32, #tpu.memory_space<vmem>>, vector<16xf32>,
        %mul3A_100 = arith.mulf %get3A_99, %gather3A : vector<16xf32>
        %swap3A_101 = arith.index_cast %scan3A_65 : i32 to index
        %swap3A_102 = arith.constant 64 : index
        %swap3A_103 = tpu.vector_load %arg8[%swap3A_101, %swap3A_102] {strides = array<i32>} : memref<80x128xf32, #tpu.memory_space<vmem>>, vector<16xf32>,
        tpu.vector_store %arg8[%swap3A_101, %swap3A_102], %mul3A_100 {strides = array<i32>} : memref<80x128xf32, #tpu.memory_space<vmem>>, vector<16xf32>,
        %get3A_104 = arith.index_cast %scan3A_65 : i32 to index
        %get3A_105 = arith.constant 80 : index
        %get3A_106 = tpu.vector_load %arg8[%get3A_104, %get3A_105] {strides = array<i32>} : memref<80x128xf32, #tpu.memory_space<vmem>>, vector<16xf32>,
        %mul3A_107 = arith.mulf %get3A_106, %gather3A : vector<16xf32>
        %swap3A_108 = arith.index_cast %scan3A_65 : i32 to index
        %swap3A_109 = arith.constant 80 : index
        %swap3A_110 = tpu.vector_load %arg8[%swap3A_108, %swap3A_109] {strides = array<i32>} : memref<80x128xf32, #tpu.memory_space<vmem>>, vector<16xf32>,
        tpu.vector_store %arg8[%swap3A_108, %swap3A_109], %mul3A_107 {strides = array<i32>} : memref<80x128xf32, #tpu.memory_space<vmem>>, vector<16xf32>,
        %get3A_111 = arith.index_cast %scan3A_65 : i32 to index
        %get3A_112 = arith.constant 96 : index
        %get3A_113 = tpu.vector_load %arg8[%get3A_111, %get3A_112] {strides = array<i32>} : memref<80x128xf32, #tpu.memory_space<vmem>>, vector<16xf32>,
        %mul3A_114 = arith.mulf %get3A_113, %gather3A : vector<16xf32>
        %swap3A_115 = arith.index_cast %scan3A_65 : i32 to index
        %swap3A_116 = arith.constant 96 : index
        %swap3A_117 = tpu.vector_load %arg8[%swap3A_115, %swap3A_116] {strides = array<i32>} : memref<80x128xf32, #tpu.memory_space<vmem>>, vector<16xf32>,
        tpu.vector_store %arg8[%swap3A_115, %swap3A_116], %mul3A_114 {strides = array<i32>} : memref<80x128xf32, #tpu.memory_space<vmem>>, vector<16xf32>,
        %get3A_118 = arith.index_cast %scan3A_65 : i32 to index
        %get3A_119 = arith.constant 112 : index
        %get3A_120 = tpu.vector_load %arg8[%get3A_118, %get3A_119] {strides = array<i32>} : memref<80x128xf32, #tpu.memory_space<vmem>>, vector<16xf32>,
        %mul3A_121 = arith.mulf %get3A_120, %gather3A : vector<16xf32>
        %swap3A_122 = arith.index_cast %scan3A_65 : i32 to index
        %swap3A_123 = arith.constant 112 : index
        %swap3A_124 = tpu.vector_load %arg8[%swap3A_122, %swap3A_123] {strides = array<i32>} : memref<80x128xf32, #tpu.memory_space<vmem>>, vector<16xf32>,
        tpu.vector_store %arg8[%swap3A_122, %swap3A_123], %mul3A_121 {strides = array<i32>} : memref<80x128xf32, #tpu.memory_space<vmem>>, vector<16xf32>,
        %scan3A_125 = arith.constant 0 : i32
        scf.yield %scan3A_125 : i32
      }
      %scan3A_63 = arith.constant 80 : i32
      %run_scoped3A = arith.constant 1 : i32
      "tpu.region"() ({
        %run_scoped3A_65 = tpu.sem_alloc : memref<!tpu.dma_semaphore, #tpu.memory_space<semaphore_mem>>
        %dma_start3A_66 = arith.constant 0 : i32
        %dma_start3A_67 = tpu.memref_slice %arg6[%run_scoped3A, %dma_start3A_66] : memref<2x80xi32, #tpu.memory_space<vmem>> -> memref<1x80xi32, #tpu.memory_space<vmem>>
        %dma_start3A_68 = tpu.memref_squeeze %dma_start3A_67 : memref<1x80xi32, #tpu.memory_space<vmem>> -> memref<80xi32, #tpu.memory_space<vmem>>
        %dma_start3A_69 = arith.constant 0 : i32
        %dma_start3A_70 = arith.constant 0 : i32
        %dma_start3A_71 = tpu.memref_slice %arg9[%dma_start3A_69, %dma_start3A_70] : memref<10000x128xf32, #tpu.memory_space<vmem_shared>> -> memref<10000x128xf32, #tpu.memory_space<vmem_shared>>
        tpu.enqueue_indirect_dma source(%arg8 : memref<80x128xf32, #tpu.memory_space<vmem>>) target(%dma_start3A_71 : memref<10000x128xf32, #tpu.memory_space<vmem_shared>>) offsets(%dma_start3A_68 : memref<80xi32, #tpu.memory_space<vmem>>) semaphore(%run_scoped3A_65 : memref<!tpu.dma_semaphore, #tpu.memory_space<semaphore_mem>>) {add = true}
        %dma_wait3A_72 = arith.constant 0 : i32
        %dma_wait3A_73 = tpu.memref_slice %arg6[%run_scoped3A, %dma_wait3A_72] : memref<2x80xi32, #tpu.memory_space<vmem>> -> memref<1x80xi32, #tpu.memory_space<vmem>>
        %dma_wait3A_74 = tpu.memref_squeeze %dma_wait3A_73 : memref<1x80xi32, #tpu.memory_space<vmem>> -> memref<80xi32, #tpu.memory_space<vmem>>
        %dma_wait3A_75 = arith.constant 0 : i32
        %dma_wait3A_76 = arith.constant 0 : i32
        %dma_wait3A_77 = tpu.memref_slice %arg9[%dma_wait3A_75, %dma_wait3A_76] : memref<10000x128xf32, #tpu.memory_space<vmem_shared>> -> memref<10000x128xf32, #tpu.memory_space<vmem_shared>>
        tpu.wait_indirect_dma semaphore(%run_scoped3A_65 : memref<!tpu.dma_semaphore, #tpu.memory_space<semaphore_mem>>) src(%arg8 : memref<80x128xf32, #tpu.memory_space<vmem>>) dst(%dma_wait3A_77 : memref<10000x128xf32, #tpu.memory_space<vmem_shared>>)
        tpu.yield
      }) : () -> ()
      %scan3A_64 = arith.constant 0 : i32
      scf.yield %scan3A_64 : i32
    }
    %scan3A_34 = arith.constant 125 : i32
    %barrier3A_35 = arith.constant 0 : index
    tpu.barrier barrier_id(%barrier3A_35)
    %mul3A_36 = arith.constant 624 : i32
    %mul3A_37 = arith.muli %arg1, %mul3A_36 : i32
    "tpu.region"() ({
      %run_scoped3A = tpu.sem_alloc : memref<!tpu.dma_semaphore, #tpu.memory_space<semaphore_mem>>
      %dma_start3A = arith.constant 0 : i32
      %dma_start3A_43 = tpu.memref_slice %arg5[%arg0, %mul3A_37, %dma_start3A] : memref<2x10000x128xf32, #tpu.memory_space<hbm>> -> memref<1x624x128xf32, #tpu.memory_space<hbm>>
      %dma_start3A_44 = tpu.memref_squeeze %dma_start3A_43 : memref<1x624x128xf32, #tpu.memory_space<hbm>> -> memref<624x128xf32, #tpu.memory_space<hbm>>
      %dma_start3A_45 = arith.constant 0 : i32
      %dma_start3A_46 = tpu.memref_slice %arg9[%mul3A_37, %dma_start3A_45] : memref<10000x128xf32, #tpu.memory_space<vmem_shared>> -> memref<624x128xf32, #tpu.memory_space<vmem_shared>>
      tpu.enqueue_dma source(%dma_start3A_46 : memref<624x128xf32, #tpu.memory_space<vmem_shared>>) target(%dma_start3A_44 : memref<624x128xf32, #tpu.memory_space<hbm>>) target_semaphore(%run_scoped3A : memref<!tpu.dma_semaphore, #tpu.memory_space<semaphore_mem>>)
      %dma_wait3A = arith.constant 0 : i32
      %dma_wait3A_47 = tpu.memref_slice %arg5[%arg0, %mul3A_37, %dma_wait3A] : memref<2x10000x128xf32, #tpu.memory_space<hbm>> -> memref<1x624x128xf32, #tpu.memory_space<hbm>>
      %dma_wait3A_48 = tpu.memref_squeeze %dma_wait3A_47 : memref<1x624x128xf32, #tpu.memory_space<hbm>> -> memref<624x128xf32, #tpu.memory_space<hbm>>
      %dma_wait3A_49 = arith.constant 0 : i32
      %dma_wait3A_50 = tpu.memref_slice %arg9[%mul3A_37, %dma_wait3A_49] : memref<10000x128xf32, #tpu.memory_space<vmem_shared>> -> memref<624x128xf32, #tpu.memory_space<vmem_shared>>
      tpu.wait_dma2 semaphore(%run_scoped3A : memref<!tpu.dma_semaphore, #tpu.memory_space<semaphore_mem>>) src(%dma_wait3A_50 : memref<624x128xf32, #tpu.memory_space<vmem_shared>>) dst(%dma_wait3A_48 : memref<624x128xf32, #tpu.memory_space<hbm>>)
      tpu.yield
    }) : () -> ()
    %eq3A_38 = arith.constant 15 : i32
    %eq3A_39 = arith.cmpi eq, %arg1, %eq3A_38 : i32
    %convert_element_type3A_40 = arith.extui %eq3A_39 : i1 to i32
    %cond3A_41 = arith.constant 0 : i32
    %cond3A_42 = arith.cmpi ne, %convert_element_type3A_40, %cond3A_41 : i32
    scf.if %cond3A_42 {
      "tpu.region"() ({
        %run_scoped3A = tpu.sem_alloc : memref<!tpu.dma_semaphore, #tpu.memory_space<semaphore_mem>>
        %dma_start3A = arith.constant 9984 : i32
        %dma_start3A_43 = arith.constant 0 : i32
        %dma_start3A_44 = tpu.memref_slice %arg5[%arg0, %dma_start3A, %dma_start3A_43] : memref<2x10000x128xf32, #tpu.memory_space<hbm>> -> memref<1x16x128xf32, #tpu.memory_space<hbm>>
        %dma_start3A_45 = tpu.memref_squeeze %dma_start3A_44 : memref<1x16x128xf32, #tpu.memory_space<hbm>> -> memref<16x128xf32, #tpu.memory_space<hbm>>
        %dma_start3A_46 = arith.constant 9984 : i32
        %dma_start3A_47 = arith.constant 0 : i32
        %dma_start3A_48 = tpu.memref_slice %arg9[%dma_start3A_46, %dma_start3A_47] : memref<10000x128xf32, #tpu.memory_space<vmem_shared>> -> memref<16x128xf32, #tpu.memory_space<vmem_shared>>
        tpu.enqueue_dma source(%dma_start3A_48 : memref<16x128xf32, #tpu.memory_space<vmem_shared>>) target(%dma_start3A_45 : memref<16x128xf32, #tpu.memory_space<hbm>>) target_semaphore(%run_scoped3A : memref<!tpu.dma_semaphore, #tpu.memory_space<semaphore_mem>>)
        %dma_wait3A = arith.constant 9984 : i32
        %dma_wait3A_49 = arith.constant 0 : i32
        %dma_wait3A_50 = tpu.memref_slice %arg5[%arg0, %dma_wait3A, %dma_wait3A_49] : memref<2x10000x128xf32, #tpu.memory_space<hbm>> -> memref<1x16x128xf32, #tpu.memory_space<hbm>>
        %dma_wait3A_51 = tpu.memref_squeeze %dma_wait3A_50 : memref<1x16x128xf32, #tpu.memory_space<hbm>> -> memref<16x128xf32, #tpu.memory_space<hbm>>
        %dma_wait3A_52 = arith.constant 9984 : i32
        %dma_wait3A_53 = arith.constant 0 : i32
        %dma_wait3A_54 = tpu.memref_slice %arg9[%dma_wait3A_52, %dma_wait3A_53] : memref<10000x128xf32, #tpu.memory_space<vmem_shared>> -> memref<16x128xf32, #tpu.memory_space<vmem_shared>>
        tpu.wait_dma2 semaphore(%run_scoped3A : memref<!tpu.dma_semaphore, #tpu.memory_space<semaphore_mem>>) src(%dma_wait3A_54 : memref<16x128xf32, #tpu.memory_space<vmem_shared>>) dst(%dma_wait3A_51 : memref<16x128xf32, #tpu.memory_space<hbm>>)
        tpu.yield
      }) : () -> ()
    } else {
    }
    return
  }
}

#map = affine_map<(d0, d1) -> (0, 0)>
#map1 = affine_map<(d0, d1) -> (0, 0, 0, 0)>
#map2 = affine_map<(d0, d1) -> (0, 0, 0)>
module attributes {stable_mosaic.version = 14 : i64} {
  func.func @_sc_agg(%arg0: i32, %arg1: i32, %arg2: memref<10000x128xf32, #tpu.memory_space<hbm>>, %arg3: memref<32x125x2x80xi32, #tpu.memory_space<hbm>>, %arg4: memref<32x10000xf32, #tpu.memory_space<hbm>>, %arg5: memref<2x10000x128xf32, #tpu.memory_space<hbm>>, %arg6: memref<2x80xi32, #tpu.memory_space<vmem>>, %arg7: memref<10000xf32, #tpu.memory_space<vmem>>, %arg8: memref<80x128xf32, #tpu.memory_space<vmem>>, %arg9: memref<10000x128xf32, #tpu.memory_space<vmem_shared>>, %arg10: memref<!tpu.dma_semaphore, #tpu.memory_space<semaphore_mem>>) attributes {dimension_semantics = [#tpu.dimension_semantics<core_parallel>, #tpu.dimension_semantics<subcore_parallel>], iteration_bounds = array<i64: 2, 16>, scalar_prefetch = 0 : i64, scratch_operands = 5 : i64, tpu.core_type = #tpu.core_type<sc_vector_subcore>, window_params = [{transform_indices = #map}, {transform_indices = #map1}, {transform_indices = #map}, {transform_indices = #map2}]} {
    %mul3A = arith.constant 16 : i32
    %mul3A_0 = arith.muli %arg0, %mul3A : i32
    %add3A = arith.addi %mul3A_0, %arg1 : i32
    %broadcast_in_dim3A = arith.constant 0.000000e+00 : f32
    %broadcast_in_dim3A_1 = vector.broadcast %broadcast_in_dim3A : f32 to vector<16xf32>
    %scan3A = arith.constant 0 : i32
    %scan3A_2 = arith.constant 0 : i32
    %scan3A_3 = arith.constant 80 : i32
    %scan3A_4 = arith.addi %scan3A_2, %scan3A_3 : i32
    %scan3A_5 = arith.constant 1 : i32
    %scan3A_6 = scf.for %scan3A_43 = %scan3A_2 to %scan3A_4 step %scan3A_5 iter_args(%scan3A_44 = %scan3A) -> (i32)  : i32 {
      %swap3A = arith.index_cast %scan3A_43 : i32 to index
      %swap3A_45 = arith.constant 0 : index
      %swap3A_46 = tpu.vector_load %arg8[%swap3A, %swap3A_45] {strides = array<i32>} : memref<80x128xf32, #tpu.memory_space<vmem>>, vector<16xf32>,
      tpu.vector_store %arg8[%swap3A, %swap3A_45], %broadcast_in_dim3A_1 {strides = array<i32>} : memref<80x128xf32, #tpu.memory_space<vmem>>, vector<16xf32>,
      %swap3A_47 = arith.index_cast %scan3A_43 : i32 to index
      %swap3A_48 = arith.constant 16 : index
      %swap3A_49 = tpu.vector_load %arg8[%swap3A_47, %swap3A_48] {strides = array<i32>} : memref<80x128xf32, #tpu.memory_space<vmem>>, vector<16xf32>,
      tpu.vector_store %arg8[%swap3A_47, %swap3A_48], %broadcast_in_dim3A_1 {strides = array<i32>} : memref<80x128xf32, #tpu.memory_space<vmem>>, vector<16xf32>,
      %swap3A_50 = arith.index_cast %scan3A_43 : i32 to index
      %swap3A_51 = arith.constant 32 : index
      %swap3A_52 = tpu.vector_load %arg8[%swap3A_50, %swap3A_51] {strides = array<i32>} : memref<80x128xf32, #tpu.memory_space<vmem>>, vector<16xf32>,
      tpu.vector_store %arg8[%swap3A_50, %swap3A_51], %broadcast_in_dim3A_1 {strides = array<i32>} : memref<80x128xf32, #tpu.memory_space<vmem>>, vector<16xf32>,
      %swap3A_53 = arith.index_cast %scan3A_43 : i32 to index
      %swap3A_54 = arith.constant 48 : index
      %swap3A_55 = tpu.vector_load %arg8[%swap3A_53, %swap3A_54] {strides = array<i32>} : memref<80x128xf32, #tpu.memory_space<vmem>>, vector<16xf32>,
      tpu.vector_store %arg8[%swap3A_53, %swap3A_54], %broadcast_in_dim3A_1 {strides = array<i32>} : memref<80x128xf32, #tpu.memory_space<vmem>>, vector<16xf32>,
      %swap3A_56 = arith.index_cast %scan3A_43 : i32 to index
      %swap3A_57 = arith.constant 64 : index
      %swap3A_58 = tpu.vector_load %arg8[%swap3A_56, %swap3A_57] {strides = array<i32>} : memref<80x128xf32, #tpu.memory_space<vmem>>, vector<16xf32>,
      tpu.vector_store %arg8[%swap3A_56, %swap3A_57], %broadcast_in_dim3A_1 {strides = array<i32>} : memref<80x128xf32, #tpu.memory_space<vmem>>, vector<16xf32>,
      %swap3A_59 = arith.index_cast %scan3A_43 : i32 to index
      %swap3A_60 = arith.constant 80 : index
      %swap3A_61 = tpu.vector_load %arg8[%swap3A_59, %swap3A_60] {strides = array<i32>} : memref<80x128xf32, #tpu.memory_space<vmem>>, vector<16xf32>,
      tpu.vector_store %arg8[%swap3A_59, %swap3A_60], %broadcast_in_dim3A_1 {strides = array<i32>} : memref<80x128xf32, #tpu.memory_space<vmem>>, vector<16xf32>,
      %swap3A_62 = arith.index_cast %scan3A_43 : i32 to index
      %swap3A_63 = arith.constant 96 : index
      %swap3A_64 = tpu.vector_load %arg8[%swap3A_62, %swap3A_63] {strides = array<i32>} : memref<80x128xf32, #tpu.memory_space<vmem>>, vector<16xf32>,
      tpu.vector_store %arg8[%swap3A_62, %swap3A_63], %broadcast_in_dim3A_1 {strides = array<i32>} : memref<80x128xf32, #tpu.memory_space<vmem>>, vector<16xf32>,
      %swap3A_65 = arith.index_cast %scan3A_43 : i32 to index
      %swap3A_66 = arith.constant 112 : index
      %swap3A_67 = tpu.vector_load %arg8[%swap3A_65, %swap3A_66] {strides = array<i32>} : memref<80x128xf32, #tpu.memory_space<vmem>>, vector<16xf32>,
      tpu.vector_store %arg8[%swap3A_65, %swap3A_66], %broadcast_in_dim3A_1 {strides = array<i32>} : memref<80x128xf32, #tpu.memory_space<vmem>>, vector<16xf32>,
      %scan3A_68 = arith.constant 0 : i32
      scf.yield %scan3A_68 : i32
    }
    %scan3A_7 = arith.constant 80 : i32
    %mul3A_8 = arith.constant 624 : i32
    %mul3A_9 = arith.muli %arg1, %mul3A_8 : i32
    %add3A_10 = arith.constant 0 : i32
    %add3A_11 = arith.addi %mul3A_9, %add3A_10 : i32
    "tpu.region"() ({
      %run_scoped3A = tpu.sem_alloc : memref<!tpu.dma_semaphore, #tpu.memory_space<semaphore_mem>>
      %dma_start3A = arith.constant 0 : i32
      %dma_start3A_43 = tpu.memref_slice %arg9[%add3A_11, %dma_start3A] : memref<10000x128xf32, #tpu.memory_space<vmem_shared>> -> memref<80x128xf32, #tpu.memory_space<vmem_shared>>
      %dma_start3A_44 = arith.constant 0 : i32
      %dma_start3A_45 = tpu.memref_slice %arg9[%add3A_11, %dma_start3A_44] : memref<10000x128xf32, #tpu.memory_space<vmem_shared>> -> memref<80x128xf32, #tpu.memory_space<vmem_shared>>
      tpu.enqueue_dma source(%arg8 : memref<80x128xf32, #tpu.memory_space<vmem>>) target(%dma_start3A_45 : memref<80x128xf32, #tpu.memory_space<vmem_shared>>) target_semaphore(%run_scoped3A : memref<!tpu.dma_semaphore, #tpu.memory_space<semaphore_mem>>)
      %dma_wait3A = arith.constant 0 : i32
      %dma_wait3A_46 = tpu.memref_slice %arg9[%add3A_11, %dma_wait3A] : memref<10000x128xf32, #tpu.memory_space<vmem_shared>> -> memref<80x128xf32, #tpu.memory_space<vmem_shared>>
      %dma_wait3A_47 = arith.constant 0 : i32
      %dma_wait3A_48 = tpu.memref_slice %arg9[%add3A_11, %dma_wait3A_47] : memref<10000x128xf32, #tpu.memory_space<vmem_shared>> -> memref<80x128xf32, #tpu.memory_space<vmem_shared>>
      tpu.wait_dma2 semaphore(%run_scoped3A : memref<!tpu.dma_semaphore, #tpu.memory_space<semaphore_mem>>) src(%arg8 : memref<80x128xf32, #tpu.memory_space<vmem>>) dst(%dma_wait3A_48 : memref<80x128xf32, #tpu.memory_space<vmem_shared>>)
      tpu.yield
    }) : () -> ()
    %add3A_12 = arith.constant 80 : i32
    %add3A_13 = arith.addi %mul3A_9, %add3A_12 : i32
    "tpu.region"() ({
      %run_scoped3A = tpu.sem_alloc : memref<!tpu.dma_semaphore, #tpu.memory_space<semaphore_mem>>
      %dma_start3A = arith.constant 0 : i32
      %dma_start3A_43 = tpu.memref_slice %arg9[%add3A_13, %dma_start3A] : memref<10000x128xf32, #tpu.memory_space<vmem_shared>> -> memref<80x128xf32, #tpu.memory_space<vmem_shared>>
      %dma_start3A_44 = arith.constant 0 : i32
      %dma_start3A_45 = tpu.memref_slice %arg9[%add3A_13, %dma_start3A_44] : memref<10000x128xf32, #tpu.memory_space<vmem_shared>> -> memref<80x128xf32, #tpu.memory_space<vmem_shared>>
      tpu.enqueue_dma source(%arg8 : memref<80x128xf32, #tpu.memory_space<vmem>>) target(%dma_start3A_45 : memref<80x128xf32, #tpu.memory_space<vmem_shared>>) target_semaphore(%run_scoped3A : memref<!tpu.dma_semaphore, #tpu.memory_space<semaphore_mem>>)
      %dma_wait3A = arith.constant 0 : i32
      %dma_wait3A_46 = tpu.memref_slice %arg9[%add3A_13, %dma_wait3A] : memref<10000x128xf32, #tpu.memory_space<vmem_shared>> -> memref<80x128xf32, #tpu.memory_space<vmem_shared>>
      %dma_wait3A_47 = arith.constant 0 : i32
      %dma_wait3A_48 = tpu.memref_slice %arg9[%add3A_13, %dma_wait3A_47] : memref<10000x128xf32, #tpu.memory_space<vmem_shared>> -> memref<80x128xf32, #tpu.memory_space<vmem_shared>>
      tpu.wait_dma2 semaphore(%run_scoped3A : memref<!tpu.dma_semaphore, #tpu.memory_space<semaphore_mem>>) src(%arg8 : memref<80x128xf32, #tpu.memory_space<vmem>>) dst(%dma_wait3A_48 : memref<80x128xf32, #tpu.memory_space<vmem_shared>>)
      tpu.yield
    }) : () -> ()
    %add3A_14 = arith.constant 160 : i32
    %add3A_15 = arith.addi %mul3A_9, %add3A_14 : i32
    "tpu.region"() ({
      %run_scoped3A = tpu.sem_alloc : memref<!tpu.dma_semaphore, #tpu.memory_space<semaphore_mem>>
      %dma_start3A = arith.constant 0 : i32
      %dma_start3A_43 = tpu.memref_slice %arg9[%add3A_15, %dma_start3A] : memref<10000x128xf32, #tpu.memory_space<vmem_shared>> -> memref<80x128xf32, #tpu.memory_space<vmem_shared>>
      %dma_start3A_44 = arith.constant 0 : i32
      %dma_start3A_45 = tpu.memref_slice %arg9[%add3A_15, %dma_start3A_44] : memref<10000x128xf32, #tpu.memory_space<vmem_shared>> -> memref<80x128xf32, #tpu.memory_space<vmem_shared>>
      tpu.enqueue_dma source(%arg8 : memref<80x128xf32, #tpu.memory_space<vmem>>) target(%dma_start3A_45 : memref<80x128xf32, #tpu.memory_space<vmem_shared>>) target_semaphore(%run_scoped3A : memref<!tpu.dma_semaphore, #tpu.memory_space<semaphore_mem>>)
      %dma_wait3A = arith.constant 0 : i32
      %dma_wait3A_46 = tpu.memref_slice %arg9[%add3A_15, %dma_wait3A] : memref<10000x128xf32, #tpu.memory_space<vmem_shared>> -> memref<80x128xf32, #tpu.memory_space<vmem_shared>>
      %dma_wait3A_47 = arith.constant 0 : i32
      %dma_wait3A_48 = tpu.memref_slice %arg9[%add3A_15, %dma_wait3A_47] : memref<10000x128xf32, #tpu.memory_space<vmem_shared>> -> memref<80x128xf32, #tpu.memory_space<vmem_shared>>
      tpu.wait_dma2 semaphore(%run_scoped3A : memref<!tpu.dma_semaphore, #tpu.memory_space<semaphore_mem>>) src(%arg8 : memref<80x128xf32, #tpu.memory_space<vmem>>) dst(%dma_wait3A_48 : memref<80x128xf32, #tpu.memory_space<vmem_shared>>)
      tpu.yield
    }) : () -> ()
    %add3A_16 = arith.constant 240 : i32
    %add3A_17 = arith.addi %mul3A_9, %add3A_16 : i32
    "tpu.region"() ({
      %run_scoped3A = tpu.sem_alloc : memref<!tpu.dma_semaphore, #tpu.memory_space<semaphore_mem>>
      %dma_start3A = arith.constant 0 : i32
      %dma_start3A_43 = tpu.memref_slice %arg9[%add3A_17, %dma_start3A] : memref<10000x128xf32, #tpu.memory_space<vmem_shared>> -> memref<80x128xf32, #tpu.memory_space<vmem_shared>>
      %dma_start3A_44 = arith.constant 0 : i32
      %dma_start3A_45 = tpu.memref_slice %arg9[%add3A_17, %dma_start3A_44] : memref<10000x128xf32, #tpu.memory_space<vmem_shared>> -> memref<80x128xf32, #tpu.memory_space<vmem_shared>>
      tpu.enqueue_dma source(%arg8 : memref<80x128xf32, #tpu.memory_space<vmem>>) target(%dma_start3A_45 : memref<80x128xf32, #tpu.memory_space<vmem_shared>>) target_semaphore(%run_scoped3A : memref<!tpu.dma_semaphore, #tpu.memory_space<semaphore_mem>>)
      %dma_wait3A = arith.constant 0 : i32
      %dma_wait3A_46 = tpu.memref_slice %arg9[%add3A_17, %dma_wait3A] : memref<10000x128xf32, #tpu.memory_space<vmem_shared>> -> memref<80x128xf32, #tpu.memory_space<vmem_shared>>
      %dma_wait3A_47 = arith.constant 0 : i32
      %dma_wait3A_48 = tpu.memref_slice %arg9[%add3A_17, %dma_wait3A_47] : memref<10000x128xf32, #tpu.memory_space<vmem_shared>> -> memref<80x128xf32, #tpu.memory_space<vmem_shared>>
      tpu.wait_dma2 semaphore(%run_scoped3A : memref<!tpu.dma_semaphore, #tpu.memory_space<semaphore_mem>>) src(%arg8 : memref<80x128xf32, #tpu.memory_space<vmem>>) dst(%dma_wait3A_48 : memref<80x128xf32, #tpu.memory_space<vmem_shared>>)
      tpu.yield
    }) : () -> ()
    %add3A_18 = arith.constant 320 : i32
    %add3A_19 = arith.addi %mul3A_9, %add3A_18 : i32
    "tpu.region"() ({
      %run_scoped3A = tpu.sem_alloc : memref<!tpu.dma_semaphore, #tpu.memory_space<semaphore_mem>>
      %dma_start3A = arith.constant 0 : i32
      %dma_start3A_43 = tpu.memref_slice %arg9[%add3A_19, %dma_start3A] : memref<10000x128xf32, #tpu.memory_space<vmem_shared>> -> memref<80x128xf32, #tpu.memory_space<vmem_shared>>
      %dma_start3A_44 = arith.constant 0 : i32
      %dma_start3A_45 = tpu.memref_slice %arg9[%add3A_19, %dma_start3A_44] : memref<10000x128xf32, #tpu.memory_space<vmem_shared>> -> memref<80x128xf32, #tpu.memory_space<vmem_shared>>
      tpu.enqueue_dma source(%arg8 : memref<80x128xf32, #tpu.memory_space<vmem>>) target(%dma_start3A_45 : memref<80x128xf32, #tpu.memory_space<vmem_shared>>) target_semaphore(%run_scoped3A : memref<!tpu.dma_semaphore, #tpu.memory_space<semaphore_mem>>)
      %dma_wait3A = arith.constant 0 : i32
      %dma_wait3A_46 = tpu.memref_slice %arg9[%add3A_19, %dma_wait3A] : memref<10000x128xf32, #tpu.memory_space<vmem_shared>> -> memref<80x128xf32, #tpu.memory_space<vmem_shared>>
      %dma_wait3A_47 = arith.constant 0 : i32
      %dma_wait3A_48 = tpu.memref_slice %arg9[%add3A_19, %dma_wait3A_47] : memref<10000x128xf32, #tpu.memory_space<vmem_shared>> -> memref<80x128xf32, #tpu.memory_space<vmem_shared>>
      tpu.wait_dma2 semaphore(%run_scoped3A : memref<!tpu.dma_semaphore, #tpu.memory_space<semaphore_mem>>) src(%arg8 : memref<80x128xf32, #tpu.memory_space<vmem>>) dst(%dma_wait3A_48 : memref<80x128xf32, #tpu.memory_space<vmem_shared>>)
      tpu.yield
    }) : () -> ()
    %add3A_20 = arith.constant 400 : i32
    %add3A_21 = arith.addi %mul3A_9, %add3A_20 : i32
    "tpu.region"() ({
      %run_scoped3A = tpu.sem_alloc : memref<!tpu.dma_semaphore, #tpu.memory_space<semaphore_mem>>
      %dma_start3A = arith.constant 0 : i32
      %dma_start3A_43 = tpu.memref_slice %arg9[%add3A_21, %dma_start3A] : memref<10000x128xf32, #tpu.memory_space<vmem_shared>> -> memref<80x128xf32, #tpu.memory_space<vmem_shared>>
      %dma_start3A_44 = arith.constant 0 : i32
      %dma_start3A_45 = tpu.memref_slice %arg9[%add3A_21, %dma_start3A_44] : memref<10000x128xf32, #tpu.memory_space<vmem_shared>> -> memref<80x128xf32, #tpu.memory_space<vmem_shared>>
      tpu.enqueue_dma source(%arg8 : memref<80x128xf32, #tpu.memory_space<vmem>>) target(%dma_start3A_45 : memref<80x128xf32, #tpu.memory_space<vmem_shared>>) target_semaphore(%run_scoped3A : memref<!tpu.dma_semaphore, #tpu.memory_space<semaphore_mem>>)
      %dma_wait3A = arith.constant 0 : i32
      %dma_wait3A_46 = tpu.memref_slice %arg9[%add3A_21, %dma_wait3A] : memref<10000x128xf32, #tpu.memory_space<vmem_shared>> -> memref<80x128xf32, #tpu.memory_space<vmem_shared>>
      %dma_wait3A_47 = arith.constant 0 : i32
      %dma_wait3A_48 = tpu.memref_slice %arg9[%add3A_21, %dma_wait3A_47] : memref<10000x128xf32, #tpu.memory_space<vmem_shared>> -> memref<80x128xf32, #tpu.memory_space<vmem_shared>>
      tpu.wait_dma2 semaphore(%run_scoped3A : memref<!tpu.dma_semaphore, #tpu.memory_space<semaphore_mem>>) src(%arg8 : memref<80x128xf32, #tpu.memory_space<vmem>>) dst(%dma_wait3A_48 : memref<80x128xf32, #tpu.memory_space<vmem_shared>>)
      tpu.yield
    }) : () -> ()
    %add3A_22 = arith.constant 480 : i32
    %add3A_23 = arith.addi %mul3A_9, %add3A_22 : i32
    "tpu.region"() ({
      %run_scoped3A = tpu.sem_alloc : memref<!tpu.dma_semaphore, #tpu.memory_space<semaphore_mem>>
      %dma_start3A = arith.constant 0 : i32
      %dma_start3A_43 = tpu.memref_slice %arg9[%add3A_23, %dma_start3A] : memref<10000x128xf32, #tpu.memory_space<vmem_shared>> -> memref<80x128xf32, #tpu.memory_space<vmem_shared>>
      %dma_start3A_44 = arith.constant 0 : i32
      %dma_start3A_45 = tpu.memref_slice %arg9[%add3A_23, %dma_start3A_44] : memref<10000x128xf32, #tpu.memory_space<vmem_shared>> -> memref<80x128xf32, #tpu.memory_space<vmem_shared>>
      tpu.enqueue_dma source(%arg8 : memref<80x128xf32, #tpu.memory_space<vmem>>) target(%dma_start3A_45 : memref<80x128xf32, #tpu.memory_space<vmem_shared>>) target_semaphore(%run_scoped3A : memref<!tpu.dma_semaphore, #tpu.memory_space<semaphore_mem>>)
      %dma_wait3A = arith.constant 0 : i32
      %dma_wait3A_46 = tpu.memref_slice %arg9[%add3A_23, %dma_wait3A] : memref<10000x128xf32, #tpu.memory_space<vmem_shared>> -> memref<80x128xf32, #tpu.memory_space<vmem_shared>>
      %dma_wait3A_47 = arith.constant 0 : i32
      %dma_wait3A_48 = tpu.memref_slice %arg9[%add3A_23, %dma_wait3A_47] : memref<10000x128xf32, #tpu.memory_space<vmem_shared>> -> memref<80x128xf32, #tpu.memory_space<vmem_shared>>
      tpu.wait_dma2 semaphore(%run_scoped3A : memref<!tpu.dma_semaphore, #tpu.memory_space<semaphore_mem>>) src(%arg8 : memref<80x128xf32, #tpu.memory_space<vmem>>) dst(%dma_wait3A_48 : memref<80x128xf32, #tpu.memory_space<vmem_shared>>)
      tpu.yield
    }) : () -> ()
    %add3A_24 = arith.constant 560 : i32
    %add3A_25 = arith.addi %mul3A_9, %add3A_24 : i32
    "tpu.region"() ({
      %run_scoped3A = tpu.sem_alloc : memref<!tpu.dma_semaphore, #tpu.memory_space<semaphore_mem>>
      %dma_start3A = arith.constant 0 : i32
      %dma_start3A_43 = arith.constant 0 : i32
      %dma_start3A_44 = tpu.memref_slice %arg8[%dma_start3A, %dma_start3A_43] : memref<80x128xf32, #tpu.memory_space<vmem>> -> memref<64x128xf32, #tpu.memory_space<vmem>>
      %dma_start3A_45 = arith.constant 0 : i32
      %dma_start3A_46 = tpu.memref_slice %arg9[%add3A_25, %dma_start3A_45] : memref<10000x128xf32, #tpu.memory_space<vmem_shared>> -> memref<64x128xf32, #tpu.memory_space<vmem_shared>>
      %dma_start3A_47 = arith.constant 0 : i32
      %dma_start3A_48 = tpu.memref_slice %arg9[%add3A_25, %dma_start3A_47] : memref<10000x128xf32, #tpu.memory_space<vmem_shared>> -> memref<64x128xf32, #tpu.memory_space<vmem_shared>>
      %dma_start3A_49 = arith.constant 0 : i32
      %dma_start3A_50 = arith.constant 0 : i32
      %dma_start3A_51 = tpu.memref_slice %arg8[%dma_start3A_49, %dma_start3A_50] : memref<80x128xf32, #tpu.memory_space<vmem>> -> memref<64x128xf32, #tpu.memory_space<vmem>>
      tpu.enqueue_dma source(%dma_start3A_51 : memref<64x128xf32, #tpu.memory_space<vmem>>) target(%dma_start3A_48 : memref<64x128xf32, #tpu.memory_space<vmem_shared>>) target_semaphore(%run_scoped3A : memref<!tpu.dma_semaphore, #tpu.memory_space<semaphore_mem>>)
      %dma_wait3A = arith.constant 0 : i32
      %dma_wait3A_52 = arith.constant 0 : i32
      %dma_wait3A_53 = tpu.memref_slice %arg8[%dma_wait3A, %dma_wait3A_52] : memref<80x128xf32, #tpu.memory_space<vmem>> -> memref<64x128xf32, #tpu.memory_space<vmem>>
      %dma_wait3A_54 = arith.constant 0 : i32
      %dma_wait3A_55 = tpu.memref_slice %arg9[%add3A_25, %dma_wait3A_54] : memref<10000x128xf32, #tpu.memory_space<vmem_shared>> -> memref<64x128xf32, #tpu.memory_space<vmem_shared>>
      %dma_wait3A_56 = arith.constant 0 : i32
      %dma_wait3A_57 = tpu.memref_slice %arg9[%add3A_25, %dma_wait3A_56] : memref<10000x128xf32, #tpu.memory_space<vmem_shared>> -> memref<64x128xf32, #tpu.memory_space<vmem_shared>>
      %dma_wait3A_58 = arith.constant 0 : i32
      %dma_wait3A_59 = arith.constant 0 : i32
      %dma_wait3A_60 = tpu.memref_slice %arg8[%dma_wait3A_58, %dma_wait3A_59] : memref<80x128xf32, #tpu.memory_space<vmem>> -> memref<64x128xf32, #tpu.memory_space<vmem>>
      tpu.wait_dma2 semaphore(%run_scoped3A : memref<!tpu.dma_semaphore, #tpu.memory_space<semaphore_mem>>) src(%dma_wait3A_60 : memref<64x128xf32, #tpu.memory_space<vmem>>) dst(%dma_wait3A_57 : memref<64x128xf32, #tpu.memory_space<vmem_shared>>)
      tpu.yield
    }) : () -> ()
    %eq3A = arith.constant 15 : i32
    %eq3A_26 = arith.cmpi eq, %arg1, %eq3A : i32
    %convert_element_type3A = arith.extui %eq3A_26 : i1 to i32
    %cond3A = arith.constant 0 : i32
    %cond3A_27 = arith.cmpi ne, %convert_element_type3A, %cond3A : i32
    scf.if %cond3A_27 {
      "tpu.region"() ({
        %run_scoped3A = tpu.sem_alloc : memref<!tpu.dma_semaphore, #tpu.memory_space<semaphore_mem>>
        %dma_start3A = arith.constant 0 : i32
        %dma_start3A_43 = arith.constant 0 : i32
        %dma_start3A_44 = tpu.memref_slice %arg8[%dma_start3A, %dma_start3A_43] : memref<80x128xf32, #tpu.memory_space<vmem>> -> memref<16x128xf32, #tpu.memory_space<vmem>>
        %dma_start3A_45 = arith.constant 9984 : i32
        %dma_start3A_46 = arith.constant 0 : i32
        %dma_start3A_47 = tpu.memref_slice %arg9[%dma_start3A_45, %dma_start3A_46] : memref<10000x128xf32, #tpu.memory_space<vmem_shared>> -> memref<16x128xf32, #tpu.memory_space<vmem_shared>>
        %dma_start3A_48 = arith.constant 9984 : i32
        %dma_start3A_49 = arith.constant 0 : i32
        %dma_start3A_50 = tpu.memref_slice %arg9[%dma_start3A_48, %dma_start3A_49] : memref<10000x128xf32, #tpu.memory_space<vmem_shared>> -> memref<16x128xf32, #tpu.memory_space<vmem_shared>>
        %dma_start3A_51 = arith.constant 0 : i32
        %dma_start3A_52 = arith.constant 0 : i32
        %dma_start3A_53 = tpu.memref_slice %arg8[%dma_start3A_51, %dma_start3A_52] : memref<80x128xf32, #tpu.memory_space<vmem>> -> memref<16x128xf32, #tpu.memory_space<vmem>>
        tpu.enqueue_dma source(%dma_start3A_53 : memref<16x128xf32, #tpu.memory_space<vmem>>) target(%dma_start3A_50 : memref<16x128xf32, #tpu.memory_space<vmem_shared>>) target_semaphore(%run_scoped3A : memref<!tpu.dma_semaphore, #tpu.memory_space<semaphore_mem>>)
        %dma_wait3A = arith.constant 0 : i32
        %dma_wait3A_54 = arith.constant 0 : i32
        %dma_wait3A_55 = tpu.memref_slice %arg8[%dma_wait3A, %dma_wait3A_54] : memref<80x128xf32, #tpu.memory_space<vmem>> -> memref<16x128xf32, #tpu.memory_space<vmem>>
        %dma_wait3A_56 = arith.constant 9984 : i32
        %dma_wait3A_57 = arith.constant 0 : i32
        %dma_wait3A_58 = tpu.memref_slice %arg9[%dma_wait3A_56, %dma_wait3A_57] : memref<10000x128xf32, #tpu.memory_space<vmem_shared>> -> memref<16x128xf32, #tpu.memory_space<vmem_shared>>
        %dma_wait3A_59 = arith.constant 9984 : i32
        %dma_wait3A_60 = arith.constant 0 : i32
        %dma_wait3A_61 = tpu.memref_slice %arg9[%dma_wait3A_59, %dma_wait3A_60] : memref<10000x128xf32, #tpu.memory_space<vmem_shared>> -> memref<16x128xf32, #tpu.memory_space<vmem_shared>>
        %dma_wait3A_62 = arith.constant 0 : i32
        %dma_wait3A_63 = arith.constant 0 : i32
        %dma_wait3A_64 = tpu.memref_slice %arg8[%dma_wait3A_62, %dma_wait3A_63] : memref<80x128xf32, #tpu.memory_space<vmem>> -> memref<16x128xf32, #tpu.memory_space<vmem>>
        tpu.wait_dma2 semaphore(%run_scoped3A : memref<!tpu.dma_semaphore, #tpu.memory_space<semaphore_mem>>) src(%dma_wait3A_64 : memref<16x128xf32, #tpu.memory_space<vmem>>) dst(%dma_wait3A_61 : memref<16x128xf32, #tpu.memory_space<vmem_shared>>)
        tpu.yield
      }) : () -> ()
    } else {
    }
    %barrier3A = arith.constant 0 : index
    tpu.barrier barrier_id(%barrier3A)
    "tpu.region"() ({
      %run_scoped3A = tpu.sem_alloc : memref<!tpu.dma_semaphore, #tpu.memory_space<semaphore_mem>>
      %dma_start3A = arith.constant 0 : i32
      %dma_start3A_43 = tpu.memref_slice %arg4[%add3A, %dma_start3A] : memref<32x10000xf32, #tpu.memory_space<hbm>> -> memref<1x10000xf32, #tpu.memory_space<hbm>>
      %dma_start3A_44 = tpu.memref_squeeze %dma_start3A_43 : memref<1x10000xf32, #tpu.memory_space<hbm>> -> memref<10000xf32, #tpu.memory_space<hbm>>
      %dma_start3A_45 = arith.constant 0 : i32
      %dma_start3A_46 = tpu.memref_slice %arg4[%add3A, %dma_start3A_45] : memref<32x10000xf32, #tpu.memory_space<hbm>> -> memref<1x10000xf32, #tpu.memory_space<hbm>>
      %dma_start3A_47 = tpu.memref_squeeze %dma_start3A_46 : memref<1x10000xf32, #tpu.memory_space<hbm>> -> memref<10000xf32, #tpu.memory_space<hbm>>
      tpu.enqueue_dma source(%dma_start3A_47 : memref<10000xf32, #tpu.memory_space<hbm>>) target(%arg7 : memref<10000xf32, #tpu.memory_space<vmem>>) target_semaphore(%run_scoped3A : memref<!tpu.dma_semaphore, #tpu.memory_space<semaphore_mem>>)
      %dma_wait3A = arith.constant 0 : i32
      %dma_wait3A_48 = tpu.memref_slice %arg4[%add3A, %dma_wait3A] : memref<32x10000xf32, #tpu.memory_space<hbm>> -> memref<1x10000xf32, #tpu.memory_space<hbm>>
      %dma_wait3A_49 = tpu.memref_squeeze %dma_wait3A_48 : memref<1x10000xf32, #tpu.memory_space<hbm>> -> memref<10000xf32, #tpu.memory_space<hbm>>
      %dma_wait3A_50 = arith.constant 0 : i32
      %dma_wait3A_51 = tpu.memref_slice %arg4[%add3A, %dma_wait3A_50] : memref<32x10000xf32, #tpu.memory_space<hbm>> -> memref<1x10000xf32, #tpu.memory_space<hbm>>
      %dma_wait3A_52 = tpu.memref_squeeze %dma_wait3A_51 : memref<1x10000xf32, #tpu.memory_space<hbm>> -> memref<10000xf32, #tpu.memory_space<hbm>>
      tpu.wait_dma2 semaphore(%run_scoped3A : memref<!tpu.dma_semaphore, #tpu.memory_space<semaphore_mem>>) src(%dma_wait3A_52 : memref<10000xf32, #tpu.memory_space<hbm>>) dst(%arg7 : memref<10000xf32, #tpu.memory_space<vmem>>)
      tpu.yield
    }) : () -> ()
    %scan3A_28 = arith.constant 0 : i32
    %scan3A_29 = arith.constant 0 : i32
    %scan3A_30 = arith.constant 125 : i32
    %scan3A_31 = arith.addi %scan3A_29, %scan3A_30 : i32
    %scan3A_32 = arith.constant 1 : i32
    %scan3A_33 = scf.for %scan3A_43 = %scan3A_29 to %scan3A_31 step %scan3A_32 iter_args(%scan3A_44 = %scan3A_28) -> (i32)  : i32 {
      "tpu.region"() ({
        %run_scoped3A_65 = tpu.sem_alloc : memref<!tpu.dma_semaphore, #tpu.memory_space<semaphore_mem>>
        %dma_start3A_66 = arith.constant 0 : i32
        %dma_start3A_67 = arith.constant 0 : i32
        %dma_start3A_68 = tpu.memref_slice %arg3[%add3A, %scan3A_43, %dma_start3A_66, %dma_start3A_67] : memref<32x125x2x80xi32, #tpu.memory_space<hbm>> -> memref<1x1x2x80xi32, #tpu.memory_space<hbm>>
        %dma_start3A_69 = tpu.memref_squeeze %dma_start3A_68 : memref<1x1x2x80xi32, #tpu.memory_space<hbm>> -> memref<2x80xi32, #tpu.memory_space<hbm>>
        %dma_start3A_70 = arith.constant 0 : i32
        %dma_start3A_71 = arith.constant 0 : i32
        %dma_start3A_72 = tpu.memref_slice %arg3[%add3A, %scan3A_43, %dma_start3A_70, %dma_start3A_71] : memref<32x125x2x80xi32, #tpu.memory_space<hbm>> -> memref<1x1x2x80xi32, #tpu.memory_space<hbm>>
        %dma_start3A_73 = tpu.memref_squeeze %dma_start3A_72 : memref<1x1x2x80xi32, #tpu.memory_space<hbm>> -> memref<2x80xi32, #tpu.memory_space<hbm>>
        tpu.enqueue_dma source(%dma_start3A_73 : memref<2x80xi32, #tpu.memory_space<hbm>>) target(%arg6 : memref<2x80xi32, #tpu.memory_space<vmem>>) target_semaphore(%run_scoped3A_65 : memref<!tpu.dma_semaphore, #tpu.memory_space<semaphore_mem>>)
        %dma_wait3A_74 = arith.constant 0 : i32
        %dma_wait3A_75 = arith.constant 0 : i32
        %dma_wait3A_76 = tpu.memref_slice %arg3[%add3A, %scan3A_43, %dma_wait3A_74, %dma_wait3A_75] : memref<32x125x2x80xi32, #tpu.memory_space<hbm>> -> memref<1x1x2x80xi32, #tpu.memory_space<hbm>>
        %dma_wait3A_77 = tpu.memref_squeeze %dma_wait3A_76 : memref<1x1x2x80xi32, #tpu.memory_space<hbm>> -> memref<2x80xi32, #tpu.memory_space<hbm>>
        %dma_wait3A_78 = arith.constant 0 : i32
        %dma_wait3A_79 = arith.constant 0 : i32
        %dma_wait3A_80 = tpu.memref_slice %arg3[%add3A, %scan3A_43, %dma_wait3A_78, %dma_wait3A_79] : memref<32x125x2x80xi32, #tpu.memory_space<hbm>> -> memref<1x1x2x80xi32, #tpu.memory_space<hbm>>
        %dma_wait3A_81 = tpu.memref_squeeze %dma_wait3A_80 : memref<1x1x2x80xi32, #tpu.memory_space<hbm>> -> memref<2x80xi32, #tpu.memory_space<hbm>>
        tpu.wait_dma2 semaphore(%run_scoped3A_65 : memref<!tpu.dma_semaphore, #tpu.memory_space<semaphore_mem>>) src(%dma_wait3A_81 : memref<2x80xi32, #tpu.memory_space<hbm>>) dst(%arg6 : memref<2x80xi32, #tpu.memory_space<vmem>>)
        tpu.yield
      }) : () -> ()
      %dma_start3A = arith.constant 0 : i32
      %dma_start3A_45 = arith.constant 0 : i32
      %dma_start3A_46 = tpu.memref_slice %arg6[%dma_start3A, %dma_start3A_45] : memref<2x80xi32, #tpu.memory_space<vmem>> -> memref<1x80xi32, #tpu.memory_space<vmem>>
      %dma_start3A_47 = tpu.memref_squeeze %dma_start3A_46 : memref<1x80xi32, #tpu.memory_space<vmem>> -> memref<80xi32, #tpu.memory_space<vmem>>
      %dma_start3A_48 = arith.constant 0 : i32
      %dma_start3A_49 = arith.constant 0 : i32
      %dma_start3A_50 = tpu.memref_slice %arg2[%dma_start3A_48, %dma_start3A_49] : memref<10000x128xf32, #tpu.memory_space<hbm>> -> memref<10000x128xf32, #tpu.memory_space<hbm>>
      tpu.enqueue_indirect_dma source(%dma_start3A_50 : memref<10000x128xf32, #tpu.memory_space<hbm>>) target(%arg8 : memref<80x128xf32, #tpu.memory_space<vmem>>) offsets(%dma_start3A_47 : memref<80xi32, #tpu.memory_space<vmem>>) semaphore(%arg10 : memref<!tpu.dma_semaphore, #tpu.memory_space<semaphore_mem>>)
      %dma_wait3A = arith.constant 0 : i32
      %dma_wait3A_51 = arith.constant 0 : i32
      %dma_wait3A_52 = tpu.memref_slice %arg6[%dma_wait3A, %dma_wait3A_51] : memref<2x80xi32, #tpu.memory_space<vmem>> -> memref<1x80xi32, #tpu.memory_space<vmem>>
      %dma_wait3A_53 = tpu.memref_squeeze %dma_wait3A_52 : memref<1x80xi32, #tpu.memory_space<vmem>> -> memref<80xi32, #tpu.memory_space<vmem>>
      %dma_wait3A_54 = arith.constant 0 : i32
      %dma_wait3A_55 = arith.constant 0 : i32
      %dma_wait3A_56 = tpu.memref_slice %arg2[%dma_wait3A_54, %dma_wait3A_55] : memref<10000x128xf32, #tpu.memory_space<hbm>> -> memref<10000x128xf32, #tpu.memory_space<hbm>>
      tpu.wait_indirect_dma semaphore(%arg10 : memref<!tpu.dma_semaphore, #tpu.memory_space<semaphore_mem>>) src(%dma_wait3A_56 : memref<10000x128xf32, #tpu.memory_space<hbm>>) dst(%arg8 : memref<80x128xf32, #tpu.memory_space<vmem>>)
      %scan3A_57 = arith.constant 0 : i32
      %scan3A_58 = arith.constant 0 : i32
      %scan3A_59 = arith.constant 80 : i32
      %scan3A_60 = arith.addi %scan3A_58, %scan3A_59 : i32
      %scan3A_61 = arith.constant 1 : i32
      %scan3A_62 = scf.for %scan3A_65 = %scan3A_58 to %scan3A_60 step %scan3A_61 iter_args(%scan3A_66 = %scan3A_57) -> (i32)  : i32 {
        %mul3A_67 = arith.constant 80 : i32
        %mul3A_68 = arith.muli %scan3A_43, %mul3A_67 : i32
        %add3A_69 = arith.addi %mul3A_68, %scan3A_65 : i32
        %broadcast_in_dim3A_70 = vector.broadcast %add3A_69 : i32 to vector<16xi32>
        %gather3A = tpu.vector_load_idx %arg7[%broadcast_in_dim3A_70] : memref<10000xf32, #tpu.memory_space<vmem>>[vector<16xi32>], vector<16xf32>,
        %get3A = arith.index_cast %scan3A_65 : i32 to index
        %get3A_71 = arith.constant 0 : index
        %get3A_72 = tpu.vector_load %arg8[%get3A, %get3A_71] {strides = array<i32>} : memref<80x128xf32, #tpu.memory_space<vmem>>, vector<16xf32>,
        %mul3A_73 = arith.mulf %get3A_72, %gather3A : vector<16xf32>
        %swap3A = arith.index_cast %scan3A_65 : i32 to index
        %swap3A_74 = arith.constant 0 : index
        %swap3A_75 = tpu.vector_load %arg8[%swap3A, %swap3A_74] {strides = array<i32>} : memref<80x128xf32, #tpu.memory_space<vmem>>, vector<16xf32>,
        tpu.vector_store %arg8[%swap3A, %swap3A_74], %mul3A_73 {strides = array<i32>} : memref<80x128xf32, #tpu.memory_space<vmem>>, vector<16xf32>,
        %get3A_76 = arith.index_cast %scan3A_65 : i32 to index
        %get3A_77 = arith.constant 16 : index
        %get3A_78 = tpu.vector_load %arg8[%get3A_76, %get3A_77] {strides = array<i32>} : memref<80x128xf32, #tpu.memory_space<vmem>>, vector<16xf32>,
        %mul3A_79 = arith.mulf %get3A_78, %gather3A : vector<16xf32>
        %swap3A_80 = arith.index_cast %scan3A_65 : i32 to index
        %swap3A_81 = arith.constant 16 : index
        %swap3A_82 = tpu.vector_load %arg8[%swap3A_80, %swap3A_81] {strides = array<i32>} : memref<80x128xf32, #tpu.memory_space<vmem>>, vector<16xf32>,
        tpu.vector_store %arg8[%swap3A_80, %swap3A_81], %mul3A_79 {strides = array<i32>} : memref<80x128xf32, #tpu.memory_space<vmem>>, vector<16xf32>,
        %get3A_83 = arith.index_cast %scan3A_65 : i32 to index
        %get3A_84 = arith.constant 32 : index
        %get3A_85 = tpu.vector_load %arg8[%get3A_83, %get3A_84] {strides = array<i32>} : memref<80x128xf32, #tpu.memory_space<vmem>>, vector<16xf32>,
        %mul3A_86 = arith.mulf %get3A_85, %gather3A : vector<16xf32>
        %swap3A_87 = arith.index_cast %scan3A_65 : i32 to index
        %swap3A_88 = arith.constant 32 : index
        %swap3A_89 = tpu.vector_load %arg8[%swap3A_87, %swap3A_88] {strides = array<i32>} : memref<80x128xf32, #tpu.memory_space<vmem>>, vector<16xf32>,
        tpu.vector_store %arg8[%swap3A_87, %swap3A_88], %mul3A_86 {strides = array<i32>} : memref<80x128xf32, #tpu.memory_space<vmem>>, vector<16xf32>,
        %get3A_90 = arith.index_cast %scan3A_65 : i32 to index
        %get3A_91 = arith.constant 48 : index
        %get3A_92 = tpu.vector_load %arg8[%get3A_90, %get3A_91] {strides = array<i32>} : memref<80x128xf32, #tpu.memory_space<vmem>>, vector<16xf32>,
        %mul3A_93 = arith.mulf %get3A_92, %gather3A : vector<16xf32>
        %swap3A_94 = arith.index_cast %scan3A_65 : i32 to index
        %swap3A_95 = arith.constant 48 : index
        %swap3A_96 = tpu.vector_load %arg8[%swap3A_94, %swap3A_95] {strides = array<i32>} : memref<80x128xf32, #tpu.memory_space<vmem>>, vector<16xf32>,
        tpu.vector_store %arg8[%swap3A_94, %swap3A_95], %mul3A_93 {strides = array<i32>} : memref<80x128xf32, #tpu.memory_space<vmem>>, vector<16xf32>,
        %get3A_97 = arith.index_cast %scan3A_65 : i32 to index
        %get3A_98 = arith.constant 64 : index
        %get3A_99 = tpu.vector_load %arg8[%get3A_97, %get3A_98] {strides = array<i32>} : memref<80x128xf32, #tpu.memory_space<vmem>>, vector<16xf32>,
        %mul3A_100 = arith.mulf %get3A_99, %gather3A : vector<16xf32>
        %swap3A_101 = arith.index_cast %scan3A_65 : i32 to index
        %swap3A_102 = arith.constant 64 : index
        %swap3A_103 = tpu.vector_load %arg8[%swap3A_101, %swap3A_102] {strides = array<i32>} : memref<80x128xf32, #tpu.memory_space<vmem>>, vector<16xf32>,
        tpu.vector_store %arg8[%swap3A_101, %swap3A_102], %mul3A_100 {strides = array<i32>} : memref<80x128xf32, #tpu.memory_space<vmem>>, vector<16xf32>,
        %get3A_104 = arith.index_cast %scan3A_65 : i32 to index
        %get3A_105 = arith.constant 80 : index
        %get3A_106 = tpu.vector_load %arg8[%get3A_104, %get3A_105] {strides = array<i32>} : memref<80x128xf32, #tpu.memory_space<vmem>>, vector<16xf32>,
        %mul3A_107 = arith.mulf %get3A_106, %gather3A : vector<16xf32>
        %swap3A_108 = arith.index_cast %scan3A_65 : i32 to index
        %swap3A_109 = arith.constant 80 : index
        %swap3A_110 = tpu.vector_load %arg8[%swap3A_108, %swap3A_109] {strides = array<i32>} : memref<80x128xf32, #tpu.memory_space<vmem>>, vector<16xf32>,
        tpu.vector_store %arg8[%swap3A_108, %swap3A_109], %mul3A_107 {strides = array<i32>} : memref<80x128xf32, #tpu.memory_space<vmem>>, vector<16xf32>,
        %get3A_111 = arith.index_cast %scan3A_65 : i32 to index
        %get3A_112 = arith.constant 96 : index
        %get3A_113 = tpu.vector_load %arg8[%get3A_111, %get3A_112] {strides = array<i32>} : memref<80x128xf32, #tpu.memory_space<vmem>>, vector<16xf32>,
        %mul3A_114 = arith.mulf %get3A_113, %gather3A : vector<16xf32>
        %swap3A_115 = arith.index_cast %scan3A_65 : i32 to index
        %swap3A_116 = arith.constant 96 : index
        %swap3A_117 = tpu.vector_load %arg8[%swap3A_115, %swap3A_116] {strides = array<i32>} : memref<80x128xf32, #tpu.memory_space<vmem>>, vector<16xf32>,
        tpu.vector_store %arg8[%swap3A_115, %swap3A_116], %mul3A_114 {strides = array<i32>} : memref<80x128xf32, #tpu.memory_space<vmem>>, vector<16xf32>,
        %get3A_118 = arith.index_cast %scan3A_65 : i32 to index
        %get3A_119 = arith.constant 112 : index
        %get3A_120 = tpu.vector_load %arg8[%get3A_118, %get3A_119] {strides = array<i32>} : memref<80x128xf32, #tpu.memory_space<vmem>>, vector<16xf32>,
        %mul3A_121 = arith.mulf %get3A_120, %gather3A : vector<16xf32>
        %swap3A_122 = arith.index_cast %scan3A_65 : i32 to index
        %swap3A_123 = arith.constant 112 : index
        %swap3A_124 = tpu.vector_load %arg8[%swap3A_122, %swap3A_123] {strides = array<i32>} : memref<80x128xf32, #tpu.memory_space<vmem>>, vector<16xf32>,
        tpu.vector_store %arg8[%swap3A_122, %swap3A_123], %mul3A_121 {strides = array<i32>} : memref<80x128xf32, #tpu.memory_space<vmem>>, vector<16xf32>,
        %scan3A_125 = arith.constant 0 : i32
        scf.yield %scan3A_125 : i32
      }
      %scan3A_63 = arith.constant 80 : i32
      %run_scoped3A = arith.constant 1 : i32
      "tpu.region"() ({
        %run_scoped3A_65 = tpu.sem_alloc : memref<!tpu.dma_semaphore, #tpu.memory_space<semaphore_mem>>
        %dma_start3A_66 = arith.constant 0 : i32
        %dma_start3A_67 = tpu.memref_slice %arg6[%run_scoped3A, %dma_start3A_66] : memref<2x80xi32, #tpu.memory_space<vmem>> -> memref<1x80xi32, #tpu.memory_space<vmem>>
        %dma_start3A_68 = tpu.memref_squeeze %dma_start3A_67 : memref<1x80xi32, #tpu.memory_space<vmem>> -> memref<80xi32, #tpu.memory_space<vmem>>
        %dma_start3A_69 = arith.constant 0 : i32
        %dma_start3A_70 = arith.constant 0 : i32
        %dma_start3A_71 = tpu.memref_slice %arg9[%dma_start3A_69, %dma_start3A_70] : memref<10000x128xf32, #tpu.memory_space<vmem_shared>> -> memref<10000x128xf32, #tpu.memory_space<vmem_shared>>
        tpu.enqueue_indirect_dma source(%arg8 : memref<80x128xf32, #tpu.memory_space<vmem>>) target(%dma_start3A_71 : memref<10000x128xf32, #tpu.memory_space<vmem_shared>>) offsets(%dma_start3A_68 : memref<80xi32, #tpu.memory_space<vmem>>) semaphore(%run_scoped3A_65 : memref<!tpu.dma_semaphore, #tpu.memory_space<semaphore_mem>>) {add = true}
        %dma_wait3A_72 = arith.constant 0 : i32
        %dma_wait3A_73 = tpu.memref_slice %arg6[%run_scoped3A, %dma_wait3A_72] : memref<2x80xi32, #tpu.memory_space<vmem>> -> memref<1x80xi32, #tpu.memory_space<vmem>>
        %dma_wait3A_74 = tpu.memref_squeeze %dma_wait3A_73 : memref<1x80xi32, #tpu.memory_space<vmem>> -> memref<80xi32, #tpu.memory_space<vmem>>
        %dma_wait3A_75 = arith.constant 0 : i32
        %dma_wait3A_76 = arith.constant 0 : i32
        %dma_wait3A_77 = tpu.memref_slice %arg9[%dma_wait3A_75, %dma_wait3A_76] : memref<10000x128xf32, #tpu.memory_space<vmem_shared>> -> memref<10000x128xf32, #tpu.memory_space<vmem_shared>>
        tpu.wait_indirect_dma semaphore(%run_scoped3A_65 : memref<!tpu.dma_semaphore, #tpu.memory_space<semaphore_mem>>) src(%arg8 : memref<80x128xf32, #tpu.memory_space<vmem>>) dst(%dma_wait3A_77 : memref<10000x128xf32, #tpu.memory_space<vmem_shared>>)
        tpu.yield
      }) : () -> ()
      %scan3A_64 = arith.constant 0 : i32
      scf.yield %scan3A_64 : i32
    }
    %scan3A_34 = arith.constant 125 : i32
    %barrier3A_35 = arith.constant 0 : index
    tpu.barrier barrier_id(%barrier3A_35)
    %mul3A_36 = arith.constant 624 : i32
    %mul3A_37 = arith.muli %arg1, %mul3A_36 : i32
    "tpu.region"() ({
      %run_scoped3A = tpu.sem_alloc : memref<!tpu.dma_semaphore, #tpu.memory_space<semaphore_mem>>
      %dma_start3A = arith.constant 0 : i32
      %dma_start3A_43 = tpu.memref_slice %arg5[%arg0, %mul3A_37, %dma_start3A] : memref<2x10000x128xf32, #tpu.memory_space<hbm>> -> memref<1x624x128xf32, #tpu.memory_space<hbm>>
      %dma_start3A_44 = tpu.memref_squeeze %dma_start3A_43 : memref<1x624x128xf32, #tpu.memory_space<hbm>> -> memref<624x128xf32, #tpu.memory_space<hbm>>
      %dma_start3A_45 = arith.constant 0 : i32
      %dma_start3A_46 = tpu.memref_slice %arg9[%mul3A_37, %dma_start3A_45] : memref<10000x128xf32, #tpu.memory_space<vmem_shared>> -> memref<624x128xf32, #tpu.memory_space<vmem_shared>>
      tpu.enqueue_dma source(%dma_start3A_46 : memref<624x128xf32, #tpu.memory_space<vmem_shared>>) target(%dma_start3A_44 : memref<624x128xf32, #tpu.memory_space<hbm>>) target_semaphore(%run_scoped3A : memref<!tpu.dma_semaphore, #tpu.memory_space<semaphore_mem>>)
      %dma_wait3A = arith.constant 0 : i32
      %dma_wait3A_47 = tpu.memref_slice %arg5[%arg0, %mul3A_37, %dma_wait3A] : memref<2x10000x128xf32, #tpu.memory_space<hbm>> -> memref<1x624x128xf32, #tpu.memory_space<hbm>>
      %dma_wait3A_48 = tpu.memref_squeeze %dma_wait3A_47 : memref<1x624x128xf32, #tpu.memory_space<hbm>> -> memref<624x128xf32, #tpu.memory_space<hbm>>
      %dma_wait3A_49 = arith.constant 0 : i32
      %dma_wait3A_50 = tpu.memref_slice %arg9[%mul3A_37, %dma_wait3A_49] : memref<10000x128xf32, #tpu.memory_space<vmem_shared>> -> memref<624x128xf32, #tpu.memory_space<vmem_shared>>
      tpu.wait_dma2 semaphore(%run_scoped3A : memref<!tpu.dma_semaphore, #tpu.memory_space<semaphore_mem>>) src(%dma_wait3A_50 : memref<624x128xf32, #tpu.memory_space<vmem_shared>>) dst(%dma_wait3A_48 : memref<624x128xf32, #tpu.memory_space<hbm>>)
      tpu.yield
    }) : () -> ()
    %eq3A_38 = arith.constant 15 : i32
    %eq3A_39 = arith.cmpi eq, %arg1, %eq3A_38 : i32
    %convert_element_type3A_40 = arith.extui %eq3A_39 : i1 to i32
    %cond3A_41 = arith.constant 0 : i32
    %cond3A_42 = arith.cmpi ne, %convert_element_type3A_40, %cond3A_41 : i32
    scf.if %cond3A_42 {
      "tpu.region"() ({
        %run_scoped3A = tpu.sem_alloc : memref<!tpu.dma_semaphore, #tpu.memory_space<semaphore_mem>>
        %dma_start3A = arith.constant 9984 : i32
        %dma_start3A_43 = arith.constant 0 : i32
        %dma_start3A_44 = tpu.memref_slice %arg5[%arg0, %dma_start3A, %dma_start3A_43] : memref<2x10000x128xf32, #tpu.memory_space<hbm>> -> memref<1x16x128xf32, #tpu.memory_space<hbm>>
        %dma_start3A_45 = tpu.memref_squeeze %dma_start3A_44 : memref<1x16x128xf32, #tpu.memory_space<hbm>> -> memref<16x128xf32, #tpu.memory_space<hbm>>
        %dma_start3A_46 = arith.constant 9984 : i32
        %dma_start3A_47 = arith.constant 0 : i32
        %dma_start3A_48 = tpu.memref_slice %arg9[%dma_start3A_46, %dma_start3A_47] : memref<10000x128xf32, #tpu.memory_space<vmem_shared>> -> memref<16x128xf32, #tpu.memory_space<vmem_shared>>
        tpu.enqueue_dma source(%dma_start3A_48 : memref<16x128xf32, #tpu.memory_space<vmem_shared>>) target(%dma_start3A_45 : memref<16x128xf32, #tpu.memory_space<hbm>>) target_semaphore(%run_scoped3A : memref<!tpu.dma_semaphore, #tpu.memory_space<semaphore_mem>>)
        %dma_wait3A = arith.constant 9984 : i32
        %dma_wait3A_49 = arith.constant 0 : i32
        %dma_wait3A_50 = tpu.memref_slice %arg5[%arg0, %dma_wait3A, %dma_wait3A_49] : memref<2x10000x128xf32, #tpu.memory_space<hbm>> -> memref<1x16x128xf32, #tpu.memory_space<hbm>>
        %dma_wait3A_51 = tpu.memref_squeeze %dma_wait3A_50 : memref<1x16x128xf32, #tpu.memory_space<hbm>> -> memref<16x128xf32, #tpu.memory_space<hbm>>
        %dma_wait3A_52 = arith.constant 9984 : i32
        %dma_wait3A_53 = arith.constant 0 : i32
        %dma_wait3A_54 = tpu.memref_slice %arg9[%dma_wait3A_52, %dma_wait3A_53] : memref<10000x128xf32, #tpu.memory_space<vmem_shared>> -> memref<16x128xf32, #tpu.memory_space<vmem_shared>>
        tpu.wait_dma2 semaphore(%run_scoped3A : memref<!tpu.dma_semaphore, #tpu.memory_space<semaphore_mem>>) src(%dma_wait3A_54 : memref<16x128xf32, #tpu.memory_space<vmem_shared>>) dst(%dma_wait3A_51 : memref<16x128xf32, #tpu.memory_space<hbm>>)
        tpu.yield
      }) : () -> ()
    } else {
    }
    return
  }
}

#map = affine_map<(d0, d1) -> (0, 0)>
#map1 = affine_map<(d0, d1) -> (0, 0, 0, 0)>
#map2 = affine_map<(d0, d1) -> (0, 0, 0)>
module attributes {stable_mosaic.version = 14 : i64} {
  func.func @_sc_agg(%arg0: i32, %arg1: i32, %arg2: memref<10000x128xf32, #tpu.memory_space<hbm>>, %arg3: memref<32x125x2x80xi32, #tpu.memory_space<hbm>>, %arg4: memref<32x10000xf32, #tpu.memory_space<hbm>>, %arg5: memref<2x10000x128xf32, #tpu.memory_space<hbm>>, %arg6: memref<2x80xi32, #tpu.memory_space<vmem>>, %arg7: memref<10000xf32, #tpu.memory_space<vmem>>, %arg8: memref<80x128xf32, #tpu.memory_space<vmem>>, %arg9: memref<10000x128xf32, #tpu.memory_space<vmem_shared>>, %arg10: memref<!tpu.dma_semaphore, #tpu.memory_space<semaphore_mem>>) attributes {dimension_semantics = [#tpu.dimension_semantics<core_parallel>, #tpu.dimension_semantics<subcore_parallel>], iteration_bounds = array<i64: 2, 16>, scalar_prefetch = 0 : i64, scratch_operands = 5 : i64, tpu.core_type = #tpu.core_type<sc_vector_subcore>, window_params = [{transform_indices = #map}, {transform_indices = #map1}, {transform_indices = #map}, {transform_indices = #map2}]} {
    %mul3A = arith.constant 16 : i32
    %mul3A_0 = arith.muli %arg0, %mul3A : i32
    %add3A = arith.addi %mul3A_0, %arg1 : i32
    %broadcast_in_dim3A = arith.constant 0.000000e+00 : f32
    %broadcast_in_dim3A_1 = vector.broadcast %broadcast_in_dim3A : f32 to vector<16xf32>
    %scan3A = arith.constant 0 : i32
    %scan3A_2 = arith.constant 0 : i32
    %scan3A_3 = arith.constant 80 : i32
    %scan3A_4 = arith.addi %scan3A_2, %scan3A_3 : i32
    %scan3A_5 = arith.constant 1 : i32
    %scan3A_6 = scf.for %scan3A_43 = %scan3A_2 to %scan3A_4 step %scan3A_5 iter_args(%scan3A_44 = %scan3A) -> (i32)  : i32 {
      %swap3A = arith.index_cast %scan3A_43 : i32 to index
      %swap3A_45 = arith.constant 0 : index
      %swap3A_46 = tpu.vector_load %arg8[%swap3A, %swap3A_45] {strides = array<i32>} : memref<80x128xf32, #tpu.memory_space<vmem>>, vector<16xf32>,
      tpu.vector_store %arg8[%swap3A, %swap3A_45], %broadcast_in_dim3A_1 {strides = array<i32>} : memref<80x128xf32, #tpu.memory_space<vmem>>, vector<16xf32>,
      %swap3A_47 = arith.index_cast %scan3A_43 : i32 to index
      %swap3A_48 = arith.constant 16 : index
      %swap3A_49 = tpu.vector_load %arg8[%swap3A_47, %swap3A_48] {strides = array<i32>} : memref<80x128xf32, #tpu.memory_space<vmem>>, vector<16xf32>,
      tpu.vector_store %arg8[%swap3A_47, %swap3A_48], %broadcast_in_dim3A_1 {strides = array<i32>} : memref<80x128xf32, #tpu.memory_space<vmem>>, vector<16xf32>,
      %swap3A_50 = arith.index_cast %scan3A_43 : i32 to index
      %swap3A_51 = arith.constant 32 : index
      %swap3A_52 = tpu.vector_load %arg8[%swap3A_50, %swap3A_51] {strides = array<i32>} : memref<80x128xf32, #tpu.memory_space<vmem>>, vector<16xf32>,
      tpu.vector_store %arg8[%swap3A_50, %swap3A_51], %broadcast_in_dim3A_1 {strides = array<i32>} : memref<80x128xf32, #tpu.memory_space<vmem>>, vector<16xf32>,
      %swap3A_53 = arith.index_cast %scan3A_43 : i32 to index
      %swap3A_54 = arith.constant 48 : index
      %swap3A_55 = tpu.vector_load %arg8[%swap3A_53, %swap3A_54] {strides = array<i32>} : memref<80x128xf32, #tpu.memory_space<vmem>>, vector<16xf32>,
      tpu.vector_store %arg8[%swap3A_53, %swap3A_54], %broadcast_in_dim3A_1 {strides = array<i32>} : memref<80x128xf32, #tpu.memory_space<vmem>>, vector<16xf32>,
      %swap3A_56 = arith.index_cast %scan3A_43 : i32 to index
      %swap3A_57 = arith.constant 64 : index
      %swap3A_58 = tpu.vector_load %arg8[%swap3A_56, %swap3A_57] {strides = array<i32>} : memref<80x128xf32, #tpu.memory_space<vmem>>, vector<16xf32>,
      tpu.vector_store %arg8[%swap3A_56, %swap3A_57], %broadcast_in_dim3A_1 {strides = array<i32>} : memref<80x128xf32, #tpu.memory_space<vmem>>, vector<16xf32>,
      %swap3A_59 = arith.index_cast %scan3A_43 : i32 to index
      %swap3A_60 = arith.constant 80 : index
      %swap3A_61 = tpu.vector_load %arg8[%swap3A_59, %swap3A_60] {strides = array<i32>} : memref<80x128xf32, #tpu.memory_space<vmem>>, vector<16xf32>,
      tpu.vector_store %arg8[%swap3A_59, %swap3A_60], %broadcast_in_dim3A_1 {strides = array<i32>} : memref<80x128xf32, #tpu.memory_space<vmem>>, vector<16xf32>,
      %swap3A_62 = arith.index_cast %scan3A_43 : i32 to index
      %swap3A_63 = arith.constant 96 : index
      %swap3A_64 = tpu.vector_load %arg8[%swap3A_62, %swap3A_63] {strides = array<i32>} : memref<80x128xf32, #tpu.memory_space<vmem>>, vector<16xf32>,
      tpu.vector_store %arg8[%swap3A_62, %swap3A_63], %broadcast_in_dim3A_1 {strides = array<i32>} : memref<80x128xf32, #tpu.memory_space<vmem>>, vector<16xf32>,
      %swap3A_65 = arith.index_cast %scan3A_43 : i32 to index
      %swap3A_66 = arith.constant 112 : index
      %swap3A_67 = tpu.vector_load %arg8[%swap3A_65, %swap3A_66] {strides = array<i32>} : memref<80x128xf32, #tpu.memory_space<vmem>>, vector<16xf32>,
      tpu.vector_store %arg8[%swap3A_65, %swap3A_66], %broadcast_in_dim3A_1 {strides = array<i32>} : memref<80x128xf32, #tpu.memory_space<vmem>>, vector<16xf32>,
      %scan3A_68 = arith.constant 0 : i32
      scf.yield %scan3A_68 : i32
    }
    %scan3A_7 = arith.constant 80 : i32
    %mul3A_8 = arith.constant 624 : i32
    %mul3A_9 = arith.muli %arg1, %mul3A_8 : i32
    %add3A_10 = arith.constant 0 : i32
    %add3A_11 = arith.addi %mul3A_9, %add3A_10 : i32
    "tpu.region"() ({
      %run_scoped3A = tpu.sem_alloc : memref<!tpu.dma_semaphore, #tpu.memory_space<semaphore_mem>>
      %dma_start3A = arith.constant 0 : i32
      %dma_start3A_43 = tpu.memref_slice %arg9[%add3A_11, %dma_start3A] : memref<10000x128xf32, #tpu.memory_space<vmem_shared>> -> memref<80x128xf32, #tpu.memory_space<vmem_shared>>
      %dma_start3A_44 = arith.constant 0 : i32
      %dma_start3A_45 = tpu.memref_slice %arg9[%add3A_11, %dma_start3A_44] : memref<10000x128xf32, #tpu.memory_space<vmem_shared>> -> memref<80x128xf32, #tpu.memory_space<vmem_shared>>
      tpu.enqueue_dma source(%arg8 : memref<80x128xf32, #tpu.memory_space<vmem>>) target(%dma_start3A_45 : memref<80x128xf32, #tpu.memory_space<vmem_shared>>) target_semaphore(%run_scoped3A : memref<!tpu.dma_semaphore, #tpu.memory_space<semaphore_mem>>)
      %dma_wait3A = arith.constant 0 : i32
      %dma_wait3A_46 = tpu.memref_slice %arg9[%add3A_11, %dma_wait3A] : memref<10000x128xf32, #tpu.memory_space<vmem_shared>> -> memref<80x128xf32, #tpu.memory_space<vmem_shared>>
      %dma_wait3A_47 = arith.constant 0 : i32
      %dma_wait3A_48 = tpu.memref_slice %arg9[%add3A_11, %dma_wait3A_47] : memref<10000x128xf32, #tpu.memory_space<vmem_shared>> -> memref<80x128xf32, #tpu.memory_space<vmem_shared>>
      tpu.wait_dma2 semaphore(%run_scoped3A : memref<!tpu.dma_semaphore, #tpu.memory_space<semaphore_mem>>) src(%arg8 : memref<80x128xf32, #tpu.memory_space<vmem>>) dst(%dma_wait3A_48 : memref<80x128xf32, #tpu.memory_space<vmem_shared>>)
      tpu.yield
    }) : () -> ()
    %add3A_12 = arith.constant 80 : i32
    %add3A_13 = arith.addi %mul3A_9, %add3A_12 : i32
    "tpu.region"() ({
      %run_scoped3A = tpu.sem_alloc : memref<!tpu.dma_semaphore, #tpu.memory_space<semaphore_mem>>
      %dma_start3A = arith.constant 0 : i32
      %dma_start3A_43 = tpu.memref_slice %arg9[%add3A_13, %dma_start3A] : memref<10000x128xf32, #tpu.memory_space<vmem_shared>> -> memref<80x128xf32, #tpu.memory_space<vmem_shared>>
      %dma_start3A_44 = arith.constant 0 : i32
      %dma_start3A_45 = tpu.memref_slice %arg9[%add3A_13, %dma_start3A_44] : memref<10000x128xf32, #tpu.memory_space<vmem_shared>> -> memref<80x128xf32, #tpu.memory_space<vmem_shared>>
      tpu.enqueue_dma source(%arg8 : memref<80x128xf32, #tpu.memory_space<vmem>>) target(%dma_start3A_45 : memref<80x128xf32, #tpu.memory_space<vmem_shared>>) target_semaphore(%run_scoped3A : memref<!tpu.dma_semaphore, #tpu.memory_space<semaphore_mem>>)
      %dma_wait3A = arith.constant 0 : i32
      %dma_wait3A_46 = tpu.memref_slice %arg9[%add3A_13, %dma_wait3A] : memref<10000x128xf32, #tpu.memory_space<vmem_shared>> -> memref<80x128xf32, #tpu.memory_space<vmem_shared>>
      %dma_wait3A_47 = arith.constant 0 : i32
      %dma_wait3A_48 = tpu.memref_slice %arg9[%add3A_13, %dma_wait3A_47] : memref<10000x128xf32, #tpu.memory_space<vmem_shared>> -> memref<80x128xf32, #tpu.memory_space<vmem_shared>>
      tpu.wait_dma2 semaphore(%run_scoped3A : memref<!tpu.dma_semaphore, #tpu.memory_space<semaphore_mem>>) src(%arg8 : memref<80x128xf32, #tpu.memory_space<vmem>>) dst(%dma_wait3A_48 : memref<80x128xf32, #tpu.memory_space<vmem_shared>>)
      tpu.yield
    }) : () -> ()
    %add3A_14 = arith.constant 160 : i32
    %add3A_15 = arith.addi %mul3A_9, %add3A_14 : i32
    "tpu.region"() ({
      %run_scoped3A = tpu.sem_alloc : memref<!tpu.dma_semaphore, #tpu.memory_space<semaphore_mem>>
      %dma_start3A = arith.constant 0 : i32
      %dma_start3A_43 = tpu.memref_slice %arg9[%add3A_15, %dma_start3A] : memref<10000x128xf32, #tpu.memory_space<vmem_shared>> -> memref<80x128xf32, #tpu.memory_space<vmem_shared>>
      %dma_start3A_44 = arith.constant 0 : i32
      %dma_start3A_45 = tpu.memref_slice %arg9[%add3A_15, %dma_start3A_44] : memref<10000x128xf32, #tpu.memory_space<vmem_shared>> -> memref<80x128xf32, #tpu.memory_space<vmem_shared>>
      tpu.enqueue_dma source(%arg8 : memref<80x128xf32, #tpu.memory_space<vmem>>) target(%dma_start3A_45 : memref<80x128xf32, #tpu.memory_space<vmem_shared>>) target_semaphore(%run_scoped3A : memref<!tpu.dma_semaphore, #tpu.memory_space<semaphore_mem>>)
      %dma_wait3A = arith.constant 0 : i32
      %dma_wait3A_46 = tpu.memref_slice %arg9[%add3A_15, %dma_wait3A] : memref<10000x128xf32, #tpu.memory_space<vmem_shared>> -> memref<80x128xf32, #tpu.memory_space<vmem_shared>>
      %dma_wait3A_47 = arith.constant 0 : i32
      %dma_wait3A_48 = tpu.memref_slice %arg9[%add3A_15, %dma_wait3A_47] : memref<10000x128xf32, #tpu.memory_space<vmem_shared>> -> memref<80x128xf32, #tpu.memory_space<vmem_shared>>
      tpu.wait_dma2 semaphore(%run_scoped3A : memref<!tpu.dma_semaphore, #tpu.memory_space<semaphore_mem>>) src(%arg8 : memref<80x128xf32, #tpu.memory_space<vmem>>) dst(%dma_wait3A_48 : memref<80x128xf32, #tpu.memory_space<vmem_shared>>)
      tpu.yield
    }) : () -> ()
    %add3A_16 = arith.constant 240 : i32
    %add3A_17 = arith.addi %mul3A_9, %add3A_16 : i32
    "tpu.region"() ({
      %run_scoped3A = tpu.sem_alloc : memref<!tpu.dma_semaphore, #tpu.memory_space<semaphore_mem>>
      %dma_start3A = arith.constant 0 : i32
      %dma_start3A_43 = tpu.memref_slice %arg9[%add3A_17, %dma_start3A] : memref<10000x128xf32, #tpu.memory_space<vmem_shared>> -> memref<80x128xf32, #tpu.memory_space<vmem_shared>>
      %dma_start3A_44 = arith.constant 0 : i32
      %dma_start3A_45 = tpu.memref_slice %arg9[%add3A_17, %dma_start3A_44] : memref<10000x128xf32, #tpu.memory_space<vmem_shared>> -> memref<80x128xf32, #tpu.memory_space<vmem_shared>>
      tpu.enqueue_dma source(%arg8 : memref<80x128xf32, #tpu.memory_space<vmem>>) target(%dma_start3A_45 : memref<80x128xf32, #tpu.memory_space<vmem_shared>>) target_semaphore(%run_scoped3A : memref<!tpu.dma_semaphore, #tpu.memory_space<semaphore_mem>>)
      %dma_wait3A = arith.constant 0 : i32
      %dma_wait3A_46 = tpu.memref_slice %arg9[%add3A_17, %dma_wait3A] : memref<10000x128xf32, #tpu.memory_space<vmem_shared>> -> memref<80x128xf32, #tpu.memory_space<vmem_shared>>
      %dma_wait3A_47 = arith.constant 0 : i32
      %dma_wait3A_48 = tpu.memref_slice %arg9[%add3A_17, %dma_wait3A_47] : memref<10000x128xf32, #tpu.memory_space<vmem_shared>> -> memref<80x128xf32, #tpu.memory_space<vmem_shared>>
      tpu.wait_dma2 semaphore(%run_scoped3A : memref<!tpu.dma_semaphore, #tpu.memory_space<semaphore_mem>>) src(%arg8 : memref<80x128xf32, #tpu.memory_space<vmem>>) dst(%dma_wait3A_48 : memref<80x128xf32, #tpu.memory_space<vmem_shared>>)
      tpu.yield
    }) : () -> ()
    %add3A_18 = arith.constant 320 : i32
    %add3A_19 = arith.addi %mul3A_9, %add3A_18 : i32
    "tpu.region"() ({
      %run_scoped3A = tpu.sem_alloc : memref<!tpu.dma_semaphore, #tpu.memory_space<semaphore_mem>>
      %dma_start3A = arith.constant 0 : i32
      %dma_start3A_43 = tpu.memref_slice %arg9[%add3A_19, %dma_start3A] : memref<10000x128xf32, #tpu.memory_space<vmem_shared>> -> memref<80x128xf32, #tpu.memory_space<vmem_shared>>
      %dma_start3A_44 = arith.constant 0 : i32
      %dma_start3A_45 = tpu.memref_slice %arg9[%add3A_19, %dma_start3A_44] : memref<10000x128xf32, #tpu.memory_space<vmem_shared>> -> memref<80x128xf32, #tpu.memory_space<vmem_shared>>
      tpu.enqueue_dma source(%arg8 : memref<80x128xf32, #tpu.memory_space<vmem>>) target(%dma_start3A_45 : memref<80x128xf32, #tpu.memory_space<vmem_shared>>) target_semaphore(%run_scoped3A : memref<!tpu.dma_semaphore, #tpu.memory_space<semaphore_mem>>)
      %dma_wait3A = arith.constant 0 : i32
      %dma_wait3A_46 = tpu.memref_slice %arg9[%add3A_19, %dma_wait3A] : memref<10000x128xf32, #tpu.memory_space<vmem_shared>> -> memref<80x128xf32, #tpu.memory_space<vmem_shared>>
      %dma_wait3A_47 = arith.constant 0 : i32
      %dma_wait3A_48 = tpu.memref_slice %arg9[%add3A_19, %dma_wait3A_47] : memref<10000x128xf32, #tpu.memory_space<vmem_shared>> -> memref<80x128xf32, #tpu.memory_space<vmem_shared>>
      tpu.wait_dma2 semaphore(%run_scoped3A : memref<!tpu.dma_semaphore, #tpu.memory_space<semaphore_mem>>) src(%arg8 : memref<80x128xf32, #tpu.memory_space<vmem>>) dst(%dma_wait3A_48 : memref<80x128xf32, #tpu.memory_space<vmem_shared>>)
      tpu.yield
    }) : () -> ()
    %add3A_20 = arith.constant 400 : i32
    %add3A_21 = arith.addi %mul3A_9, %add3A_20 : i32
    "tpu.region"() ({
      %run_scoped3A = tpu.sem_alloc : memref<!tpu.dma_semaphore, #tpu.memory_space<semaphore_mem>>
      %dma_start3A = arith.constant 0 : i32
      %dma_start3A_43 = tpu.memref_slice %arg9[%add3A_21, %dma_start3A] : memref<10000x128xf32, #tpu.memory_space<vmem_shared>> -> memref<80x128xf32, #tpu.memory_space<vmem_shared>>
      %dma_start3A_44 = arith.constant 0 : i32
      %dma_start3A_45 = tpu.memref_slice %arg9[%add3A_21, %dma_start3A_44] : memref<10000x128xf32, #tpu.memory_space<vmem_shared>> -> memref<80x128xf32, #tpu.memory_space<vmem_shared>>
      tpu.enqueue_dma source(%arg8 : memref<80x128xf32, #tpu.memory_space<vmem>>) target(%dma_start3A_45 : memref<80x128xf32, #tpu.memory_space<vmem_shared>>) target_semaphore(%run_scoped3A : memref<!tpu.dma_semaphore, #tpu.memory_space<semaphore_mem>>)
      %dma_wait3A = arith.constant 0 : i32
      %dma_wait3A_46 = tpu.memref_slice %arg9[%add3A_21, %dma_wait3A] : memref<10000x128xf32, #tpu.memory_space<vmem_shared>> -> memref<80x128xf32, #tpu.memory_space<vmem_shared>>
      %dma_wait3A_47 = arith.constant 0 : i32
      %dma_wait3A_48 = tpu.memref_slice %arg9[%add3A_21, %dma_wait3A_47] : memref<10000x128xf32, #tpu.memory_space<vmem_shared>> -> memref<80x128xf32, #tpu.memory_space<vmem_shared>>
      tpu.wait_dma2 semaphore(%run_scoped3A : memref<!tpu.dma_semaphore, #tpu.memory_space<semaphore_mem>>) src(%arg8 : memref<80x128xf32, #tpu.memory_space<vmem>>) dst(%dma_wait3A_48 : memref<80x128xf32, #tpu.memory_space<vmem_shared>>)
      tpu.yield
    }) : () -> ()
    %add3A_22 = arith.constant 480 : i32
    %add3A_23 = arith.addi %mul3A_9, %add3A_22 : i32
    "tpu.region"() ({
      %run_scoped3A = tpu.sem_alloc : memref<!tpu.dma_semaphore, #tpu.memory_space<semaphore_mem>>
      %dma_start3A = arith.constant 0 : i32
      %dma_start3A_43 = tpu.memref_slice %arg9[%add3A_23, %dma_start3A] : memref<10000x128xf32, #tpu.memory_space<vmem_shared>> -> memref<80x128xf32, #tpu.memory_space<vmem_shared>>
      %dma_start3A_44 = arith.constant 0 : i32
      %dma_start3A_45 = tpu.memref_slice %arg9[%add3A_23, %dma_start3A_44] : memref<10000x128xf32, #tpu.memory_space<vmem_shared>> -> memref<80x128xf32, #tpu.memory_space<vmem_shared>>
      tpu.enqueue_dma source(%arg8 : memref<80x128xf32, #tpu.memory_space<vmem>>) target(%dma_start3A_45 : memref<80x128xf32, #tpu.memory_space<vmem_shared>>) target_semaphore(%run_scoped3A : memref<!tpu.dma_semaphore, #tpu.memory_space<semaphore_mem>>)
      %dma_wait3A = arith.constant 0 : i32
      %dma_wait3A_46 = tpu.memref_slice %arg9[%add3A_23, %dma_wait3A] : memref<10000x128xf32, #tpu.memory_space<vmem_shared>> -> memref<80x128xf32, #tpu.memory_space<vmem_shared>>
      %dma_wait3A_47 = arith.constant 0 : i32
      %dma_wait3A_48 = tpu.memref_slice %arg9[%add3A_23, %dma_wait3A_47] : memref<10000x128xf32, #tpu.memory_space<vmem_shared>> -> memref<80x128xf32, #tpu.memory_space<vmem_shared>>
      tpu.wait_dma2 semaphore(%run_scoped3A : memref<!tpu.dma_semaphore, #tpu.memory_space<semaphore_mem>>) src(%arg8 : memref<80x128xf32, #tpu.memory_space<vmem>>) dst(%dma_wait3A_48 : memref<80x128xf32, #tpu.memory_space<vmem_shared>>)
      tpu.yield
    }) : () -> ()
    %add3A_24 = arith.constant 560 : i32
    %add3A_25 = arith.addi %mul3A_9, %add3A_24 : i32
    "tpu.region"() ({
      %run_scoped3A = tpu.sem_alloc : memref<!tpu.dma_semaphore, #tpu.memory_space<semaphore_mem>>
      %dma_start3A = arith.constant 0 : i32
      %dma_start3A_43 = arith.constant 0 : i32
      %dma_start3A_44 = tpu.memref_slice %arg8[%dma_start3A, %dma_start3A_43] : memref<80x128xf32, #tpu.memory_space<vmem>> -> memref<64x128xf32, #tpu.memory_space<vmem>>
      %dma_start3A_45 = arith.constant 0 : i32
      %dma_start3A_46 = tpu.memref_slice %arg9[%add3A_25, %dma_start3A_45] : memref<10000x128xf32, #tpu.memory_space<vmem_shared>> -> memref<64x128xf32, #tpu.memory_space<vmem_shared>>
      %dma_start3A_47 = arith.constant 0 : i32
      %dma_start3A_48 = tpu.memref_slice %arg9[%add3A_25, %dma_start3A_47] : memref<10000x128xf32, #tpu.memory_space<vmem_shared>> -> memref<64x128xf32, #tpu.memory_space<vmem_shared>>
      %dma_start3A_49 = arith.constant 0 : i32
      %dma_start3A_50 = arith.constant 0 : i32
      %dma_start3A_51 = tpu.memref_slice %arg8[%dma_start3A_49, %dma_start3A_50] : memref<80x128xf32, #tpu.memory_space<vmem>> -> memref<64x128xf32, #tpu.memory_space<vmem>>
      tpu.enqueue_dma source(%dma_start3A_51 : memref<64x128xf32, #tpu.memory_space<vmem>>) target(%dma_start3A_48 : memref<64x128xf32, #tpu.memory_space<vmem_shared>>) target_semaphore(%run_scoped3A : memref<!tpu.dma_semaphore, #tpu.memory_space<semaphore_mem>>)
      %dma_wait3A = arith.constant 0 : i32
      %dma_wait3A_52 = arith.constant 0 : i32
      %dma_wait3A_53 = tpu.memref_slice %arg8[%dma_wait3A, %dma_wait3A_52] : memref<80x128xf32, #tpu.memory_space<vmem>> -> memref<64x128xf32, #tpu.memory_space<vmem>>
      %dma_wait3A_54 = arith.constant 0 : i32
      %dma_wait3A_55 = tpu.memref_slice %arg9[%add3A_25, %dma_wait3A_54] : memref<10000x128xf32, #tpu.memory_space<vmem_shared>> -> memref<64x128xf32, #tpu.memory_space<vmem_shared>>
      %dma_wait3A_56 = arith.constant 0 : i32
      %dma_wait3A_57 = tpu.memref_slice %arg9[%add3A_25, %dma_wait3A_56] : memref<10000x128xf32, #tpu.memory_space<vmem_shared>> -> memref<64x128xf32, #tpu.memory_space<vmem_shared>>
      %dma_wait3A_58 = arith.constant 0 : i32
      %dma_wait3A_59 = arith.constant 0 : i32
      %dma_wait3A_60 = tpu.memref_slice %arg8[%dma_wait3A_58, %dma_wait3A_59] : memref<80x128xf32, #tpu.memory_space<vmem>> -> memref<64x128xf32, #tpu.memory_space<vmem>>
      tpu.wait_dma2 semaphore(%run_scoped3A : memref<!tpu.dma_semaphore, #tpu.memory_space<semaphore_mem>>) src(%dma_wait3A_60 : memref<64x128xf32, #tpu.memory_space<vmem>>) dst(%dma_wait3A_57 : memref<64x128xf32, #tpu.memory_space<vmem_shared>>)
      tpu.yield
    }) : () -> ()
    %eq3A = arith.constant 15 : i32
    %eq3A_26 = arith.cmpi eq, %arg1, %eq3A : i32
    %convert_element_type3A = arith.extui %eq3A_26 : i1 to i32
    %cond3A = arith.constant 0 : i32
    %cond3A_27 = arith.cmpi ne, %convert_element_type3A, %cond3A : i32
    scf.if %cond3A_27 {
      "tpu.region"() ({
        %run_scoped3A = tpu.sem_alloc : memref<!tpu.dma_semaphore, #tpu.memory_space<semaphore_mem>>
        %dma_start3A = arith.constant 0 : i32
        %dma_start3A_43 = arith.constant 0 : i32
        %dma_start3A_44 = tpu.memref_slice %arg8[%dma_start3A, %dma_start3A_43] : memref<80x128xf32, #tpu.memory_space<vmem>> -> memref<16x128xf32, #tpu.memory_space<vmem>>
        %dma_start3A_45 = arith.constant 9984 : i32
        %dma_start3A_46 = arith.constant 0 : i32
        %dma_start3A_47 = tpu.memref_slice %arg9[%dma_start3A_45, %dma_start3A_46] : memref<10000x128xf32, #tpu.memory_space<vmem_shared>> -> memref<16x128xf32, #tpu.memory_space<vmem_shared>>
        %dma_start3A_48 = arith.constant 9984 : i32
        %dma_start3A_49 = arith.constant 0 : i32
        %dma_start3A_50 = tpu.memref_slice %arg9[%dma_start3A_48, %dma_start3A_49] : memref<10000x128xf32, #tpu.memory_space<vmem_shared>> -> memref<16x128xf32, #tpu.memory_space<vmem_shared>>
        %dma_start3A_51 = arith.constant 0 : i32
        %dma_start3A_52 = arith.constant 0 : i32
        %dma_start3A_53 = tpu.memref_slice %arg8[%dma_start3A_51, %dma_start3A_52] : memref<80x128xf32, #tpu.memory_space<vmem>> -> memref<16x128xf32, #tpu.memory_space<vmem>>
        tpu.enqueue_dma source(%dma_start3A_53 : memref<16x128xf32, #tpu.memory_space<vmem>>) target(%dma_start3A_50 : memref<16x128xf32, #tpu.memory_space<vmem_shared>>) target_semaphore(%run_scoped3A : memref<!tpu.dma_semaphore, #tpu.memory_space<semaphore_mem>>)
        %dma_wait3A = arith.constant 0 : i32
        %dma_wait3A_54 = arith.constant 0 : i32
        %dma_wait3A_55 = tpu.memref_slice %arg8[%dma_wait3A, %dma_wait3A_54] : memref<80x128xf32, #tpu.memory_space<vmem>> -> memref<16x128xf32, #tpu.memory_space<vmem>>
        %dma_wait3A_56 = arith.constant 9984 : i32
        %dma_wait3A_57 = arith.constant 0 : i32
        %dma_wait3A_58 = tpu.memref_slice %arg9[%dma_wait3A_56, %dma_wait3A_57] : memref<10000x128xf32, #tpu.memory_space<vmem_shared>> -> memref<16x128xf32, #tpu.memory_space<vmem_shared>>
        %dma_wait3A_59 = arith.constant 9984 : i32
        %dma_wait3A_60 = arith.constant 0 : i32
        %dma_wait3A_61 = tpu.memref_slice %arg9[%dma_wait3A_59, %dma_wait3A_60] : memref<10000x128xf32, #tpu.memory_space<vmem_shared>> -> memref<16x128xf32, #tpu.memory_space<vmem_shared>>
        %dma_wait3A_62 = arith.constant 0 : i32
        %dma_wait3A_63 = arith.constant 0 : i32
        %dma_wait3A_64 = tpu.memref_slice %arg8[%dma_wait3A_62, %dma_wait3A_63] : memref<80x128xf32, #tpu.memory_space<vmem>> -> memref<16x128xf32, #tpu.memory_space<vmem>>
        tpu.wait_dma2 semaphore(%run_scoped3A : memref<!tpu.dma_semaphore, #tpu.memory_space<semaphore_mem>>) src(%dma_wait3A_64 : memref<16x128xf32, #tpu.memory_space<vmem>>) dst(%dma_wait3A_61 : memref<16x128xf32, #tpu.memory_space<vmem_shared>>)
        tpu.yield
      }) : () -> ()
    } else {
    }
    %barrier3A = arith.constant 0 : index
    tpu.barrier barrier_id(%barrier3A)
    "tpu.region"() ({
      %run_scoped3A = tpu.sem_alloc : memref<!tpu.dma_semaphore, #tpu.memory_space<semaphore_mem>>
      %dma_start3A = arith.constant 0 : i32
      %dma_start3A_43 = tpu.memref_slice %arg4[%add3A, %dma_start3A] : memref<32x10000xf32, #tpu.memory_space<hbm>> -> memref<1x10000xf32, #tpu.memory_space<hbm>>
      %dma_start3A_44 = tpu.memref_squeeze %dma_start3A_43 : memref<1x10000xf32, #tpu.memory_space<hbm>> -> memref<10000xf32, #tpu.memory_space<hbm>>
      %dma_start3A_45 = arith.constant 0 : i32
      %dma_start3A_46 = tpu.memref_slice %arg4[%add3A, %dma_start3A_45] : memref<32x10000xf32, #tpu.memory_space<hbm>> -> memref<1x10000xf32, #tpu.memory_space<hbm>>
      %dma_start3A_47 = tpu.memref_squeeze %dma_start3A_46 : memref<1x10000xf32, #tpu.memory_space<hbm>> -> memref<10000xf32, #tpu.memory_space<hbm>>
      tpu.enqueue_dma source(%dma_start3A_47 : memref<10000xf32, #tpu.memory_space<hbm>>) target(%arg7 : memref<10000xf32, #tpu.memory_space<vmem>>) target_semaphore(%run_scoped3A : memref<!tpu.dma_semaphore, #tpu.memory_space<semaphore_mem>>)
      %dma_wait3A = arith.constant 0 : i32
      %dma_wait3A_48 = tpu.memref_slice %arg4[%add3A, %dma_wait3A] : memref<32x10000xf32, #tpu.memory_space<hbm>> -> memref<1x10000xf32, #tpu.memory_space<hbm>>
      %dma_wait3A_49 = tpu.memref_squeeze %dma_wait3A_48 : memref<1x10000xf32, #tpu.memory_space<hbm>> -> memref<10000xf32, #tpu.memory_space<hbm>>
      %dma_wait3A_50 = arith.constant 0 : i32
      %dma_wait3A_51 = tpu.memref_slice %arg4[%add3A, %dma_wait3A_50] : memref<32x10000xf32, #tpu.memory_space<hbm>> -> memref<1x10000xf32, #tpu.memory_space<hbm>>
      %dma_wait3A_52 = tpu.memref_squeeze %dma_wait3A_51 : memref<1x10000xf32, #tpu.memory_space<hbm>> -> memref<10000xf32, #tpu.memory_space<hbm>>
      tpu.wait_dma2 semaphore(%run_scoped3A : memref<!tpu.dma_semaphore, #tpu.memory_space<semaphore_mem>>) src(%dma_wait3A_52 : memref<10000xf32, #tpu.memory_space<hbm>>) dst(%arg7 : memref<10000xf32, #tpu.memory_space<vmem>>)
      tpu.yield
    }) : () -> ()
    %scan3A_28 = arith.constant 0 : i32
    %scan3A_29 = arith.constant 0 : i32
    %scan3A_30 = arith.constant 125 : i32
    %scan3A_31 = arith.addi %scan3A_29, %scan3A_30 : i32
    %scan3A_32 = arith.constant 1 : i32
    %scan3A_33 = scf.for %scan3A_43 = %scan3A_29 to %scan3A_31 step %scan3A_32 iter_args(%scan3A_44 = %scan3A_28) -> (i32)  : i32 {
      "tpu.region"() ({
        %run_scoped3A_65 = tpu.sem_alloc : memref<!tpu.dma_semaphore, #tpu.memory_space<semaphore_mem>>
        %dma_start3A_66 = arith.constant 0 : i32
        %dma_start3A_67 = arith.constant 0 : i32
        %dma_start3A_68 = tpu.memref_slice %arg3[%add3A, %scan3A_43, %dma_start3A_66, %dma_start3A_67] : memref<32x125x2x80xi32, #tpu.memory_space<hbm>> -> memref<1x1x2x80xi32, #tpu.memory_space<hbm>>
        %dma_start3A_69 = tpu.memref_squeeze %dma_start3A_68 : memref<1x1x2x80xi32, #tpu.memory_space<hbm>> -> memref<2x80xi32, #tpu.memory_space<hbm>>
        %dma_start3A_70 = arith.constant 0 : i32
        %dma_start3A_71 = arith.constant 0 : i32
        %dma_start3A_72 = tpu.memref_slice %arg3[%add3A, %scan3A_43, %dma_start3A_70, %dma_start3A_71] : memref<32x125x2x80xi32, #tpu.memory_space<hbm>> -> memref<1x1x2x80xi32, #tpu.memory_space<hbm>>
        %dma_start3A_73 = tpu.memref_squeeze %dma_start3A_72 : memref<1x1x2x80xi32, #tpu.memory_space<hbm>> -> memref<2x80xi32, #tpu.memory_space<hbm>>
        tpu.enqueue_dma source(%dma_start3A_73 : memref<2x80xi32, #tpu.memory_space<hbm>>) target(%arg6 : memref<2x80xi32, #tpu.memory_space<vmem>>) target_semaphore(%run_scoped3A_65 : memref<!tpu.dma_semaphore, #tpu.memory_space<semaphore_mem>>)
        %dma_wait3A_74 = arith.constant 0 : i32
        %dma_wait3A_75 = arith.constant 0 : i32
        %dma_wait3A_76 = tpu.memref_slice %arg3[%add3A, %scan3A_43, %dma_wait3A_74, %dma_wait3A_75] : memref<32x125x2x80xi32, #tpu.memory_space<hbm>> -> memref<1x1x2x80xi32, #tpu.memory_space<hbm>>
        %dma_wait3A_77 = tpu.memref_squeeze %dma_wait3A_76 : memref<1x1x2x80xi32, #tpu.memory_space<hbm>> -> memref<2x80xi32, #tpu.memory_space<hbm>>
        %dma_wait3A_78 = arith.constant 0 : i32
        %dma_wait3A_79 = arith.constant 0 : i32
        %dma_wait3A_80 = tpu.memref_slice %arg3[%add3A, %scan3A_43, %dma_wait3A_78, %dma_wait3A_79] : memref<32x125x2x80xi32, #tpu.memory_space<hbm>> -> memref<1x1x2x80xi32, #tpu.memory_space<hbm>>
        %dma_wait3A_81 = tpu.memref_squeeze %dma_wait3A_80 : memref<1x1x2x80xi32, #tpu.memory_space<hbm>> -> memref<2x80xi32, #tpu.memory_space<hbm>>
        tpu.wait_dma2 semaphore(%run_scoped3A_65 : memref<!tpu.dma_semaphore, #tpu.memory_space<semaphore_mem>>) src(%dma_wait3A_81 : memref<2x80xi32, #tpu.memory_space<hbm>>) dst(%arg6 : memref<2x80xi32, #tpu.memory_space<vmem>>)
        tpu.yield
      }) : () -> ()
      %dma_start3A = arith.constant 0 : i32
      %dma_start3A_45 = arith.constant 0 : i32
      %dma_start3A_46 = tpu.memref_slice %arg6[%dma_start3A, %dma_start3A_45] : memref<2x80xi32, #tpu.memory_space<vmem>> -> memref<1x80xi32, #tpu.memory_space<vmem>>
      %dma_start3A_47 = tpu.memref_squeeze %dma_start3A_46 : memref<1x80xi32, #tpu.memory_space<vmem>> -> memref<80xi32, #tpu.memory_space<vmem>>
      %dma_start3A_48 = arith.constant 0 : i32
      %dma_start3A_49 = arith.constant 0 : i32
      %dma_start3A_50 = tpu.memref_slice %arg2[%dma_start3A_48, %dma_start3A_49] : memref<10000x128xf32, #tpu.memory_space<hbm>> -> memref<10000x128xf32, #tpu.memory_space<hbm>>
      tpu.enqueue_indirect_dma source(%dma_start3A_50 : memref<10000x128xf32, #tpu.memory_space<hbm>>) target(%arg8 : memref<80x128xf32, #tpu.memory_space<vmem>>) offsets(%dma_start3A_47 : memref<80xi32, #tpu.memory_space<vmem>>) semaphore(%arg10 : memref<!tpu.dma_semaphore, #tpu.memory_space<semaphore_mem>>)
      %dma_wait3A = arith.constant 0 : i32
      %dma_wait3A_51 = arith.constant 0 : i32
      %dma_wait3A_52 = tpu.memref_slice %arg6[%dma_wait3A, %dma_wait3A_51] : memref<2x80xi32, #tpu.memory_space<vmem>> -> memref<1x80xi32, #tpu.memory_space<vmem>>
      %dma_wait3A_53 = tpu.memref_squeeze %dma_wait3A_52 : memref<1x80xi32, #tpu.memory_space<vmem>> -> memref<80xi32, #tpu.memory_space<vmem>>
      %dma_wait3A_54 = arith.constant 0 : i32
      %dma_wait3A_55 = arith.constant 0 : i32
      %dma_wait3A_56 = tpu.memref_slice %arg2[%dma_wait3A_54, %dma_wait3A_55] : memref<10000x128xf32, #tpu.memory_space<hbm>> -> memref<10000x128xf32, #tpu.memory_space<hbm>>
      tpu.wait_indirect_dma semaphore(%arg10 : memref<!tpu.dma_semaphore, #tpu.memory_space<semaphore_mem>>) src(%dma_wait3A_56 : memref<10000x128xf32, #tpu.memory_space<hbm>>) dst(%arg8 : memref<80x128xf32, #tpu.memory_space<vmem>>)
      %scan3A_57 = arith.constant 0 : i32
      %scan3A_58 = arith.constant 0 : i32
      %scan3A_59 = arith.constant 80 : i32
      %scan3A_60 = arith.addi %scan3A_58, %scan3A_59 : i32
      %scan3A_61 = arith.constant 1 : i32
      %scan3A_62 = scf.for %scan3A_65 = %scan3A_58 to %scan3A_60 step %scan3A_61 iter_args(%scan3A_66 = %scan3A_57) -> (i32)  : i32 {
        %mul3A_67 = arith.constant 80 : i32
        %mul3A_68 = arith.muli %scan3A_43, %mul3A_67 : i32
        %add3A_69 = arith.addi %mul3A_68, %scan3A_65 : i32
        %broadcast_in_dim3A_70 = vector.broadcast %add3A_69 : i32 to vector<16xi32>
        %gather3A = tpu.vector_load_idx %arg7[%broadcast_in_dim3A_70] : memref<10000xf32, #tpu.memory_space<vmem>>[vector<16xi32>], vector<16xf32>,
        %get3A = arith.index_cast %scan3A_65 : i32 to index
        %get3A_71 = arith.constant 0 : index
        %get3A_72 = tpu.vector_load %arg8[%get3A, %get3A_71] {strides = array<i32>} : memref<80x128xf32, #tpu.memory_space<vmem>>, vector<16xf32>,
        %mul3A_73 = arith.mulf %get3A_72, %gather3A : vector<16xf32>
        %swap3A = arith.index_cast %scan3A_65 : i32 to index
        %swap3A_74 = arith.constant 0 : index
        %swap3A_75 = tpu.vector_load %arg8[%swap3A, %swap3A_74] {strides = array<i32>} : memref<80x128xf32, #tpu.memory_space<vmem>>, vector<16xf32>,
        tpu.vector_store %arg8[%swap3A, %swap3A_74], %mul3A_73 {strides = array<i32>} : memref<80x128xf32, #tpu.memory_space<vmem>>, vector<16xf32>,
        %get3A_76 = arith.index_cast %scan3A_65 : i32 to index
        %get3A_77 = arith.constant 16 : index
        %get3A_78 = tpu.vector_load %arg8[%get3A_76, %get3A_77] {strides = array<i32>} : memref<80x128xf32, #tpu.memory_space<vmem>>, vector<16xf32>,
        %mul3A_79 = arith.mulf %get3A_78, %gather3A : vector<16xf32>
        %swap3A_80 = arith.index_cast %scan3A_65 : i32 to index
        %swap3A_81 = arith.constant 16 : index
        %swap3A_82 = tpu.vector_load %arg8[%swap3A_80, %swap3A_81] {strides = array<i32>} : memref<80x128xf32, #tpu.memory_space<vmem>>, vector<16xf32>,
        tpu.vector_store %arg8[%swap3A_80, %swap3A_81], %mul3A_79 {strides = array<i32>} : memref<80x128xf32, #tpu.memory_space<vmem>>, vector<16xf32>,
        %get3A_83 = arith.index_cast %scan3A_65 : i32 to index
        %get3A_84 = arith.constant 32 : index
        %get3A_85 = tpu.vector_load %arg8[%get3A_83, %get3A_84] {strides = array<i32>} : memref<80x128xf32, #tpu.memory_space<vmem>>, vector<16xf32>,
        %mul3A_86 = arith.mulf %get3A_85, %gather3A : vector<16xf32>
        %swap3A_87 = arith.index_cast %scan3A_65 : i32 to index
        %swap3A_88 = arith.constant 32 : index
        %swap3A_89 = tpu.vector_load %arg8[%swap3A_87, %swap3A_88] {strides = array<i32>} : memref<80x128xf32, #tpu.memory_space<vmem>>, vector<16xf32>,
        tpu.vector_store %arg8[%swap3A_87, %swap3A_88], %mul3A_86 {strides = array<i32>} : memref<80x128xf32, #tpu.memory_space<vmem>>, vector<16xf32>,
        %get3A_90 = arith.index_cast %scan3A_65 : i32 to index
        %get3A_91 = arith.constant 48 : index
        %get3A_92 = tpu.vector_load %arg8[%get3A_90, %get3A_91] {strides = array<i32>} : memref<80x128xf32, #tpu.memory_space<vmem>>, vector<16xf32>,
        %mul3A_93 = arith.mulf %get3A_92, %gather3A : vector<16xf32>
        %swap3A_94 = arith.index_cast %scan3A_65 : i32 to index
        %swap3A_95 = arith.constant 48 : index
        %swap3A_96 = tpu.vector_load %arg8[%swap3A_94, %swap3A_95] {strides = array<i32>} : memref<80x128xf32, #tpu.memory_space<vmem>>, vector<16xf32>,
        tpu.vector_store %arg8[%swap3A_94, %swap3A_95], %mul3A_93 {strides = array<i32>} : memref<80x128xf32, #tpu.memory_space<vmem>>, vector<16xf32>,
        %get3A_97 = arith.index_cast %scan3A_65 : i32 to index
        %get3A_98 = arith.constant 64 : index
        %get3A_99 = tpu.vector_load %arg8[%get3A_97, %get3A_98] {strides = array<i32>} : memref<80x128xf32, #tpu.memory_space<vmem>>, vector<16xf32>,
        %mul3A_100 = arith.mulf %get3A_99, %gather3A : vector<16xf32>
        %swap3A_101 = arith.index_cast %scan3A_65 : i32 to index
        %swap3A_102 = arith.constant 64 : index
        %swap3A_103 = tpu.vector_load %arg8[%swap3A_101, %swap3A_102] {strides = array<i32>} : memref<80x128xf32, #tpu.memory_space<vmem>>, vector<16xf32>,
        tpu.vector_store %arg8[%swap3A_101, %swap3A_102], %mul3A_100 {strides = array<i32>} : memref<80x128xf32, #tpu.memory_space<vmem>>, vector<16xf32>,
        %get3A_104 = arith.index_cast %scan3A_65 : i32 to index
        %get3A_105 = arith.constant 80 : index
        %get3A_106 = tpu.vector_load %arg8[%get3A_104, %get3A_105] {strides = array<i32>} : memref<80x128xf32, #tpu.memory_space<vmem>>, vector<16xf32>,
        %mul3A_107 = arith.mulf %get3A_106, %gather3A : vector<16xf32>
        %swap3A_108 = arith.index_cast %scan3A_65 : i32 to index
        %swap3A_109 = arith.constant 80 : index
        %swap3A_110 = tpu.vector_load %arg8[%swap3A_108, %swap3A_109] {strides = array<i32>} : memref<80x128xf32, #tpu.memory_space<vmem>>, vector<16xf32>,
        tpu.vector_store %arg8[%swap3A_108, %swap3A_109], %mul3A_107 {strides = array<i32>} : memref<80x128xf32, #tpu.memory_space<vmem>>, vector<16xf32>,
        %get3A_111 = arith.index_cast %scan3A_65 : i32 to index
        %get3A_112 = arith.constant 96 : index
        %get3A_113 = tpu.vector_load %arg8[%get3A_111, %get3A_112] {strides = array<i32>} : memref<80x128xf32, #tpu.memory_space<vmem>>, vector<16xf32>,
        %mul3A_114 = arith.mulf %get3A_113, %gather3A : vector<16xf32>
        %swap3A_115 = arith.index_cast %scan3A_65 : i32 to index
        %swap3A_116 = arith.constant 96 : index
        %swap3A_117 = tpu.vector_load %arg8[%swap3A_115, %swap3A_116] {strides = array<i32>} : memref<80x128xf32, #tpu.memory_space<vmem>>, vector<16xf32>,
        tpu.vector_store %arg8[%swap3A_115, %swap3A_116], %mul3A_114 {strides = array<i32>} : memref<80x128xf32, #tpu.memory_space<vmem>>, vector<16xf32>,
        %get3A_118 = arith.index_cast %scan3A_65 : i32 to index
        %get3A_119 = arith.constant 112 : index
        %get3A_120 = tpu.vector_load %arg8[%get3A_118, %get3A_119] {strides = array<i32>} : memref<80x128xf32, #tpu.memory_space<vmem>>, vector<16xf32>,
        %mul3A_121 = arith.mulf %get3A_120, %gather3A : vector<16xf32>
        %swap3A_122 = arith.index_cast %scan3A_65 : i32 to index
        %swap3A_123 = arith.constant 112 : index
        %swap3A_124 = tpu.vector_load %arg8[%swap3A_122, %swap3A_123] {strides = array<i32>} : memref<80x128xf32, #tpu.memory_space<vmem>>, vector<16xf32>,
        tpu.vector_store %arg8[%swap3A_122, %swap3A_123], %mul3A_121 {strides = array<i32>} : memref<80x128xf32, #tpu.memory_space<vmem>>, vector<16xf32>,
        %scan3A_125 = arith.constant 0 : i32
        scf.yield %scan3A_125 : i32
      }
      %scan3A_63 = arith.constant 80 : i32
      %run_scoped3A = arith.constant 1 : i32
      "tpu.region"() ({
        %run_scoped3A_65 = tpu.sem_alloc : memref<!tpu.dma_semaphore, #tpu.memory_space<semaphore_mem>>
        %dma_start3A_66 = arith.constant 0 : i32
        %dma_start3A_67 = tpu.memref_slice %arg6[%run_scoped3A, %dma_start3A_66] : memref<2x80xi32, #tpu.memory_space<vmem>> -> memref<1x80xi32, #tpu.memory_space<vmem>>
        %dma_start3A_68 = tpu.memref_squeeze %dma_start3A_67 : memref<1x80xi32, #tpu.memory_space<vmem>> -> memref<80xi32, #tpu.memory_space<vmem>>
        %dma_start3A_69 = arith.constant 0 : i32
        %dma_start3A_70 = arith.constant 0 : i32
        %dma_start3A_71 = tpu.memref_slice %arg9[%dma_start3A_69, %dma_start3A_70] : memref<10000x128xf32, #tpu.memory_space<vmem_shared>> -> memref<10000x128xf32, #tpu.memory_space<vmem_shared>>
        tpu.enqueue_indirect_dma source(%arg8 : memref<80x128xf32, #tpu.memory_space<vmem>>) target(%dma_start3A_71 : memref<10000x128xf32, #tpu.memory_space<vmem_shared>>) offsets(%dma_start3A_68 : memref<80xi32, #tpu.memory_space<vmem>>) semaphore(%run_scoped3A_65 : memref<!tpu.dma_semaphore, #tpu.memory_space<semaphore_mem>>) {add = true}
        %dma_wait3A_72 = arith.constant 0 : i32
        %dma_wait3A_73 = tpu.memref_slice %arg6[%run_scoped3A, %dma_wait3A_72] : memref<2x80xi32, #tpu.memory_space<vmem>> -> memref<1x80xi32, #tpu.memory_space<vmem>>
        %dma_wait3A_74 = tpu.memref_squeeze %dma_wait3A_73 : memref<1x80xi32, #tpu.memory_space<vmem>> -> memref<80xi32, #tpu.memory_space<vmem>>
        %dma_wait3A_75 = arith.constant 0 : i32
        %dma_wait3A_76 = arith.constant 0 : i32
        %dma_wait3A_77 = tpu.memref_slice %arg9[%dma_wait3A_75, %dma_wait3A_76] : memref<10000x128xf32, #tpu.memory_space<vmem_shared>> -> memref<10000x128xf32, #tpu.memory_space<vmem_shared>>
        tpu.wait_indirect_dma semaphore(%run_scoped3A_65 : memref<!tpu.dma_semaphore, #tpu.memory_space<semaphore_mem>>) src(%arg8 : memref<80x128xf32, #tpu.memory_space<vmem>>) dst(%dma_wait3A_77 : memref<10000x128xf32, #tpu.memory_space<vmem_shared>>)
        tpu.yield
      }) : () -> ()
      %scan3A_64 = arith.constant 0 : i32
      scf.yield %scan3A_64 : i32
    }
    %scan3A_34 = arith.constant 125 : i32
    %barrier3A_35 = arith.constant 0 : index
    tpu.barrier barrier_id(%barrier3A_35)
    %mul3A_36 = arith.constant 624 : i32
    %mul3A_37 = arith.muli %arg1, %mul3A_36 : i32
    "tpu.region"() ({
      %run_scoped3A = tpu.sem_alloc : memref<!tpu.dma_semaphore, #tpu.memory_space<semaphore_mem>>
      %dma_start3A = arith.constant 0 : i32
      %dma_start3A_43 = tpu.memref_slice %arg5[%arg0, %mul3A_37, %dma_start3A] : memref<2x10000x128xf32, #tpu.memory_space<hbm>> -> memref<1x624x128xf32, #tpu.memory_space<hbm>>
      %dma_start3A_44 = tpu.memref_squeeze %dma_start3A_43 : memref<1x624x128xf32, #tpu.memory_space<hbm>> -> memref<624x128xf32, #tpu.memory_space<hbm>>
      %dma_start3A_45 = arith.constant 0 : i32
      %dma_start3A_46 = tpu.memref_slice %arg9[%mul3A_37, %dma_start3A_45] : memref<10000x128xf32, #tpu.memory_space<vmem_shared>> -> memref<624x128xf32, #tpu.memory_space<vmem_shared>>
      tpu.enqueue_dma source(%dma_start3A_46 : memref<624x128xf32, #tpu.memory_space<vmem_shared>>) target(%dma_start3A_44 : memref<624x128xf32, #tpu.memory_space<hbm>>) target_semaphore(%run_scoped3A : memref<!tpu.dma_semaphore, #tpu.memory_space<semaphore_mem>>)
      %dma_wait3A = arith.constant 0 : i32
      %dma_wait3A_47 = tpu.memref_slice %arg5[%arg0, %mul3A_37, %dma_wait3A] : memref<2x10000x128xf32, #tpu.memory_space<hbm>> -> memref<1x624x128xf32, #tpu.memory_space<hbm>>
      %dma_wait3A_48 = tpu.memref_squeeze %dma_wait3A_47 : memref<1x624x128xf32, #tpu.memory_space<hbm>> -> memref<624x128xf32, #tpu.memory_space<hbm>>
      %dma_wait3A_49 = arith.constant 0 : i32
      %dma_wait3A_50 = tpu.memref_slice %arg9[%mul3A_37, %dma_wait3A_49] : memref<10000x128xf32, #tpu.memory_space<vmem_shared>> -> memref<624x128xf32, #tpu.memory_space<vmem_shared>>
      tpu.wait_dma2 semaphore(%run_scoped3A : memref<!tpu.dma_semaphore, #tpu.memory_space<semaphore_mem>>) src(%dma_wait3A_50 : memref<624x128xf32, #tpu.memory_space<vmem_shared>>) dst(%dma_wait3A_48 : memref<624x128xf32, #tpu.memory_space<hbm>>)
      tpu.yield
    }) : () -> ()
    %eq3A_38 = arith.constant 15 : i32
    %eq3A_39 = arith.cmpi eq, %arg1, %eq3A_38 : i32
    %convert_element_type3A_40 = arith.extui %eq3A_39 : i1 to i32
    %cond3A_41 = arith.constant 0 : i32
    %cond3A_42 = arith.cmpi ne, %convert_element_type3A_40, %cond3A_41 : i32
    scf.if %cond3A_42 {
      "tpu.region"() ({
        %run_scoped3A = tpu.sem_alloc : memref<!tpu.dma_semaphore, #tpu.memory_space<semaphore_mem>>
        %dma_start3A = arith.constant 9984 : i32
        %dma_start3A_43 = arith.constant 0 : i32
        %dma_start3A_44 = tpu.memref_slice %arg5[%arg0, %dma_start3A, %dma_start3A_43] : memref<2x10000x128xf32, #tpu.memory_space<hbm>> -> memref<1x16x128xf32, #tpu.memory_space<hbm>>
        %dma_start3A_45 = tpu.memref_squeeze %dma_start3A_44 : memref<1x16x128xf32, #tpu.memory_space<hbm>> -> memref<16x128xf32, #tpu.memory_space<hbm>>
        %dma_start3A_46 = arith.constant 9984 : i32
        %dma_start3A_47 = arith.constant 0 : i32
        %dma_start3A_48 = tpu.memref_slice %arg9[%dma_start3A_46, %dma_start3A_47] : memref<10000x128xf32, #tpu.memory_space<vmem_shared>> -> memref<16x128xf32, #tpu.memory_space<vmem_shared>>
        tpu.enqueue_dma source(%dma_start3A_48 : memref<16x128xf32, #tpu.memory_space<vmem_shared>>) target(%dma_start3A_45 : memref<16x128xf32, #tpu.memory_space<hbm>>) target_semaphore(%run_scoped3A : memref<!tpu.dma_semaphore, #tpu.memory_space<semaphore_mem>>)
        %dma_wait3A = arith.constant 9984 : i32
        %dma_wait3A_49 = arith.constant 0 : i32
        %dma_wait3A_50 = tpu.memref_slice %arg5[%arg0, %dma_wait3A, %dma_wait3A_49] : memref<2x10000x128xf32, #tpu.memory_space<hbm>> -> memref<1x16x128xf32, #tpu.memory_space<hbm>>
        %dma_wait3A_51 = tpu.memref_squeeze %dma_wait3A_50 : memref<1x16x128xf32, #tpu.memory_space<hbm>> -> memref<16x128xf32, #tpu.memory_space<hbm>>
        %dma_wait3A_52 = arith.constant 9984 : i32
        %dma_wait3A_53 = arith.constant 0 : i32
        %dma_wait3A_54 = tpu.memref_slice %arg9[%dma_wait3A_52, %dma_wait3A_53] : memref<10000x128xf32, #tpu.memory_space<vmem_shared>> -> memref<16x128xf32, #tpu.memory_space<vmem_shared>>
        tpu.wait_dma2 semaphore(%run_scoped3A : memref<!tpu.dma_semaphore, #tpu.memory_space<semaphore_mem>>) src(%dma_wait3A_54 : memref<16x128xf32, #tpu.memory_space<vmem_shared>>) dst(%dma_wait3A_51 : memref<16x128xf32, #tpu.memory_space<hbm>>)
        tpu.yield
      }) : () -> ()
    } else {
    }
    return
  }
}

module attributes {stable_mosaic.version = 14 : i64} {
  func.func @_tc_layer_body(%arg0: i32, %arg1: memref<1000x128xf32, #tpu.memory_space<vmem>>, %arg2: memref<2x1000x128xf32, #tpu.memory_space<vmem>>, %arg3: memref<128x128xf32, #tpu.memory_space<vmem>>, %arg4: memref<128x128xf32, #tpu.memory_space<vmem>>, %arg5: memref<1x128xf32, #tpu.memory_space<vmem>>, %arg6: memref<1000x128xf32, #tpu.memory_space<vmem>>) attributes {dimension_semantics = [#tpu.dimension_semantics<arbitrary>], iteration_bounds = array<i64: 10>, scalar_prefetch = 0 : i64, scratch_operands = 0 : i64, tpu.core_type = #tpu.core_type<tc>, window_params = [{transform_indices = @transform_0, window_bounds = array<i64: 1000, 128>}, {transform_indices = @transform_1, window_bounds = array<i64: 2, 1000, 128>}, {pipeline_mode = #tpu.pipeline_mode<synchronous>, transform_indices = @transform_2, window_bounds = array<i64: 128, 128>}, {pipeline_mode = #tpu.pipeline_mode<synchronous>, transform_indices = @transform_3, window_bounds = array<i64: 128, 128>}, {pipeline_mode = #tpu.pipeline_mode<synchronous>, transform_indices = @transform_4, window_bounds = array<i64: 1, 128>}, {transform_indices = @transform_5, window_bounds = array<i64: 1000, 128>}]} {
    %get3A = arith.constant 0 : index
    %get3A_0 = arith.constant 0 : index
    %get3A_1 = arith.constant 0 : index
    %get3A_2 = vector.load %arg2[%get3A, %get3A_0, %get3A_1] : memref<2x1000x128xf32, #tpu.memory_space<vmem>>, vector<1x1000x128xf32>
    %get3A_3 = vector.shape_cast %get3A_2 : vector<1x1000x128xf32> to vector<1000x128xf32>
    %get3A_4 = arith.constant 1 : index
    %get3A_5 = arith.constant 0 : index
    %get3A_6 = arith.constant 0 : index
    %get3A_7 = vector.load %arg2[%get3A_4, %get3A_5, %get3A_6] : memref<2x1000x128xf32, #tpu.memory_space<vmem>>, vector<1x1000x128xf32>
    %get3A_8 = vector.shape_cast %get3A_7 : vector<1x1000x128xf32> to vector<1000x128xf32>
    %add3A = arith.addf %get3A_3, %get3A_8 : vector<1000x128xf32>
    %get3A_9 = arith.constant 0 : index
    %get3A_10 = arith.constant 0 : index
    %get3A_11 = vector.load %arg3[%get3A_9, %get3A_10] : memref<128x128xf32, #tpu.memory_space<vmem>>, vector<128x128xf32>
    %dot_general3A = arith.constant dense<0.000000e+00> : vector<1000x128xf32>
    %dot_general3A_12 = tpu.matmul %add3A, %get3A_11, %dot_general3A {dimension_numbers = #tpu.dot_dimension_numbers<[1], [0], [0], [1], [0, 0, 1, 1], [], []>, transpose_lhs_hint = false} : vector<1000x128xf32>, vector<128x128xf32>, vector<1000x128xf32> -> vector<1000x128xf32>
    %get3A_13 = arith.constant 0 : index
    %get3A_14 = arith.constant 0 : index
    %get3A_15 = vector.load %arg1[%get3A_13, %get3A_14] : memref<1000x128xf32, #tpu.memory_space<vmem>>, vector<1000x128xf32>
    %get3A_16 = arith.constant 0 : index
    %get3A_17 = arith.constant 0 : index
    %get3A_18 = vector.load %arg4[%get3A_16, %get3A_17] : memref<128x128xf32, #tpu.memory_space<vmem>>, vector<128x128xf32>
    %dot_general3A_19 = arith.constant dense<0.000000e+00> : vector<1000x128xf32>
    %dot_general3A_20 = tpu.matmul %get3A_15, %get3A_18, %dot_general3A_19 {dimension_numbers = #tpu.dot_dimension_numbers<[1], [0], [0], [1], [0, 0, 1, 1], [], []>, transpose_lhs_hint = false} : vector<1000x128xf32>, vector<128x128xf32>, vector<1000x128xf32> -> vector<1000x128xf32>
    %add3A_21 = arith.addf %dot_general3A_12, %dot_general3A_20 : vector<1000x128xf32>
    %get3A_22 = arith.constant 0 : index
    %get3A_23 = arith.constant 0 : index
    %get3A_24 = vector.load %arg5[%get3A_22, %get3A_23] : memref<1x128xf32, #tpu.memory_space<vmem>>, vector<1x128xf32>
    %add3A_25 = vector.broadcast %get3A_24 : vector<1x128xf32> to vector<1000x128xf32>
    %add3A_26 = arith.addf %add3A_21, %add3A_25 : vector<1000x128xf32>
    %max3A = arith.constant 0.000000e+00 : f32
    %max3A_27 = vector.broadcast %max3A : f32 to vector<1000x128xf32>
    %max3A_28 = arith.maximumf %add3A_26, %max3A_27 : vector<1000x128xf32>
    %swap3A = arith.constant 0 : index
    %swap3A_29 = arith.constant 0 : index
    %swap3A_30 = vector.load %arg6[%swap3A, %swap3A_29] : memref<1000x128xf32, #tpu.memory_space<vmem>>, vector<1000x128xf32>
    tpu.vector_store %arg6[%swap3A, %swap3A_29], %max3A_28 {strides = array<i32>} : memref<1000x128xf32, #tpu.memory_space<vmem>>, vector<1000x128xf32>,
    return
  }
  func.func @transform_0(%arg0: i32) -> (i32, i32) {
    %c0_i32 = arith.constant 0 : i32
    %c0_i32_0 = arith.constant 0 : i32
    return %arg0, %c0_i32 : i32, i32
  }
  func.func @transform_1(%arg0: i32) -> (i32, i32, i32) {
    %c0_i32 = arith.constant 0 : i32
    %c0_i32_0 = arith.constant 0 : i32
    %c0_i32_1 = arith.constant 0 : i32
    return %c0_i32, %arg0, %c0_i32_0 : i32, i32, i32
  }
  func.func @transform_2(%arg0: i32) -> (i32, i32) {
    %c0_i32 = arith.constant 0 : i32
    %c0_i32_0 = arith.constant 0 : i32
    %c0_i32_1 = arith.constant 0 : i32
    return %c0_i32, %c0_i32_0 : i32, i32
  }
  func.func @transform_3(%arg0: i32) -> (i32, i32) {
    %c0_i32 = arith.constant 0 : i32
    %c0_i32_0 = arith.constant 0 : i32
    %c0_i32_1 = arith.constant 0 : i32
    return %c0_i32, %c0_i32_0 : i32, i32
  }
  func.func @transform_4(%arg0: i32) -> (i32, i32) {
    %c0_i32 = arith.constant 0 : i32
    %c0_i32_0 = arith.constant 0 : i32
    %c0_i32_1 = arith.constant 0 : i32
    return %c0_i32, %c0_i32_0 : i32, i32
  }
  func.func @transform_5(%arg0: i32) -> (i32, i32) {
    %c0_i32 = arith.constant 0 : i32
    %c0_i32_0 = arith.constant 0 : i32
    return %arg0, %c0_i32 : i32, i32
  }
}

module attributes {stable_mosaic.version = 14 : i64} {
  func.func @_tc_final_body(%arg0: i32, %arg1: memref<1000x128xf32, #tpu.memory_space<vmem>>, %arg2: memref<2x1000x128xf32, #tpu.memory_space<vmem>>, %arg3: memref<128x128xf32, #tpu.memory_space<vmem>>, %arg4: memref<128x128xf32, #tpu.memory_space<vmem>>, %arg5: memref<1x128xf32, #tpu.memory_space<vmem>>, %arg6: memref<1x1x1000xi32, #tpu.memory_space<vmem>>, %arg7: memref<128x128xf32, #tpu.memory_space<vmem>>, %arg8: memref<128x128xf32, #tpu.memory_space<vmem>>, %arg9: memref<128x128xf32, #tpu.memory_space<vmem>>) attributes {dimension_semantics = [#tpu.dimension_semantics<arbitrary>], iteration_bounds = array<i64: 10>, scalar_prefetch = 0 : i64, scratch_operands = 2 : i64, tpu.core_type = #tpu.core_type<tc>, window_params = [{transform_indices = @transform_0, window_bounds = array<i64: 1000, 128>}, {transform_indices = @transform_1, window_bounds = array<i64: 2, 1000, 128>}, {pipeline_mode = #tpu.pipeline_mode<synchronous>, transform_indices = @transform_2, window_bounds = array<i64: 128, 128>}, {pipeline_mode = #tpu.pipeline_mode<synchronous>, transform_indices = @transform_3, window_bounds = array<i64: 128, 128>}, {pipeline_mode = #tpu.pipeline_mode<synchronous>, transform_indices = @transform_4, window_bounds = array<i64: 1, 128>}, {transform_indices = @transform_5, window_bounds = array<i64: 1, 1, 1000>}, {pipeline_mode = #tpu.pipeline_mode<synchronous>, transform_indices = @transform_6, window_bounds = array<i64: 128, 128>}]} {
    %eq3A = arith.constant 0 : i32
    %eq3A_0 = arith.cmpi eq, %arg0, %eq3A : i32
    %convert_element_type3A = arith.extui %eq3A_0 : i1 to i32
    %cond3A = arith.constant 0 : i32
    %cond3A_1 = arith.cmpi ne, %convert_element_type3A, %cond3A : i32
    scf.if %cond3A_1 {
      %broadcast_in_dim3A_62 = arith.constant 0.000000e+00 : f32
      %broadcast_in_dim3A_63 = vector.broadcast %broadcast_in_dim3A_62 : f32 to vector<128x128xf32>
      %swap3A_64 = arith.constant 0 : index
      %swap3A_65 = arith.constant 0 : index
      %swap3A_66 = vector.load %arg8[%swap3A_64, %swap3A_65] : memref<128x128xf32, #tpu.memory_space<vmem>>, vector<128x128xf32>
      tpu.vector_store %arg8[%swap3A_64, %swap3A_65], %broadcast_in_dim3A_63 {strides = array<i32>} : memref<128x128xf32, #tpu.memory_space<vmem>>, vector<128x128xf32>,
      %broadcast_in_dim3A_67 = arith.constant 0.000000e+00 : f32
      %broadcast_in_dim3A_68 = vector.broadcast %broadcast_in_dim3A_67 : f32 to vector<128x128xf32>
      %swap3A_69 = arith.constant 0 : index
      %swap3A_70 = arith.constant 0 : index
      %swap3A_71 = vector.load %arg9[%swap3A_69, %swap3A_70] : memref<128x128xf32, #tpu.memory_space<vmem>>, vector<128x128xf32>
      tpu.vector_store %arg9[%swap3A_69, %swap3A_70], %broadcast_in_dim3A_68 {strides = array<i32>} : memref<128x128xf32, #tpu.memory_space<vmem>>, vector<128x128xf32>,
    } else {
    }
    %get3A = arith.constant 0 : index
    %get3A_2 = arith.constant 0 : index
    %get3A_3 = arith.constant 0 : index
    %get3A_4 = vector.load %arg2[%get3A, %get3A_2, %get3A_3] : memref<2x1000x128xf32, #tpu.memory_space<vmem>>, vector<1x1000x128xf32>
    %get3A_5 = vector.shape_cast %get3A_4 : vector<1x1000x128xf32> to vector<1000x128xf32>
    %get3A_6 = arith.constant 1 : index
    %get3A_7 = arith.constant 0 : index
    %get3A_8 = arith.constant 0 : index
    %get3A_9 = vector.load %arg2[%get3A_6, %get3A_7, %get3A_8] : memref<2x1000x128xf32, #tpu.memory_space<vmem>>, vector<1x1000x128xf32>
    %get3A_10 = vector.shape_cast %get3A_9 : vector<1x1000x128xf32> to vector<1000x128xf32>
    %add3A = arith.addf %get3A_5, %get3A_10 : vector<1000x128xf32>
    %get3A_11 = arith.constant 0 : index
    %get3A_12 = arith.constant 0 : index
    %get3A_13 = vector.load %arg3[%get3A_11, %get3A_12] : memref<128x128xf32, #tpu.memory_space<vmem>>, vector<128x128xf32>
    %dot_general3A = arith.constant dense<0.000000e+00> : vector<1000x128xf32>
    %dot_general3A_14 = tpu.matmul %add3A, %get3A_13, %dot_general3A {dimension_numbers = #tpu.dot_dimension_numbers<[1], [0], [0], [1], [0, 0, 1, 1], [], []>, transpose_lhs_hint = false} : vector<1000x128xf32>, vector<128x128xf32>, vector<1000x128xf32> -> vector<1000x128xf32>
    %get3A_15 = arith.constant 0 : index
    %get3A_16 = arith.constant 0 : index
    %get3A_17 = vector.load %arg1[%get3A_15, %get3A_16] : memref<1000x128xf32, #tpu.memory_space<vmem>>, vector<1000x128xf32>
    %get3A_18 = arith.constant 0 : index
    %get3A_19 = arith.constant 0 : index
    %get3A_20 = vector.load %arg4[%get3A_18, %get3A_19] : memref<128x128xf32, #tpu.memory_space<vmem>>, vector<128x128xf32>
    %dot_general3A_21 = arith.constant dense<0.000000e+00> : vector<1000x128xf32>
    %dot_general3A_22 = tpu.matmul %get3A_17, %get3A_20, %dot_general3A_21 {dimension_numbers = #tpu.dot_dimension_numbers<[1], [0], [0], [1], [0, 0, 1, 1], [], []>, transpose_lhs_hint = false} : vector<1000x128xf32>, vector<128x128xf32>, vector<1000x128xf32> -> vector<1000x128xf32>
    %add3A_23 = arith.addf %dot_general3A_14, %dot_general3A_22 : vector<1000x128xf32>
    %get3A_24 = arith.constant 0 : index
    %get3A_25 = arith.constant 0 : index
    %get3A_26 = vector.load %arg5[%get3A_24, %get3A_25] : memref<1x128xf32, #tpu.memory_space<vmem>>, vector<1x128xf32>
    %add3A_27 = vector.broadcast %get3A_26 : vector<1x128xf32> to vector<1000x128xf32>
    %add3A_28 = arith.addf %add3A_23, %add3A_27 : vector<1000x128xf32>
    %get3A_29 = arith.constant 0 : index
    %get3A_30 = arith.constant 0 : index
    %get3A_31 = arith.constant 0 : index
    %get3A_32 = vector.load %arg6[%get3A_29, %get3A_30, %get3A_31] : memref<1x1x1000xi32, #tpu.memory_space<vmem>>, vector<1x1x1000xi32>
    %get3A_33 = vector.shape_cast %get3A_32 : vector<1x1x1000xi32> to vector<1000xi32>
    %iota3A = tpu.iota {dimensions = array<i32: 0>} : vector<128x1000xi32>
    %broadcast_in_dim3A = vector.shape_cast %get3A_33 : vector<1000xi32> to vector<1x1000xi32>
    %eq3A_34 = vector.broadcast %broadcast_in_dim3A : vector<1x1000xi32> to vector<128x1000xi32>
    %eq3A_35 = arith.cmpi eq, %iota3A, %eq3A_34 : vector<128x1000xi32>
    %convert_element_type3A_36 = arith.extui %eq3A_35 : vector<128x1000xi1> to vector<128x1000xi32>
    %convert_element_type3A_37 = arith.sitofp %convert_element_type3A_36 : vector<128x1000xi32> to vector<128x1000xf32>
    %get3A_38 = arith.constant 0 : index
    %get3A_39 = arith.constant 0 : index
    %get3A_40 = vector.load %arg8[%get3A_38, %get3A_39] : memref<128x128xf32, #tpu.memory_space<vmem>>, vector<128x128xf32>
    %dot_general3A_41 = arith.constant dense<0.000000e+00> : vector<128x128xf32>
    %dot_general3A_42 = tpu.matmul %convert_element_type3A_37, %add3A_28, %dot_general3A_41 {dimension_numbers = #tpu.dot_dimension_numbers<[1], [0], [0], [1], [0, 0, 1, 1], [], []>, transpose_lhs_hint = false} : vector<128x1000xf32>, vector<1000x128xf32>, vector<128x128xf32> -> vector<128x128xf32>
    %add3A_43 = arith.addf %get3A_40, %dot_general3A_42 : vector<128x128xf32>
    %swap3A = arith.constant 0 : index
    %swap3A_44 = arith.constant 0 : index
    %swap3A_45 = vector.load %arg8[%swap3A, %swap3A_44] : memref<128x128xf32, #tpu.memory_space<vmem>>, vector<128x128xf32>
    tpu.vector_store %arg8[%swap3A, %swap3A_44], %add3A_43 {strides = array<i32>} : memref<128x128xf32, #tpu.memory_space<vmem>>, vector<128x128xf32>,
    %get3A_46 = arith.constant 0 : index
    %get3A_47 = arith.constant 0 : index
    %get3A_48 = vector.load %arg9[%get3A_46, %get3A_47] : memref<128x128xf32, #tpu.memory_space<vmem>>, vector<128x128xf32>
    %broadcast_in_dim3A_49 = arith.constant 1.000000e+00 : f32
    %broadcast_in_dim3A_50 = vector.broadcast %broadcast_in_dim3A_49 : f32 to vector<1000x128xf32>
    %dot_general3A_51 = arith.constant dense<0.000000e+00> : vector<128x128xf32>
    %dot_general3A_52 = tpu.matmul %convert_element_type3A_37, %broadcast_in_dim3A_50, %dot_general3A_51 {dimension_numbers = #tpu.dot_dimension_numbers<[1], [0], [0], [1], [0, 0, 1, 1], [], []>, transpose_lhs_hint = false} : vector<128x1000xf32>, vector<1000x128xf32>, vector<128x128xf32> -> vector<128x128xf32>
    %add3A_53 = arith.addf %get3A_48, %dot_general3A_52 : vector<128x128xf32>
    %swap3A_54 = arith.constant 0 : index
    %swap3A_55 = arith.constant 0 : index
    %swap3A_56 = vector.load %arg9[%swap3A_54, %swap3A_55] : memref<128x128xf32, #tpu.memory_space<vmem>>, vector<128x128xf32>
    tpu.vector_store %arg9[%swap3A_54, %swap3A_55], %add3A_53 {strides = array<i32>} : memref<128x128xf32, #tpu.memory_space<vmem>>, vector<128x128xf32>,
    %eq3A_57 = arith.constant 9 : i32
    %eq3A_58 = arith.cmpi eq, %arg0, %eq3A_57 : i32
    %convert_element_type3A_59 = arith.extui %eq3A_58 : i1 to i32
    %cond3A_60 = arith.constant 0 : i32
    %cond3A_61 = arith.cmpi ne, %convert_element_type3A_59, %cond3A_60 : i32
    scf.if %cond3A_61 {
      %get3A_62 = arith.constant 0 : index
      %get3A_63 = arith.constant 0 : index
      %get3A_64 = vector.load %arg8[%get3A_62, %get3A_63] : memref<128x128xf32, #tpu.memory_space<vmem>>, vector<128x128xf32>
      %get3A_65 = arith.constant 0 : index
      %get3A_66 = arith.constant 0 : index
      %get3A_67 = vector.load %arg9[%get3A_65, %get3A_66] : memref<128x128xf32, #tpu.memory_space<vmem>>, vector<128x128xf32>
      %max3A = arith.constant 1.000000e+00 : f32
      %max3A_68 = vector.broadcast %max3A : f32 to vector<128x128xf32>
      %max3A_69 = arith.maximumf %get3A_67, %max3A_68 : vector<128x128xf32>
      %div3A = arith.divf %get3A_64, %max3A_69 : vector<128x128xf32>
      %swap3A_70 = arith.constant 0 : index
      %swap3A_71 = arith.constant 0 : index
      %swap3A_72 = vector.load %arg7[%swap3A_70, %swap3A_71] : memref<128x128xf32, #tpu.memory_space<vmem>>, vector<128x128xf32>
      tpu.vector_store %arg7[%swap3A_70, %swap3A_71], %div3A {strides = array<i32>} : memref<128x128xf32, #tpu.memory_space<vmem>>, vector<128x128xf32>,
    } else {
    }
    return
  }
  func.func @transform_0(%arg0: i32) -> (i32, i32) {
    %c0_i32 = arith.constant 0 : i32
    %c0_i32_0 = arith.constant 0 : i32
    return %arg0, %c0_i32 : i32, i32
  }
  func.func @transform_1(%arg0: i32) -> (i32, i32, i32) {
    %c0_i32 = arith.constant 0 : i32
    %c0_i32_0 = arith.constant 0 : i32
    %c0_i32_1 = arith.constant 0 : i32
    return %c0_i32, %arg0, %c0_i32_0 : i32, i32, i32
  }
  func.func @transform_2(%arg0: i32) -> (i32, i32) {
    %c0_i32 = arith.constant 0 : i32
    %c0_i32_0 = arith.constant 0 : i32
    %c0_i32_1 = arith.constant 0 : i32
    return %c0_i32, %c0_i32_0 : i32, i32
  }
  func.func @transform_3(%arg0: i32) -> (i32, i32) {
    %c0_i32 = arith.constant 0 : i32
    %c0_i32_0 = arith.constant 0 : i32
    %c0_i32_1 = arith.constant 0 : i32
    return %c0_i32, %c0_i32_0 : i32, i32
  }
  func.func @transform_4(%arg0: i32) -> (i32, i32) {
    %c0_i32 = arith.constant 0 : i32
    %c0_i32_0 = arith.constant 0 : i32
    %c0_i32_1 = arith.constant 0 : i32
    return %c0_i32, %c0_i32_0 : i32, i32
  }
  func.func @transform_5(%arg0: i32) -> (i32, i32, i32) {
    %c0_i32 = arith.constant 0 : i32
    %c0_i32_0 = arith.constant 0 : i32
    %c0_i32_1 = arith.constant 0 : i32
    return %arg0, %c0_i32, %c0_i32_0 : i32, i32, i32
  }
  func.func @transform_6(%arg0: i32) -> (i32, i32) {
    %c0_i32 = arith.constant 0 : i32
    %c0_i32_0 = arith.constant 0 : i32
    %c0_i32_1 = arith.constant 0 : i32
    return %c0_i32, %c0_i32_0 : i32, i32
  }
}

</mosaic_0001>

<sc_bundles>
// kernel: kernel.11.cloned.1.call-start
scs
__scs_entry_jumppad:
0x0: {  	(pc) =	sbr.rel $0x88, $3  }
0x1: {  	(tag) =	ssettag $0x0;
	lr =	simm.s32 $0x1  }
0x2: {  	[smem:$0x3F9A] =	sst lr;
	_ =	strace $0xD0000000  }
0x3: {  	_ = 	snop  }
0x4: {  	_ = 	snop  }
0x5: {  	_ = 	snop  }
0x6: {  	_ = 	snop  }
0x7: {  	_ = 	snop  }
__scs_overlays_trampoline_lowered:
0x8: {  	[smem:$0x3FA9] =	sst s0  }
0x9: {  	[smem:$0x3FAA] =	sst s1  }
0xa: {  	[smem:$0x3FAB] =	sst s2  }
0xb: {  	[smem:$0x3FAC] =	sst s3  }
0xc: {  	[smem:$0x3FAD] =	sst s4  }
0xd: {  	[smem:$0x3FAE] =	sst s5  }
0xe: {  	[smem:$0x3FAF] =	sst s6  }
0xf: {  	[smem:$0x3FB0] =	sst s7  }
0x10: {  	[smem:$0x3FB1] =	sst s8  }
0x11: {  	[smem:$0x3FB2] =	sst s9;
	s0 =	simm.s32 @!p0 $0x0  }
0x12: {  	s1 =	sld [smem:$0x3F98];
	s0 =	simm.s32 @p0 $0x1  }
0x13: {  	[smem:$0x3FB3] =	sst s0;
	s0 =	simm.s32 @!p1 $0x0  }
0x14: {  	s2 =	sld [smem:$0x3F97];
	s0 =	simm.s32 @p1 $0x1  }
0x15: {  	[smem:$0x3FB4] =	sst s0;
	s0 =	simm.s32 @!p2 $0x0  }
0x16: {  	s3 =	sld [smem:$0x3FDB];
	s0 =	simm.s32 @p2 $0x1  }
0x17: {  	s4 =	simm.s32 $0x1BF5;
	[smem:$0x3FB6] =	sst s0  }
0x18: {  	s0 =	sld [smem:$0x3F99];
	_ =	swait.ge [sflag:s4], $0x0  }
0x19: {  	s7 =	sld [smem:$0x3F9A]  }
0x1a: {  	s8 =	sadd.s32 $0xFFFFE003, lr  }
0x1b: {  	s9 =	sadd.s32 $0xFFFFFEF7, lr;
	s5 =	simm.s32 $0xFFFFFFFF;
	p2 =	slt.u32 s8, $0xFFFFF086  }
0x1c: {  	p1 =	slt.u32 s9, $0xF7A;
	s5 =	simm.s32 @!p2 $0x0  }
0x1d: {  	s5 =	simm.s32 @p1 $0x1;
	p0 =	seq.s32 s7, s2  }
0x1e: {  	s7 =	smul.u32 @!p0 $0xF7A, s2;
	p2 =	seq.s32 @!p0 s5, $0x0  }
0x1f: {  	s9 =	smul.u32 $0xF7A, s1;
	s8 =	simm.s32 @!p0 $0x1BF5;
	p2 =	por !p2, p0  }
0x20: {  	[sflag:s8] =	ssyncset.s32 @!p0 $0xFFFFF086;
	s6 =	sadd.s32 @!p0 s3, s7;
	s7 =	simm.s32 @!p0 $0x108  }
0x21: {  	s3 =	sadd.s32 s3, s9;
	s6 =	sadd.s32 @!p0 $0x88, s6;
	s7 =	simm.s32 @p2 $0x1082  }
0x22: {  	[simem:s7], [sflag:s8] =	dma.local @!p0 [hbm:s6], $0xF7A  }
0x23: {  	s9 =	sor.u32 $0xD0000000, s2;
	s6 =	simm.s32 $0x108;
	_ =	swait.ge @!p0 [sflag:s8], $0x0  }
0x24: {  	s3 =	sadd.s32 $0x88, s3;
	s6 =	simm.s32 @!p1 $0x1082;
	[sflag:s4] =	ssyncset.s32 $0xFFFFF086  }
0x25: {  	[simem:s6], [sflag:s4] =	dma.local [hbm:s3], $0xF7A  }
0x26: {  	[smem:$0x3F9A] =	sst s1;
	(tag) =	ssettag s2;
	_ =	strace s9  }
0x27: {  	s1 =	sld [smem:$0x3FAA]  }
0x28: {  	s2 =	sld [smem:$0x3FAB]  }
0x29: {  	s4 =	sld [smem:$0x3FAD]  }
0x2a: {  	p0 =	seq.s32 s5, $0x0;
	s5 =	sld [smem:$0x3FAE]  }
0x2b: {  	s6 =	sld [smem:$0x3FAF]  }
0x2c: {  	s7 =	sld [smem:$0x3FB0]  }
0x2d: {  	s3 =	simm.s32 $0x108;
	s8 =	sld [smem:$0x3FB1]  }
0x2e: {  	s3 =	simm.s32 @!p0 $0x1082;
	s9 =	sld [smem:$0x3FB2]  }
0x2f: {  	lr =	sadd.s32 s0, s3;
	s0 =	sld [smem:$0x3FA9]  }
0x30: {  	s3 =	sld [smem:$0x3FAC]  }
0x31: {  	[smem:$0x3FB5] =	sst s10  }
0x32: {  	s10 =	sld [smem:$0x3FB3];
	_ =	sdelay $0x3  }
0x33: {  	p0 =	seq.s32 s10, $0x1;
	s10 =	sld [smem:$0x3FB5];
	_ =	sdelay $0x3  }
0x34: {  	[smem:$0x3FB5] =	sst s10  }
0x35: {  	s10 =	sld [smem:$0x3FB4];
	_ =	sdelay $0x3  }
0x36: {  	p1 =	seq.s32 s10, $0x1;
	s10 =	sld [smem:$0x3FB5];
	_ =	sdelay $0x3  }
0x37: {  	[smem:$0x3FB5] =	sst s10  }
0x38: {  	s10 =	sld [smem:$0x3FB6]  }
0x39: {  	_ = 	snop;
	(pc) =	sbr.ind lr, $3  }
0x3a: {  	_ = 	snop  }
0x3b: {  	_ = 	snop  }
0x3c: {  	p2 =	seq.s32 s10, $0x1;
	s10 =	sld [smem:$0x3FB5]  }
0x3d: {  	_ =	shalt  }
0x3e: {  	_ =	shalt  }
0x3f: {  	_ =	shalt  }
0x40: {  	_ =	shalt  }
0x41: {  	_ =	shalt  }
0x42: {  	_ =	shalt  }
0x43: {  	_ =	shalt  }
0x44: {  	_ =	shalt  }
0x45: {  	_ =	shalt  }
0x46: {  	_ =	shalt  }
0x47: {  	_ =	shalt  }
0x48: {  	_ =	shalt  }
0x49: {  	_ =	shalt  }
0x4a: {  	_ =	shalt  }
0x4b: {  	_ =	shalt  }
0x4c: {  	_ =	shalt  }
0x4d: {  	_ =	shalt  }
0x4e: {  	_ =	shalt  }
0x4f: {  	_ =	shalt  }
0x50: {  	_ =	shalt  }
0x51: {  	_ =	shalt  }
0x52: {  	_ =	shalt  }
0x53: {  	_ =	shalt  }
0x54: {  	_ =	shalt  }
0x55: {  	_ =	shalt  }
0x56: {  	_ =	shalt  }
0x57: {  	_ =	shalt  }
0x58: {  	_ =	shalt  }
0x59: {  	_ =	shalt  }
0x5a: {  	_ =	shalt  }
0x5b: {  	_ =	shalt  }
0x5c: {  	_ =	shalt  }
0x5d: {  	_ =	shalt  }
0x5e: {  	_ =	shalt  }
0x5f: {  	_ =	shalt  }
0x60: {  	_ =	shalt  }
0x61: {  	_ =	shalt  }
0x62: {  	_ =	shalt  }
0x63: {  	_ =	shalt  }
0x64: {  	_ =	shalt  }
0x65: {  	_ =	shalt  }
0x66: {  	_ =	shalt  }
0x67: {  	_ =	shalt  }
0x68: {  	_ =	shalt  }
0x69: {  	_ =	shalt  }
0x6a: {  	_ =	shalt  }
0x6b: {  	_ =	shalt  }
0x6c: {  	_ =	shalt  }
0x6d: {  	_ =	shalt  }
0x6e: {  	_ =	shalt  }
0x6f: {  	_ =	shalt  }
0x70: {  	_ =	shalt  }
0x71: {  	_ =	shalt  }
0x72: {  	_ =	shalt  }
0x73: {  	_ =	shalt  }
0x74: {  	_ =	shalt  }
0x75: {  	_ =	shalt  }
0x76: {  	_ =	shalt  }
0x77: {  	_ =	shalt  }
0x78: {  	_ =	shalt  }
0x79: {  	_ =	shalt  }
0x7a: {  	_ =	shalt  }
0x7b: {  	_ =	shalt  }
0x7c: {  	_ =	shalt  }
0x7d: {  	_ =	shalt  }
0x7e: {  	_ =	shalt  }
0x7f: {  	_ =	shalt  }
0x80: {  	_ =	shalt  }
0x81: {  	_ =	shalt  }
0x82: {  	_ =	shalt  }
0x83: {  	_ =	shalt  }
0x84: {  	_ =	shalt  }
0x85: {  	_ =	shalt  }
0x86: {  	_ =	shalt  }
0x87: {  	_ =	shalt  }
.Lfunc_end0:
.L_simem_size_0:
called_computation.1_lowered:
.L_overlay_start_0:
0x88: {  	s2 =	sld [smem:$0x3FD9]  }
0x89: {  	s3 =	sld [smem:$0x3FFE];
	_ =	sdelay $0x1  }
0x8a: {  	s1 =	srdreg.scid  }
0x8b: {  	s0 =	sand.u32 $0x1, s1  }
0x8c: {  	s16 =	sshll.u32 s0, $0xA;
	s2 =	sadd.s32 s3, s2  }
0x8d: {  	s2 =	sadd.s32 s2, s16  }
0x8e: {  	[smem:$0x3FC1] =	sst s2  }
0x8f: {  	_ = 	snop  }
0x90: {  	(tm) =	ssettm $0x1  }
0x91: {  	s17 =	sld [smem:$0x3FFB];
	_ =	sdelay $0x3  }
0x92: {  	_ =	strace s17  }
0x93: {  	s2 =	sld [smem:$0x3FFC];
	_ =	sdelay $0x3  }
0x94: {  	_ =	strace s2  }
0x95: {  	s2 =	sld [smem:$0x3FFD];
	_ =	sdelay $0x3  }
0x96: {  	_ =	strace s2  }
0x97: {  	_ =	strace $0x8FFFFFFF  }
0x98: {  	s18 =	sld [smem:$0x3FDB];
	_ =	sdelay $0x1  }
0x99: {  	s19 =	simm.s32 $_scs_section_size  }
0x9a: {  	s4 =	simm.s32 $_size__tile_overlayer_lowered;
	s5 =	simm.s32 $_tile_overlayer_lowered  }
0x9b: {  	s22 =	simm.s32 $0x1BFF;
	s21 =	sshll.u32 s5, $0x1;
	s2 =	sadd.s32 s19, s18  }
0x9c: {  	s6 =	simm.s32 $0x0;
	s20 =	sshll.u32 s4, $0x1;
	s4 =	sadd.s32 s21, s2  }
0x9d: {  	[timem:s6], [sflag:s22] =	dma.local [hbm:s4], s20  }
0x9e: {  	_ =	swait.ge [sflag:s22], s20  }
0x9f: {  	s3 =	ssub.s32 $0x0, s20;
	[sflag:s22] =	ssyncset.done $0x0  }
0xa0: {  	[sflag:s22] =	ssyncadd.s32 s3;
	_ =	sdelay $0x1  }
0xa1: {  	s23 =	simm.s32 $0x1B8B  }
0xa2: {  	_ =	swait.ge [sflag:s23], $0x1  }
0xa3: {  	[sflag:s23] =	ssyncset.done $0x0  }
0xa4: {  	s25 =	simm.s32 $0x1B8E;
	s24 =	sld [smem:$0x3FFE];
	[sflag:s23] =	ssyncadd.s32 $0xFFFFFFFF  }
0xa5: {  	s26 =	simm.s32 $execute0_lowered;
	[smem:$0x3FD2] =	sst s25  }
0xa6: {  	s4 =	sshll.u32 s26, $0x1;
	_ =	strace $0x80000049;
	[dreg:$0x1] =	wrdreg $0xFFFFFFFF  }
0xa7: {  	s28 =	simm.s32 $_size_execute0_lowered;
	s2 =	sadd.s32 s2, s4;
	[dreg:$0x0] =	wrdreg $0x0  }
0xa8: {  	s4 =	sshll.u32 s28, $0x1;
	[dreg:$0x2] =	wrdreg s2  }
0xa9: {  	[dreg:$0x3] =	wrdreg s4  }
0xaa: {  	[dreg:$0x4] =	wrdreg $0xC0  }
0xab: {  	_ =	task [dreg:s6], $0x5FFFF  }
0xac: {  	[dreg:$0x1] =	wrdreg $0xFFFFFFFF  }
0xad: {  	[dreg:$0x0] =	wrdreg $0x60  }
0xae: {  	[dreg:$0x2] =	wrdreg s24  }
0xaf: {  	[dreg:$0x3] =	wrdreg $0x50800  }
0xb0: {  	[dreg:$0x4] =	wrdreg $0x9  }
0xb1: {  	_ =	task.clear_ibuf [dreg:s6], $0x5FFFF;
	_ =	strace $0x90000049  }
0xb2: {  	s29 =	simm.s32 $0x9;
	_ =	strace $0x8000004B  }
0xb3: {  	_ =	swait.ge [sflag:s29], $0x1  }
0xb4: {  	[sflag:s29] =	ssyncadd.s32 $0xFFFFFFFF  }
0xb5: {  	_ =	strace $0x9000004B  }
0xb6: {  	_ =	sfence  }
0xb7: {  	s30 =	sld [smem:$0x0];
	_ =	sdelay $0x2  }
0xb8: {  	s31 =	sshll.u32 s1, $0xD;
	s1 =	sshrl.u32 s1, $0x2  }
0xb9: {  	s3 =	sand.u32 $0x4000, s31;
	s1 =	sadd.s32 s1, s30  }
0xba: {  	s0 =	sor.u32 s3, s0;
	s1 =	sshll.u32 s1, $0x11  }
0xbb: {  	s0 =	sor.u32 s1, s0  }
0xbc: {  	s0 =	sadd.s32 $0x8F2B, s0  }
0xbd: {  	[sflag:s0] =	ssyncadd.remote.s32 $0x1  }
0xbe: {  	_ =	sfence.sel $0xFFFF  }
0xbf: {  	[dreg:$0x0] =	wrdreg $0xFFFFFFFF;
	(pc) =	sbr.abs _section_cstart, $3  }
0xc0: {  	[dreg:$0x1] =	wrdreg $0xFFFFFFFF  }
0xc1: {  	_ =	task.clear_ibuf [dreg:s6], $0x2FFFF;
	_ =	strace $0x9FFFFFFF  }
0xc2: {  	(tm) =	ssettm $0x7FFFFFFF  }
0xc3: {  	_ =	shalt  }
tec
execute0_lowered:
.L_overlay_start_1:
0x0: {  	(tag) =	ssettag $0x1  }
0x1: {  	s0 =	srdreg.scid;
	s1 =	rddreg [dreg:$0x0]  }
0x2: {  	s20 =	stileid.u32;
	s2 =	rddreg [dreg:$0x1];
	s21 =	simm.s32 $0x2  }
0x3: {  	s22 =	simm.s32 $0x80;
	s24 =	simm.s32 $0x100;
	s25 =	simm.s32 $0x50  }
0x4: {  	s26 =	simm.s32 $0x1;
	s28 =	simm.s32 $0x0;
	s7 =	smul.u32 $0x4E000, s20  }
0x5: {  	s0 =	sand.u32 $0x1, s0;
	s30 =	sshll.u32 s20, $0x7;
	s17 =	smul.u32 $0x13800, s20  }
0x6: {  	s14 =	sadd.s32 $0x138000, s2;
	p0 =	sne.s32 s20, $0xF;
	s3 =	sshll.u32 s0, $0x4  }
0x7: {  	s6 =	sand.u32 $0x380, s30;
	s8 =	ssub.s32 $0x2, s0;
	s0 =	smul.u32 $0x138800, s0  }
0x8: {  	s16 =	sor.u32 s20, s3;
	s3 =	simm.s32 $0x0;
	s31 =	sshrl.u32 s8, $0x1  }
0x9: {  	s7 =	sshrl.u32 s7, $0x2;
	s20 =	simm.s32 $0x2880;
	s4 =	sshrl.u32 s16, $0x3  }
0xa: {  	[smem:$0x7FF] =	sst s3;
	s19 =	ssub.s32 s8, s31;
	s5 =	smul.u32 $0x13C00, s4  }
0xb: {  	s17 =	sadd.s32 s17, s0;
	s0 =	sshrl.u32 s0, $0x3;
	s16 =	smul.u32 $0x7D00, s16  }
0xc: {  	_ =	strace $0x8000004A;
	s4 =	sadd.s32 $0x2BC00, s1;
	s6 =	sor.u32 s6, s5  }
0xd: {  	s17 =	sshrl.u32 s17, $0x3;
	s19 =	smax.u32 s19, $0x1;
	s6 =	sshrl.u32 s6, $0x3  }
0xe: {  	s5 =	sadd.s32 $0xC800, s1;
	s15 =	sadd.s32 s6, s1;
	s6 =	sadd.s32 s7, s2  }
0xf: {  	s1 =	sadd.s32 $0x52E00, s1;
	s7 =	sadd.s32 $0x2800, s6;
	s8 =	sadd.s32 $0x5000, s6  }
0x10: {  	s9 =	sadd.s32 $0x7800, s6;
	s10 =	sadd.s32 $0xA000, s6;
	s11 =	sadd.s32 $0xC800, s6  }
0x11: {  	s12 =	sadd.s32 $0xF000, s6;
	s13 =	sadd.s32 $0x11800, s6;
	s0 =	sadd.s32 s1, s0  }
0x12: {  	v0 =	vimm.f32 $0.0e+00;
	s15 =	sadd.s32 $0x2A00, s15;
	s17 =	sadd.s32 s1, s17;
	s18 =	sadd.s32 $0x27000, s0  }
.LBB2_1:
0x13: {  	s0 =	simm.s32 $0x0;
	s1 =	simm.s32 $0x200  }
.LBB2_2:
0x14: {  	p1 =	sne.s32 s1, $0x9E00;
	[tilespmem:s0+$0x28F0] =	vst v0  }
0x15: {  	[tilespmem:s0+$0x2880] =	vst v0  }
0x16: {  	[tilespmem:s0+$0x2890] =	vst v0  }
.Ltmp0:
0x17: {  	[tilespmem:s0+$0x28A0] =	vst v0;
	(pc) =	sbr.rel @p1 .LBB2_2-.Ltmp0, $4  }
0x18: {  	[tilespmem:s0+$0x28B0] =	vst v0  }
0x19: {  	[tilespmem:s0+$0x28C0] =	vst v0  }
0x1a: {  	[tilespmem:s0+$0x28D0] =	vst v0  }
0x1b: {  	[tilespmem:s0+$0x28E0] =	vst v0;
	s0 =	sshra.s32 s1, $0x2;
	s1 =	sadd.s32 $0x200, s1  }
0x1c: {  	[tilespmem:s0+$0x28F0] =	vst v0  }
0x1d: {  	[tilespmem:s0+$0x2880] =	vst v0  }
0x1e: {  	[tilespmem:s0+$0x2890] =	vst v0  }
0x1f: {  	[tilespmem:s0+$0x28A0] =	vst v0  }
0x20: {  	[tilespmem:s0+$0x28B0] =	vst v0  }
0x21: {  	[tilespmem:s0+$0x28C0] =	vst v0  }
0x22: {  	[tilespmem:s0+$0x28D0] =	vst v0  }
0x23: {  	[tilespmem:s0+$0x28E0] =	vst v0  }
0x24: {  	[spmem:s6] =	stream.linear.scatter [tilespmem:s20], [sflag:$0x2], $0x2800, $0x38;
	[tilespmem:$0x18900] =	vst v63  }
0x25: {  	_ =	swait.ge [sflag:s21], $0x2800  }
0x26: {  	[sflag:s21] =	ssyncset.done $0x0  }
0x27: {  	[sflag:s21] =	ssyncadd.s32 $0xFFFFD800  }
0x28: {  	[spmem:s7] =	stream.linear.scatter [tilespmem:s20], [sflag:$0x2], $0x2800, $0x38;
	[tilespmem:$0x18900] =	vst v63  }
0x29: {  	_ =	swait.ge [sflag:s21], $0x2800  }
0x2a: {  	[sflag:s21] =	ssyncset.done $0x0  }
0x2b: {  	[sflag:s21] =	ssyncadd.s32 $0xFFFFD800  }
0x2c: {  	[spmem:s8] =	stream.linear.scatter [tilespmem:s20], [sflag:$0x2], $0x2800, $0x38;
	[tilespmem:$0x18900] =	vst v63  }
0x2d: {  	_ =	swait.ge [sflag:s21], $0x2800  }
0x2e: {  	[sflag:s21] =	ssyncset.done $0x0  }
0x2f: {  	[sflag:s21] =	ssyncadd.s32 $0xFFFFD800  }
0x30: {  	[spmem:s9] =	stream.linear.scatter [tilespmem:s20], [sflag:$0x2], $0x2800, $0x38;
	[tilespmem:$0x18900] =	vst v63  }
0x31: {  	_ =	swait.ge [sflag:s21], $0x2800  }
0x32: {  	[sflag:s21] =	ssyncset.done $0x0  }
0x33: {  	[sflag:s21] =	ssyncadd.s32 $0xFFFFD800  }
0x34: {  	[spmem:s10] =	stream.linear.scatter [tilespmem:s20], [sflag:$0x2], $0x2800, $0x38;
	[tilespmem:$0x18900] =	vst v63  }
0x35: {  	_ =	swait.ge [sflag:s21], $0x2800  }
0x36: {  	[sflag:s21] =	ssyncset.done $0x0  }
0x37: {  	[sflag:s21] =	ssyncadd.s32 $0xFFFFD800  }
0x38: {  	[spmem:s11] =	stream.linear.scatter [tilespmem:s20], [sflag:$0x2], $0x2800, $0x38;
	[tilespmem:$0x18900] =	vst v63  }
0x39: {  	_ =	swait.ge [sflag:s21], $0x2800  }
0x3a: {  	[sflag:s21] =	ssyncset.done $0x0  }
0x3b: {  	[sflag:s21] =	ssyncadd.s32 $0xFFFFD800  }
0x3c: {  	[spmem:s12] =	stream.linear.scatter [tilespmem:s20], [sflag:$0x2], $0x2800, $0x38;
	[tilespmem:$0x18900] =	vst v63  }
0x3d: {  	_ =	swait.ge [sflag:s21], $0x2800  }
0x3e: {  	[sflag:s21] =	ssyncset.done $0x0  }
0x3f: {  	[sflag:s21] =	ssyncadd.s32 $0xFFFFD800  }
0x40: {  	[spmem:s13] =	stream.linear.scatter [tilespmem:s20], [sflag:$0x2], $0x2000, $0x38;
	[tilespmem:$0x18900] =	vst v63  }
0x41: {  	_ =	swait.ge [sflag:s21], $0x2000  }
0x42: {  	[sflag:s21] =	ssyncset.done $0x0  }
0x43: {  	s0 =	simm.s32 @!p0 $0x2880;
	[sflag:s21] =	ssyncadd.s32 $0xFFFFE000  }
0x44: {  	[spmem:s14] =	stream.linear.scatter @!p0 [tilespmem:s0], [sflag:$0x2], $0x800, $0x38;
	[tilespmem:$0x18900] =	vst v63  }
0x45: {  	s0 =	simm.s32 @!p0 $0x2  }
0x46: {  	_ =	swait.ge @!p0 [sflag:s0], $0x800  }
0x47: {  	[sflag:s0] =	ssyncset.done @!p0 $0x0  }
0x48: {  	[sflag:s0] =	ssyncadd.s32 @!p0 $0xFFFFF800  }
0x49: {  	s31 =	simm.s32 $0x400;
	[bflag:$0x0] =	sbarrier.arrive $0xFFFF  }
0x4a: {  	[tilespmem:s24], [sflag:$0x2] =	stream.strided.gather [hbm4b:s15+s22], $0x2780, s31, s22, $0x38;
	[tilespmem:$0x18900] =	vst v63  }
0x4b: {  	_ =	swait.ge [sflag:s21], $0x2780  }
0x4c: {  	[sflag:s21] =	ssyncset.done $0x0  }
0x4d: {  	s29 =	simm.s32 $0x0;
	s30 =	simm.s32 $0x0;
	[sflag:s21] =	ssyncadd.s32 $0xFFFFD880  }
.LBB2_4:
0x4e: {  	s0 =	sshll.u32 s30, $0x8  }
0x4f: {  	s0 =	sadd.s32 s16, s0  }
0x50: {  	s0 =	sshrl.u32 s0, $0x3  }
0x51: {  	s0 =	sadd.s32 s5, s0  }
0x52: {  	[tilespmem:s28], [sflag:$0x2] =	stream.linear.gather [hbm4b:s0+s28], $0x100, $0x38;
	[tilespmem:$0x18900] =	vst v63  }
0x53: {  	_ =	swait.ge [sflag:s21], $0x100  }
0x54: {  	[sflag:s21] =	ssyncset.done $0x0  }
0x55: {  	[sflag:s21] =	ssyncadd.s32 $0xFFFFFF00  }
0x56: {  	[tilespmem:s20], [sflag:$0x1] =	stream.indirect.gather [hbm4b:s4+s25], $0x80, s28, s25, $0xb8;
	[tilespmem:$0x18900] =	vst v63  }
0x57: {  	s23 =	sadd.s32 $0x0, s29;
	_ =	swait.ge [sflag:s26], $0x2800  }
0x58: {  	v1 =	vmov s23;
	[sflag:s26] =	ssyncset.done $0x0  }
0x59: {  	s31 =	simm.s32 $0x28C0;
	[sflag:s26] =	ssyncadd.s32 $0xFFFFD800  }
0x5a: {  	v5 =	vld [tilespmem:s31+$0x30]  }
0x5b: {  	v8 =	vld [tilespmem:s31+$0x10]  }
0x5c: {  	v6 =	vld [tilespmem:s31+$0xFFFFFFC0]  }
0x5d: {  	v2 =	vld.idx.msk [tilespmem:v1+s24+$0x0], $0xffff  }
0x5e: {  	v10 =	vld [tilespmem:s31+$0xFFFFFFE0]  }
0x5f: {  	v1 =	vld [tilespmem:s31+$0xFFFFFFF0]  }
0x60: {  	v3 =	vld [tilespmem:s31+$0x20]  }
0x61: {  	v4 =	vld [tilespmem:s31+$0xFFFFFFD0]  }
0x62: {  	v9 =	vmul.f32 v5, v2;
	v5 =	vld [tilespmem:s31+$0x0]  }
0x63: {  	v7 =	vmul.f32 v6, v2  }
0x64: {  	s1 =	simm.s32 $0x1;
	s0 =	simm.s32 $0x28C0;
	v6 =	vmul.f32 v10, v2;
	v8 =	vmul.f32 v8, v2  }
.LBB2_5:
0x65: {  	p1 =	sne.s32 s1, $0x4F  }
0x66: {  	v4 =	vmul.f32 v4, v2;
	v3 =	vmul.f32 v3, v2;
	[tilespmem:s31+$0x30] =	vst v9;
	s0 =	sadd.s32 $0x80, s0;
	s23 =	smov.u32 s1;
	s1 =	sadd.s32 $0x1, s1  }
0x67: {  	[tilespmem:s31+$0xFFFFFFC0] =	vst v7;
	v7 =	vmul.f32 v1, v2;
	v2 =	vmul.f32 v5, v2  }
0x68: {  	s23 =	sadd.s32 s23, s29;
	[tilespmem:s31+$0x10] =	vst v8  }
0x69: {  	v5 =	vmov s23;
	[tilespmem:s31+$0xFFFFFFE0] =	vst v6  }
0x6a: {  	v1 =	vld [tilespmem:s0+$0xFFFFFFF0];
	[tilespmem:s31+$0xFFFFFFF0] =	vst v7  }
0x6b: {  	v6 =	vld [tilespmem:s0+$0x30];
	[tilespmem:s31+$0x0] =	vst v2  }
0x6c: {  	v8 =	vld [tilespmem:s0+$0x10];
	[tilespmem:s31+$0x20] =	vst v3  }
0x6d: {  	v7 =	vld [tilespmem:s0+$0xFFFFFFC0];
	[tilespmem:s31+$0xFFFFFFD0] =	vst v4;
	s31 =	smov.u32 s0  }
0x6e: {  	v2 =	vld.idx.msk [tilespmem:v5+s24+$0x0], $0xffff  }
0x6f: {  	v10 =	vld [tilespmem:s0+$0xFFFFFFE0]  }
0x70: {  	v3 =	vld [tilespmem:s0+$0x20]  }
.Ltmp1:
0x71: {  	v4 =	vld [tilespmem:s0+$0xFFFFFFD0];
	(pc) =	sbr.rel @p1 .LBB2_5-.Ltmp1, $3  }
0x72: {  	v5 =	vld [tilespmem:s0+$0x0];
	_ =	sdelay $0x1  }
0x73: {  	v7 =	vmul.f32 v7, v2;
	v9 =	vmul.f32 v6, v2  }
0x74: {  	v8 =	vmul.f32 v8, v2;
	v6 =	vmul.f32 v10, v2  }
0x75: {  	[tilespmem:s31+$0x30] =	vst v9  }
0x76: {  	[tilespmem:s31+$0xFFFFFFC0] =	vst v7  }
0x77: {  	v1 =	vmul.f32 v1, v2;
	[tilespmem:s31+$0x10] =	vst v8  }
0x78: {  	v3 =	vmul.f32 v3, v2;
	[tilespmem:s31+$0xFFFFFFE0] =	vst v6  }
0x79: {  	v5 =	vmul.f32 v5, v2;
	[tilespmem:s31+$0xFFFFFFF0] =	vst v1  }
0x7a: {  	s30 =	sadd.s32 $0x1, s30;
	v1 =	vmul.f32 v4, v2;
	[tilespmem:s31+$0x20] =	vst v3  }
0x7b: {  	p1 =	sne.s32 s30, $0x7D;
	[tilespmem:s31+$0x0] =	vst v5  }
.Ltmp2:
0x7c: {  	[tilespmem:s31+$0xFFFFFFD0] =	vst v1;
	(pc) =	sbr.rel @p1 .LBB2_4-.Ltmp2, $4  }
0x7d: {  	[spmem:s2] =	stream.indirect.scatter.add.f32 [tilespmem:s20], [sflag:$0x2], $0x80, s22, s25, $0xb8;
	[tilespmem:$0x18900] =	vst v63  }
0x7e: {  	_ =	swait.ge [sflag:s21], $0x2800  }
0x7f: {  	[sflag:s21] =	ssyncset.done $0x0  }
0x80: {  	s29 =	sadd.s32 $0x50, s29;
	[sflag:s21] =	ssyncadd.s32 $0xFFFFD800  }
0x81: {  	s0 =	stileid.u32  }
0x82: {  	s0 =	sshll.u32 s0, $0x6  }
0x83: {  	[bflag:$0x0] =	sbarrier.arrive $0xFFFF;
	s1 =	sshrl.u32 s6, $0x3;
	s0 =	sor.u32 $0x1C02, s0  }
0x84: {  	[hbm:s17], [sflag:s0] =	dma.local [spmem:s1], $0x2700  }
0x85: {  	_ =	swait.ge [sflag:s21], $0x2700  }
0x86: {  	s3 =	sadd.s32 $0x1, s3;
	[sflag:s21] =	ssyncset.done $0x0  }
0x87: {  	p1 =	sne.s32 s3, s19;
	s1 =	sshrl.u32 @!p0 s14, $0x3;
	[sflag:s21] =	ssyncadd.s32 $0xFFFFD900  }
0x88: {  	[hbm:s18], [sflag:s0] =	dma.local @!p0 [spmem:s1], $0x100  }
.Ltmp3:
0x89: {  	_ = 	snop;
	(pc) =	sbr.rel @p1 .LBB2_1-.Ltmp3, $4  }
0x8a: {  	s0 =	simm.s32 @!p0 $0x2  }
0x8b: {  	_ =	swait.ge @!p0 [sflag:s0], $0x100  }
0x8c: {  	[sflag:s0] =	ssyncset.done @!p0 $0x0  }
0x8d: {  	[sflag:s0] =	ssyncadd.s32 @!p0 $0xFFFFFF00  }
0x8e: {  	_ =	sfence.sel $0x180000  }
0x8f: {  	[bflag:$0x0] =	sbarrier.arrive $0xFFFF  }
0x90: {  	_ =	strace $0x9000004A  }
0x91: {  	s0 =	stileid.u32;
	[bflag:$0x2] =	sbarrier.arrive $0xFFFF  }
0x92: {  	p0 =	sne.s32 s0, $0x0;
	s0 =	rddreg [dreg:$0x2]  }
0x93: {  	s0 =	sadd.s32 @!p0 $0x100000, s0  }
0x94: {  	[sflag:s0] =	ssyncadd.tile.s32 @!p0 $0x1;
	_ =	shalt  }
.Lfunc_end2:
_tile_overlayer_lowered:
.L_overlay_start_2:
0x95: {  	(tag) =	ssettag $0x2  }
0x96: {  	s0 =	rddreg [dreg:$0x0];
	s2 =	stileid.u32  }
0x97: {  	s1 =	rddreg [dreg:$0x1];
	p0 =	sne.s32 s2, $0x0  }
0x98: {  	s3 =	rddreg [dreg:$0x2];
	[bflag:$0x3] =	sbarrier.arrive $0xFFFF;
	s2 =	simm.s32 @!p0 $0x1C02  }
0x99: {  	[timem:s3], [sflag:s2] =	dma.local @!p0 [hbm:s0], s1  }
0x9a: {  	s0 =	simm.s32 @!p0 $0x2  }
0x9b: {  	_ =	swait.ge @!p0 [sflag:s0], s1  }
0x9c: {  	s1 =	ssub.s32 @!p0 $0x0, s1;
	[sflag:s0] =	ssyncset.done @!p0 $0x0  }
0x9d: {  	[sflag:s0] =	ssyncadd.s32 @!p0 s1  }
0x9e: {  	[bflag:$0x3] =	sbarrier.arrive $0xFFFF  }
0x9f: {  	_ =	shalt  }

// kernel: kernel.14.cloned.1.call-start
scs
__scs_entry_jumppad:
0x0: {  	(pc) =	sbr.rel $0x88, $3  }
0x1: {  	(tag) =	ssettag $0x0;
	lr =	simm.s32 $0x1  }
0x2: {  	[smem:$0x3F9A] =	sst lr;
	_ =	strace $0xD0000000  }
0x3: {  	_ = 	snop  }
0x4: {  	_ = 	snop  }
0x5: {  	_ = 	snop  }
0x6: {  	_ = 	snop  }
0x7: {  	_ = 	snop  }
__scs_overlays_trampoline_lowered:
0x8: {  	[smem:$0x3FA9] =	sst s0  }
0x9: {  	[smem:$0x3FAA] =	sst s1  }
0xa: {  	[smem:$0x3FAB] =	sst s2  }
0xb: {  	[smem:$0x3FAC] =	sst s3  }
0xc: {  	[smem:$0x3FAD] =	sst s4  }
0xd: {  	[smem:$0x3FAE] =	sst s5  }
0xe: {  	[smem:$0x3FAF] =	sst s6  }
0xf: {  	[smem:$0x3FB0] =	sst s7  }
0x10: {  	[smem:$0x3FB1] =	sst s8  }
0x11: {  	[smem:$0x3FB2] =	sst s9;
	s0 =	simm.s32 @!p0 $0x0  }
0x12: {  	s1 =	sld [smem:$0x3F98];
	s0 =	simm.s32 @p0 $0x1  }
0x13: {  	[smem:$0x3FB3] =	sst s0;
	s0 =	simm.s32 @!p1 $0x0  }
0x14: {  	s2 =	sld [smem:$0x3F97];
	s0 =	simm.s32 @p1 $0x1  }
0x15: {  	[smem:$0x3FB4] =	sst s0;
	s0 =	simm.s32 @!p2 $0x0  }
0x16: {  	s3 =	sld [smem:$0x3FDB];
	s0 =	simm.s32 @p2 $0x1  }
0x17: {  	s4 =	simm.s32 $0x1BF5;
	[smem:$0x3FB6] =	sst s0  }
0x18: {  	s0 =	sld [smem:$0x3F99];
	_ =	swait.ge [sflag:s4], $0x0  }
0x19: {  	s7 =	sld [smem:$0x3F9A]  }
0x1a: {  	s8 =	sadd.s32 $0xFFFFE003, lr  }
0x1b: {  	s9 =	sadd.s32 $0xFFFFFEF7, lr;
	s5 =	simm.s32 $0xFFFFFFFF;
	p2 =	slt.u32 s8, $0xFFFFF086  }
0x1c: {  	p1 =	slt.u32 s9, $0xF7A;
	s5 =	simm.s32 @!p2 $0x0  }
0x1d: {  	s5 =	simm.s32 @p1 $0x1;
	p0 =	seq.s32 s7, s2  }
0x1e: {  	s7 =	smul.u32 @!p0 $0xF7A, s2;
	p2 =	seq.s32 @!p0 s5, $0x0  }
0x1f: {  	s9 =	smul.u32 $0xF7A, s1;
	s8 =	simm.s32 @!p0 $0x1BF5;
	p2 =	por !p2, p0  }
0x20: {  	[sflag:s8] =	ssyncset.s32 @!p0 $0xFFFFF086;
	s6 =	sadd.s32 @!p0 s3, s7;
	s7 =	simm.s32 @!p0 $0x108  }
0x21: {  	s3 =	sadd.s32 s3, s9;
	s6 =	sadd.s32 @!p0 $0x88, s6;
	s7 =	simm.s32 @p2 $0x1082  }
0x22: {  	[simem:s7], [sflag:s8] =	dma.local @!p0 [hbm:s6], $0xF7A  }
0x23: {  	s9 =	sor.u32 $0xD0000000, s2;
	s6 =	simm.s32 $0x108;
	_ =	swait.ge @!p0 [sflag:s8], $0x0  }
0x24: {  	s3 =	sadd.s32 $0x88, s3;
	s6 =	simm.s32 @!p1 $0x1082;
	[sflag:s4] =	ssyncset.s32 $0xFFFFF086  }
0x25: {  	[simem:s6], [sflag:s4] =	dma.local [hbm:s3], $0xF7A  }
0x26: {  	[smem:$0x3F9A] =	sst s1;
	(tag) =	ssettag s2;
	_ =	strace s9  }
0x27: {  	s1 =	sld [smem:$0x3FAA]  }
0x28: {  	s2 =	sld [smem:$0x3FAB]  }
0x29: {  	s4 =	sld [smem:$0x3FAD]  }
0x2a: {  	p0 =	seq.s32 s5, $0x0;
	s5 =	sld [smem:$0x3FAE]  }
0x2b: {  	s6 =	sld [smem:$0x3FAF]  }
0x2c: {  	s7 =	sld [smem:$0x3FB0]  }
0x2d: {  	s3 =	simm.s32 $0x108;
	s8 =	sld [smem:$0x3FB1]  }
0x2e: {  	s3 =	simm.s32 @!p0 $0x1082;
	s9 =	sld [smem:$0x3FB2]  }
0x2f: {  	lr =	sadd.s32 s0, s3;
	s0 =	sld [smem:$0x3FA9]  }
0x30: {  	s3 =	sld [smem:$0x3FAC]  }
0x31: {  	[smem:$0x3FB5] =	sst s10  }
0x32: {  	s10 =	sld [smem:$0x3FB3];
	_ =	sdelay $0x3  }
0x33: {  	p0 =	seq.s32 s10, $0x1;
	s10 =	sld [smem:$0x3FB5];
	_ =	sdelay $0x3  }
0x34: {  	[smem:$0x3FB5] =	sst s10  }
0x35: {  	s10 =	sld [smem:$0x3FB4];
	_ =	sdelay $0x3  }
0x36: {  	p1 =	seq.s32 s10, $0x1;
	s10 =	sld [smem:$0x3FB5];
	_ =	sdelay $0x3  }
0x37: {  	[smem:$0x3FB5] =	sst s10  }
0x38: {  	s10 =	sld [smem:$0x3FB6]  }
0x39: {  	_ = 	snop;
	(pc) =	sbr.ind lr, $3  }
0x3a: {  	_ = 	snop  }
0x3b: {  	_ = 	snop  }
0x3c: {  	p2 =	seq.s32 s10, $0x1;
	s10 =	sld [smem:$0x3FB5]  }
0x3d: {  	_ =	shalt  }
0x3e: {  	_ =	shalt  }
0x3f: {  	_ =	shalt  }
0x40: {  	_ =	shalt  }
0x41: {  	_ =	shalt  }
0x42: {  	_ =	shalt  }
0x43: {  	_ =	shalt  }
0x44: {  	_ =	shalt  }
0x45: {  	_ =	shalt  }
0x46: {  	_ =	shalt  }
0x47: {  	_ =	shalt  }
0x48: {  	_ =	shalt  }
0x49: {  	_ =	shalt  }
0x4a: {  	_ =	shalt  }
0x4b: {  	_ =	shalt  }
0x4c: {  	_ =	shalt  }
0x4d: {  	_ =	shalt  }
0x4e: {  	_ =	shalt  }
0x4f: {  	_ =	shalt  }
0x50: {  	_ =	shalt  }
0x51: {  	_ =	shalt  }
0x52: {  	_ =	shalt  }
0x53: {  	_ =	shalt  }
0x54: {  	_ =	shalt  }
0x55: {  	_ =	shalt  }
0x56: {  	_ =	shalt  }
0x57: {  	_ =	shalt  }
0x58: {  	_ =	shalt  }
0x59: {  	_ =	shalt  }
0x5a: {  	_ =	shalt  }
0x5b: {  	_ =	shalt  }
0x5c: {  	_ =	shalt  }
0x5d: {  	_ =	shalt  }
0x5e: {  	_ =	shalt  }
0x5f: {  	_ =	shalt  }
0x60: {  	_ =	shalt  }
0x61: {  	_ =	shalt  }
0x62: {  	_ =	shalt  }
0x63: {  	_ =	shalt  }
0x64: {  	_ =	shalt  }
0x65: {  	_ =	shalt  }
0x66: {  	_ =	shalt  }
0x67: {  	_ =	shalt  }
0x68: {  	_ =	shalt  }
0x69: {  	_ =	shalt  }
0x6a: {  	_ =	shalt  }
0x6b: {  	_ =	shalt  }
0x6c: {  	_ =	shalt  }
0x6d: {  	_ =	shalt  }
0x6e: {  	_ =	shalt  }
0x6f: {  	_ =	shalt  }
0x70: {  	_ =	shalt  }
0x71: {  	_ =	shalt  }
0x72: {  	_ =	shalt  }
0x73: {  	_ =	shalt  }
0x74: {  	_ =	shalt  }
0x75: {  	_ =	shalt  }
0x76: {  	_ =	shalt  }
0x77: {  	_ =	shalt  }
0x78: {  	_ =	shalt  }
0x79: {  	_ =	shalt  }
0x7a: {  	_ =	shalt  }
0x7b: {  	_ =	shalt  }
0x7c: {  	_ =	shalt  }
0x7d: {  	_ =	shalt  }
0x7e: {  	_ =	shalt  }
0x7f: {  	_ =	shalt  }
0x80: {  	_ =	shalt  }
0x81: {  	_ =	shalt  }
0x82: {  	_ =	shalt  }
0x83: {  	_ =	shalt  }
0x84: {  	_ =	shalt  }
0x85: {  	_ =	shalt  }
0x86: {  	_ =	shalt  }
0x87: {  	_ =	shalt  }
.Lfunc_end0:
.L_simem_size_0:
called_computation.2_lowered:
.L_overlay_start_0:
0x88: {  	s2 =	sld [smem:$0x3FD9]  }
0x89: {  	s3 =	sld [smem:$0x3FFE];
	_ =	sdelay $0x1  }
0x8a: {  	s1 =	srdreg.scid  }
0x8b: {  	s0 =	sand.u32 $0x1, s1  }
0x8c: {  	s16 =	sshll.u32 s0, $0xA;
	s2 =	sadd.s32 s3, s2  }
0x8d: {  	s2 =	sadd.s32 s2, s16  }
0x8e: {  	[smem:$0x3FC1] =	sst s2  }
0x8f: {  	_ = 	snop  }
0x90: {  	(tm) =	ssettm $0x1  }
0x91: {  	s17 =	sld [smem:$0x3FFB];
	_ =	sdelay $0x3  }
0x92: {  	_ =	strace s17  }
0x93: {  	s2 =	sld [smem:$0x3FFC];
	_ =	sdelay $0x3  }
0x94: {  	_ =	strace s2  }
0x95: {  	s2 =	sld [smem:$0x3FFD];
	_ =	sdelay $0x3  }
0x96: {  	_ =	strace s2  }
0x97: {  	_ =	strace $0x8FFFFFFF  }
0x98: {  	s18 =	sld [smem:$0x3FDB];
	_ =	sdelay $0x1  }
0x99: {  	s19 =	simm.s32 $_scs_section_size  }
0x9a: {  	s4 =	simm.s32 $_size__tile_overlayer_lowered;
	s5 =	simm.s32 $_tile_overlayer_lowered  }
0x9b: {  	s22 =	simm.s32 $0x1BFF;
	s21 =	sshll.u32 s5, $0x1;
	s2 =	sadd.s32 s19, s18  }
0x9c: {  	s6 =	simm.s32 $0x0;
	s20 =	sshll.u32 s4, $0x1;
	s4 =	sadd.s32 s21, s2  }
0x9d: {  	[timem:s6], [sflag:s22] =	dma.local [hbm:s4], s20  }
0x9e: {  	_ =	swait.ge [sflag:s22], s20  }
0x9f: {  	s3 =	ssub.s32 $0x0, s20;
	[sflag:s22] =	ssyncset.done $0x0  }
0xa0: {  	[sflag:s22] =	ssyncadd.s32 s3;
	_ =	sdelay $0x1  }
0xa1: {  	s23 =	simm.s32 $0x1B8B  }
0xa2: {  	_ =	swait.ge [sflag:s23], $0x1  }
0xa3: {  	[sflag:s23] =	ssyncset.done $0x0  }
0xa4: {  	s25 =	simm.s32 $0x1B8E;
	s24 =	sld [smem:$0x3FFE];
	[sflag:s23] =	ssyncadd.s32 $0xFFFFFFFF  }
0xa5: {  	s26 =	simm.s32 $execute0_lowered;
	[smem:$0x3FD2] =	sst s25  }
0xa6: {  	s4 =	sshll.u32 s26, $0x1;
	_ =	strace $0x8000004C;
	[dreg:$0x1] =	wrdreg $0xFFFFFFFF  }
0xa7: {  	s28 =	simm.s32 $_size_execute0_lowered;
	s2 =	sadd.s32 s2, s4;
	[dreg:$0x0] =	wrdreg $0x0  }
0xa8: {  	s4 =	sshll.u32 s28, $0x1;
	[dreg:$0x2] =	wrdreg s2  }
0xa9: {  	[dreg:$0x3] =	wrdreg s4  }
0xaa: {  	[dreg:$0x4] =	wrdreg $0xC0  }
0xab: {  	_ =	task [dreg:s6], $0x5FFFF  }
0xac: {  	[dreg:$0x1] =	wrdreg $0xFFFFFFFF  }
0xad: {  	[dreg:$0x0] =	wrdreg $0x60  }
0xae: {  	[dreg:$0x2] =	wrdreg s24  }
0xaf: {  	[dreg:$0x3] =	wrdreg $0x50800  }
0xb0: {  	[dreg:$0x4] =	wrdreg $0x9  }
0xb1: {  	_ =	task.clear_ibuf [dreg:s6], $0x5FFFF;
	_ =	strace $0x9000004C  }
0xb2: {  	s29 =	simm.s32 $0x9;
	_ =	strace $0x8000004E  }
0xb3: {  	_ =	swait.ge [sflag:s29], $0x1  }
0xb4: {  	[sflag:s29] =	ssyncadd.s32 $0xFFFFFFFF  }
0xb5: {  	_ =	strace $0x9000004E  }
0xb6: {  	_ =	sfence  }
0xb7: {  	s30 =	sld [smem:$0x0];
	_ =	sdelay $0x2  }
0xb8: {  	s31 =	sshll.u32 s1, $0xD;
	s1 =	sshrl.u32 s1, $0x2  }
0xb9: {  	s3 =	sand.u32 $0x4000, s31;
	s1 =	sadd.s32 s1, s30  }
0xba: {  	s0 =	sor.u32 s3, s0;
	s1 =	sshll.u32 s1, $0x11  }
0xbb: {  	s0 =	sor.u32 s1, s0  }
0xbc: {  	s0 =	sadd.s32 $0x8F2B, s0  }
0xbd: {  	[sflag:s0] =	ssyncadd.remote.s32 $0x1  }
0xbe: {  	_ =	sfence.sel $0xFFFF  }
0xbf: {  	[dreg:$0x0] =	wrdreg $0xFFFFFFFF;
	(pc) =	sbr.abs _section_cstart, $3  }
0xc0: {  	[dreg:$0x1] =	wrdreg $0xFFFFFFFF  }
0xc1: {  	_ =	task.clear_ibuf [dreg:s6], $0x2FFFF;
	_ =	strace $0x9FFFFFFF  }
0xc2: {  	(tm) =	ssettm $0x7FFFFFFF  }
0xc3: {  	_ =	shalt  }
tec
execute0_lowered:
.L_overlay_start_1:
0x0: {  	(tag) =	ssettag $0x1  }
0x1: {  	s0 =	srdreg.scid;
	s1 =	rddreg [dreg:$0x0]  }
0x2: {  	s20 =	stileid.u32;
	s2 =	rddreg [dreg:$0x1];
	s21 =	simm.s32 $0x2  }
0x3: {  	s22 =	simm.s32 $0x80;
	s24 =	simm.s32 $0x100;
	s25 =	simm.s32 $0x50  }
0x4: {  	s26 =	simm.s32 $0x1;
	s28 =	simm.s32 $0x0;
	s7 =	smul.u32 $0x4E000, s20  }
0x5: {  	s0 =	sand.u32 $0x1, s0;
	s30 =	sshll.u32 s20, $0x7;
	s17 =	smul.u32 $0x13800, s20  }
0x6: {  	s14 =	sadd.s32 $0x138000, s2;
	p0 =	sne.s32 s20, $0xF;
	s3 =	sshll.u32 s0, $0x4  }
0x7: {  	s6 =	sand.u32 $0x380, s30;
	s8 =	ssub.s32 $0x2, s0;
	s0 =	smul.u32 $0x138800, s0  }
0x8: {  	s16 =	sor.u32 s20, s3;
	s3 =	simm.s32 $0x0;
	s31 =	sshrl.u32 s8, $0x1  }
0x9: {  	s7 =	sshrl.u32 s7, $0x2;
	s20 =	simm.s32 $0x2880;
	s4 =	sshrl.u32 s16, $0x3  }
0xa: {  	[smem:$0x7FF] =	sst s3;
	s19 =	ssub.s32 s8, s31;
	s5 =	smul.u32 $0x13C00, s4  }
0xb: {  	s17 =	sadd.s32 s17, s0;
	s0 =	sshrl.u32 s0, $0x3;
	s16 =	smul.u32 $0x7D00, s16  }
0xc: {  	_ =	strace $0x8000004D;
	s4 =	sadd.s32 $0x2BC00, s1;
	s6 =	sor.u32 s6, s5  }
0xd: {  	s17 =	sshrl.u32 s17, $0x3;
	s19 =	smax.u32 s19, $0x1;
	s6 =	sshrl.u32 s6, $0x3  }
0xe: {  	s5 =	sadd.s32 $0xC800, s1;
	s15 =	sadd.s32 s6, s1;
	s6 =	sadd.s32 s7, s2  }
0xf: {  	s1 =	sadd.s32 $0x52E00, s1;
	s7 =	sadd.s32 $0x2800, s6;
	s8 =	sadd.s32 $0x5000, s6  }
0x10: {  	s9 =	sadd.s32 $0x7800, s6;
	s10 =	sadd.s32 $0xA000, s6;
	s11 =	sadd.s32 $0xC800, s6  }
0x11: {  	s12 =	sadd.s32 $0xF000, s6;
	s13 =	sadd.s32 $0x11800, s6;
	s0 =	sadd.s32 s1, s0  }
0x12: {  	v0 =	vimm.f32 $0.0e+00;
	s15 =	sadd.s32 $0x2A00, s15;
	s17 =	sadd.s32 s1, s17;
	s18 =	sadd.s32 $0x27000, s0  }
.LBB2_1:
0x13: {  	s0 =	simm.s32 $0x0;
	s1 =	simm.s32 $0x200  }
.LBB2_2:
0x14: {  	p1 =	sne.s32 s1, $0x9E00;
	[tilespmem:s0+$0x28F0] =	vst v0  }
0x15: {  	[tilespmem:s0+$0x2880] =	vst v0  }
0x16: {  	[tilespmem:s0+$0x2890] =	vst v0  }
.Ltmp0:
0x17: {  	[tilespmem:s0+$0x28A0] =	vst v0;
	(pc) =	sbr.rel @p1 .LBB2_2-.Ltmp0, $4  }
0x18: {  	[tilespmem:s0+$0x28B0] =	vst v0  }
0x19: {  	[tilespmem:s0+$0x28C0] =	vst v0  }
0x1a: {  	[tilespmem:s0+$0x28D0] =	vst v0  }
0x1b: {  	[tilespmem:s0+$0x28E0] =	vst v0;
	s0 =	sshra.s32 s1, $0x2;
	s1 =	sadd.s32 $0x200, s1  }
0x1c: {  	[tilespmem:s0+$0x28F0] =	vst v0  }
0x1d: {  	[tilespmem:s0+$0x2880] =	vst v0  }
0x1e: {  	[tilespmem:s0+$0x2890] =	vst v0  }
0x1f: {  	[tilespmem:s0+$0x28A0] =	vst v0  }
0x20: {  	[tilespmem:s0+$0x28B0] =	vst v0  }
0x21: {  	[tilespmem:s0+$0x28C0] =	vst v0  }
0x22: {  	[tilespmem:s0+$0x28D0] =	vst v0  }
0x23: {  	[tilespmem:s0+$0x28E0] =	vst v0  }
0x24: {  	[spmem:s6] =	stream.linear.scatter [tilespmem:s20], [sflag:$0x2], $0x2800, $0x38;
	[tilespmem:$0x18900] =	vst v63  }
0x25: {  	_ =	swait.ge [sflag:s21], $0x2800  }
0x26: {  	[sflag:s21] =	ssyncset.done $0x0  }
0x27: {  	[sflag:s21] =	ssyncadd.s32 $0xFFFFD800  }
0x28: {  	[spmem:s7] =	stream.linear.scatter [tilespmem:s20], [sflag:$0x2], $0x2800, $0x38;
	[tilespmem:$0x18900] =	vst v63  }
0x29: {  	_ =	swait.ge [sflag:s21], $0x2800  }
0x2a: {  	[sflag:s21] =	ssyncset.done $0x0  }
0x2b: {  	[sflag:s21] =	ssyncadd.s32 $0xFFFFD800  }
0x2c: {  	[spmem:s8] =	stream.linear.scatter [tilespmem:s20], [sflag:$0x2], $0x2800, $0x38;
	[tilespmem:$0x18900] =	vst v63  }
0x2d: {  	_ =	swait.ge [sflag:s21], $0x2800  }
0x2e: {  	[sflag:s21] =	ssyncset.done $0x0  }
0x2f: {  	[sflag:s21] =	ssyncadd.s32 $0xFFFFD800  }
0x30: {  	[spmem:s9] =	stream.linear.scatter [tilespmem:s20], [sflag:$0x2], $0x2800, $0x38;
	[tilespmem:$0x18900] =	vst v63  }
0x31: {  	_ =	swait.ge [sflag:s21], $0x2800  }
0x32: {  	[sflag:s21] =	ssyncset.done $0x0  }
0x33: {  	[sflag:s21] =	ssyncadd.s32 $0xFFFFD800  }
0x34: {  	[spmem:s10] =	stream.linear.scatter [tilespmem:s20], [sflag:$0x2], $0x2800, $0x38;
	[tilespmem:$0x18900] =	vst v63  }
0x35: {  	_ =	swait.ge [sflag:s21], $0x2800  }
0x36: {  	[sflag:s21] =	ssyncset.done $0x0  }
0x37: {  	[sflag:s21] =	ssyncadd.s32 $0xFFFFD800  }
0x38: {  	[spmem:s11] =	stream.linear.scatter [tilespmem:s20], [sflag:$0x2], $0x2800, $0x38;
	[tilespmem:$0x18900] =	vst v63  }
0x39: {  	_ =	swait.ge [sflag:s21], $0x2800  }
0x3a: {  	[sflag:s21] =	ssyncset.done $0x0  }
0x3b: {  	[sflag:s21] =	ssyncadd.s32 $0xFFFFD800  }
0x3c: {  	[spmem:s12] =	stream.linear.scatter [tilespmem:s20], [sflag:$0x2], $0x2800, $0x38;
	[tilespmem:$0x18900] =	vst v63  }
0x3d: {  	_ =	swait.ge [sflag:s21], $0x2800  }
0x3e: {  	[sflag:s21] =	ssyncset.done $0x0  }
0x3f: {  	[sflag:s21] =	ssyncadd.s32 $0xFFFFD800  }
0x40: {  	[spmem:s13] =	stream.linear.scatter [tilespmem:s20], [sflag:$0x2], $0x2000, $0x38;
	[tilespmem:$0x18900] =	vst v63  }
0x41: {  	_ =	swait.ge [sflag:s21], $0x2000  }
0x42: {  	[sflag:s21] =	ssyncset.done $0x0  }
0x43: {  	s0 =	simm.s32 @!p0 $0x2880;
	[sflag:s21] =	ssyncadd.s32 $0xFFFFE000  }
0x44: {  	[spmem:s14] =	stream.linear.scatter @!p0 [tilespmem:s0], [sflag:$0x2], $0x800, $0x38;
	[tilespmem:$0x18900] =	vst v63  }
0x45: {  	s0 =	simm.s32 @!p0 $0x2  }
0x46: {  	_ =	swait.ge @!p0 [sflag:s0], $0x800  }
0x47: {  	[sflag:s0] =	ssyncset.done @!p0 $0x0  }
0x48: {  	[sflag:s0] =	ssyncadd.s32 @!p0 $0xFFFFF800  }
0x49: {  	s31 =	simm.s32 $0x400;
	[bflag:$0x0] =	sbarrier.arrive $0xFFFF  }
0x4a: {  	[tilespmem:s24], [sflag:$0x2] =	stream.strided.gather [hbm4b:s15+s22], $0x2780, s31, s22, $0x38;
	[tilespmem:$0x18900] =	vst v63  }
0x4b: {  	_ =	swait.ge [sflag:s21], $0x2780  }
0x4c: {  	[sflag:s21] =	ssyncset.done $0x0  }
0x4d: {  	s29 =	simm.s32 $0x0;
	s30 =	simm.s32 $0x0;
	[sflag:s21] =	ssyncadd.s32 $0xFFFFD880  }
.LBB2_4:
0x4e: {  	s0 =	sshll.u32 s30, $0x8  }
0x4f: {  	s0 =	sadd.s32 s16, s0  }
0x50: {  	s0 =	sshrl.u32 s0, $0x3  }
0x51: {  	s0 =	sadd.s32 s5, s0  }
0x52: {  	[tilespmem:s28], [sflag:$0x2] =	stream.linear.gather [hbm4b:s0+s28], $0x100, $0x38;
	[tilespmem:$0x18900] =	vst v63  }
0x53: {  	_ =	swait.ge [sflag:s21], $0x100  }
0x54: {  	[sflag:s21] =	ssyncset.done $0x0  }
0x55: {  	[sflag:s21] =	ssyncadd.s32 $0xFFFFFF00  }
0x56: {  	[tilespmem:s20], [sflag:$0x1] =	stream.indirect.gather [hbm4b:s4+s25], $0x80, s28, s25, $0xb8;
	[tilespmem:$0x18900] =	vst v63  }
0x57: {  	s23 =	sadd.s32 $0x0, s29;
	_ =	swait.ge [sflag:s26], $0x2800  }
0x58: {  	v1 =	vmov s23;
	[sflag:s26] =	ssyncset.done $0x0  }
0x59: {  	s31 =	simm.s32 $0x28C0;
	[sflag:s26] =	ssyncadd.s32 $0xFFFFD800  }
0x5a: {  	v5 =	vld [tilespmem:s31+$0x30]  }
0x5b: {  	v8 =	vld [tilespmem:s31+$0x10]  }
0x5c: {  	v6 =	vld [tilespmem:s31+$0xFFFFFFC0]  }
0x5d: {  	v2 =	vld.idx.msk [tilespmem:v1+s24+$0x0], $0xffff  }
0x5e: {  	v10 =	vld [tilespmem:s31+$0xFFFFFFE0]  }
0x5f: {  	v1 =	vld [tilespmem:s31+$0xFFFFFFF0]  }
0x60: {  	v3 =	vld [tilespmem:s31+$0x20]  }
0x61: {  	v4 =	vld [tilespmem:s31+$0xFFFFFFD0]  }
0x62: {  	v9 =	vmul.f32 v5, v2;
	v5 =	vld [tilespmem:s31+$0x0]  }
0x63: {  	v7 =	vmul.f32 v6, v2  }
0x64: {  	s1 =	simm.s32 $0x1;
	s0 =	simm.s32 $0x28C0;
	v6 =	vmul.f32 v10, v2;
	v8 =	vmul.f32 v8, v2  }
.LBB2_5:
0x65: {  	p1 =	sne.s32 s1, $0x4F  }
0x66: {  	v4 =	vmul.f32 v4, v2;
	v3 =	vmul.f32 v3, v2;
	[tilespmem:s31+$0x30] =	vst v9;
	s0 =	sadd.s32 $0x80, s0;
	s23 =	smov.u32 s1;
	s1 =	sadd.s32 $0x1, s1  }
0x67: {  	[tilespmem:s31+$0xFFFFFFC0] =	vst v7;
	v7 =	vmul.f32 v1, v2;
	v2 =	vmul.f32 v5, v2  }
0x68: {  	s23 =	sadd.s32 s23, s29;
	[tilespmem:s31+$0x10] =	vst v8  }
0x69: {  	v5 =	vmov s23;
	[tilespmem:s31+$0xFFFFFFE0] =	vst v6  }
0x6a: {  	v1 =	vld [tilespmem:s0+$0xFFFFFFF0];
	[tilespmem:s31+$0xFFFFFFF0] =	vst v7  }
0x6b: {  	v6 =	vld [tilespmem:s0+$0x30];
	[tilespmem:s31+$0x0] =	vst v2  }
0x6c: {  	v8 =	vld [tilespmem:s0+$0x10];
	[tilespmem:s31+$0x20] =	vst v3  }
0x6d: {  	v7 =	vld [tilespmem:s0+$0xFFFFFFC0];
	[tilespmem:s31+$0xFFFFFFD0] =	vst v4;
	s31 =	smov.u32 s0  }
0x6e: {  	v2 =	vld.idx.msk [tilespmem:v5+s24+$0x0], $0xffff  }
0x6f: {  	v10 =	vld [tilespmem:s0+$0xFFFFFFE0]  }
0x70: {  	v3 =	vld [tilespmem:s0+$0x20]  }
.Ltmp1:
0x71: {  	v4 =	vld [tilespmem:s0+$0xFFFFFFD0];
	(pc) =	sbr.rel @p1 .LBB2_5-.Ltmp1, $3  }
0x72: {  	v5 =	vld [tilespmem:s0+$0x0];
	_ =	sdelay $0x1  }
0x73: {  	v7 =	vmul.f32 v7, v2;
	v9 =	vmul.f32 v6, v2  }
0x74: {  	v8 =	vmul.f32 v8, v2;
	v6 =	vmul.f32 v10, v2  }
0x75: {  	[tilespmem:s31+$0x30] =	vst v9  }
0x76: {  	[tilespmem:s31+$0xFFFFFFC0] =	vst v7  }
0x77: {  	v1 =	vmul.f32 v1, v2;
	[tilespmem:s31+$0x10] =	vst v8  }
0x78: {  	v3 =	vmul.f32 v3, v2;
	[tilespmem:s31+$0xFFFFFFE0] =	vst v6  }
0x79: {  	v5 =	vmul.f32 v5, v2;
	[tilespmem:s31+$0xFFFFFFF0] =	vst v1  }
0x7a: {  	s30 =	sadd.s32 $0x1, s30;
	v1 =	vmul.f32 v4, v2;
	[tilespmem:s31+$0x20] =	vst v3  }
0x7b: {  	p1 =	sne.s32 s30, $0x7D;
	[tilespmem:s31+$0x0] =	vst v5  }
.Ltmp2:
0x7c: {  	[tilespmem:s31+$0xFFFFFFD0] =	vst v1;
	(pc) =	sbr.rel @p1 .LBB2_4-.Ltmp2, $4  }
0x7d: {  	[spmem:s2] =	stream.indirect.scatter.add.f32 [tilespmem:s20], [sflag:$0x2], $0x80, s22, s25, $0xb8;
	[tilespmem:$0x18900] =	vst v63  }
0x7e: {  	_ =	swait.ge [sflag:s21], $0x2800  }
0x7f: {  	[sflag:s21] =	ssyncset.done $0x0  }
0x80: {  	s29 =	sadd.s32 $0x50, s29;
	[sflag:s21] =	ssyncadd.s32 $0xFFFFD800  }
0x81: {  	s0 =	stileid.u32  }
0x82: {  	s0 =	sshll.u32 s0, $0x6  }
0x83: {  	[bflag:$0x0] =	sbarrier.arrive $0xFFFF;
	s1 =	sshrl.u32 s6, $0x3;
	s0 =	sor.u32 $0x1C02, s0  }
0x84: {  	[hbm:s17], [sflag:s0] =	dma.local [spmem:s1], $0x2700  }
0x85: {  	_ =	swait.ge [sflag:s21], $0x2700  }
0x86: {  	s3 =	sadd.s32 $0x1, s3;
	[sflag:s21] =	ssyncset.done $0x0  }
0x87: {  	p1 =	sne.s32 s3, s19;
	s1 =	sshrl.u32 @!p0 s14, $0x3;
	[sflag:s21] =	ssyncadd.s32 $0xFFFFD900  }
0x88: {  	[hbm:s18], [sflag:s0] =	dma.local @!p0 [spmem:s1], $0x100  }
.Ltmp3:
0x89: {  	_ = 	snop;
	(pc) =	sbr.rel @p1 .LBB2_1-.Ltmp3, $4  }
0x8a: {  	s0 =	simm.s32 @!p0 $0x2  }
0x8b: {  	_ =	swait.ge @!p0 [sflag:s0], $0x100  }
0x8c: {  	[sflag:s0] =	ssyncset.done @!p0 $0x0  }
0x8d: {  	[sflag:s0] =	ssyncadd.s32 @!p0 $0xFFFFFF00  }
0x8e: {  	_ =	sfence.sel $0x180000  }
0x8f: {  	[bflag:$0x0] =	sbarrier.arrive $0xFFFF  }
0x90: {  	_ =	strace $0x9000004D  }
0x91: {  	s0 =	stileid.u32;
	[bflag:$0x2] =	sbarrier.arrive $0xFFFF  }
0x92: {  	p0 =	sne.s32 s0, $0x0;
	s0 =	rddreg [dreg:$0x2]  }
0x93: {  	s0 =	sadd.s32 @!p0 $0x100000, s0  }
0x94: {  	[sflag:s0] =	ssyncadd.tile.s32 @!p0 $0x1;
	_ =	shalt  }
.Lfunc_end2:
_tile_overlayer_lowered:
.L_overlay_start_2:
0x95: {  	(tag) =	ssettag $0x2  }
0x96: {  	s0 =	rddreg [dreg:$0x0];
	s2 =	stileid.u32  }
0x97: {  	s1 =	rddreg [dreg:$0x1];
	p0 =	sne.s32 s2, $0x0  }
0x98: {  	s3 =	rddreg [dreg:$0x2];
	[bflag:$0x3] =	sbarrier.arrive $0xFFFF;
	s2 =	simm.s32 @!p0 $0x1C02  }
0x99: {  	[timem:s3], [sflag:s2] =	dma.local @!p0 [hbm:s0], s1  }
0x9a: {  	s0 =	simm.s32 @!p0 $0x2  }
0x9b: {  	_ =	swait.ge @!p0 [sflag:s0], s1  }
0x9c: {  	s1 =	ssub.s32 @!p0 $0x0, s1;
	[sflag:s0] =	ssyncset.done @!p0 $0x0  }
0x9d: {  	[sflag:s0] =	ssyncadd.s32 @!p0 s1  }
0x9e: {  	[bflag:$0x3] =	sbarrier.arrive $0xFFFF  }
0x9f: {  	_ =	shalt  }

// kernel: kernel.8.cloned.1.call-start
scs
__scs_entry_jumppad:
0x0: {  	(pc) =	sbr.rel $0x88, $3  }
0x1: {  	(tag) =	ssettag $0x0;
	lr =	simm.s32 $0x1  }
0x2: {  	[smem:$0x3F9A] =	sst lr;
	_ =	strace $0xD0000000  }
0x3: {  	_ = 	snop  }
0x4: {  	_ = 	snop  }
0x5: {  	_ = 	snop  }
0x6: {  	_ = 	snop  }
0x7: {  	_ = 	snop  }
__scs_overlays_trampoline_lowered:
0x8: {  	[smem:$0x3FA9] =	sst s0  }
0x9: {  	[smem:$0x3FAA] =	sst s1  }
0xa: {  	[smem:$0x3FAB] =	sst s2  }
0xb: {  	[smem:$0x3FAC] =	sst s3  }
0xc: {  	[smem:$0x3FAD] =	sst s4  }
0xd: {  	[smem:$0x3FAE] =	sst s5  }
0xe: {  	[smem:$0x3FAF] =	sst s6  }
0xf: {  	[smem:$0x3FB0] =	sst s7  }
0x10: {  	[smem:$0x3FB1] =	sst s8  }
0x11: {  	[smem:$0x3FB2] =	sst s9;
	s0 =	simm.s32 @!p0 $0x0  }
0x12: {  	s1 =	sld [smem:$0x3F98];
	s0 =	simm.s32 @p0 $0x1  }
0x13: {  	[smem:$0x3FB3] =	sst s0;
	s0 =	simm.s32 @!p1 $0x0  }
0x14: {  	s2 =	sld [smem:$0x3F97];
	s0 =	simm.s32 @p1 $0x1  }
0x15: {  	[smem:$0x3FB4] =	sst s0;
	s0 =	simm.s32 @!p2 $0x0  }
0x16: {  	s3 =	sld [smem:$0x3FDB];
	s0 =	simm.s32 @p2 $0x1  }
0x17: {  	s4 =	simm.s32 $0x1BF5;
	[smem:$0x3FB6] =	sst s0  }
0x18: {  	s0 =	sld [smem:$0x3F99];
	_ =	swait.ge [sflag:s4], $0x0  }
0x19: {  	s7 =	sld [smem:$0x3F9A]  }
0x1a: {  	s8 =	sadd.s32 $0xFFFFE003, lr  }
0x1b: {  	s9 =	sadd.s32 $0xFFFFFEF7, lr;
	s5 =	simm.s32 $0xFFFFFFFF;
	p2 =	slt.u32 s8, $0xFFFFF086  }
0x1c: {  	p1 =	slt.u32 s9, $0xF7A;
	s5 =	simm.s32 @!p2 $0x0  }
0x1d: {  	s5 =	simm.s32 @p1 $0x1;
	p0 =	seq.s32 s7, s2  }
0x1e: {  	s7 =	smul.u32 @!p0 $0xF7A, s2;
	p2 =	seq.s32 @!p0 s5, $0x0  }
0x1f: {  	s9 =	smul.u32 $0xF7A, s1;
	s8 =	simm.s32 @!p0 $0x1BF5;
	p2 =	por !p2, p0  }
0x20: {  	[sflag:s8] =	ssyncset.s32 @!p0 $0xFFFFF086;
	s6 =	sadd.s32 @!p0 s3, s7;
	s7 =	simm.s32 @!p0 $0x108  }
0x21: {  	s3 =	sadd.s32 s3, s9;
	s6 =	sadd.s32 @!p0 $0x88, s6;
	s7 =	simm.s32 @p2 $0x1082  }
0x22: {  	[simem:s7], [sflag:s8] =	dma.local @!p0 [hbm:s6], $0xF7A  }
0x23: {  	s9 =	sor.u32 $0xD0000000, s2;
	s6 =	simm.s32 $0x108;
	_ =	swait.ge @!p0 [sflag:s8], $0x0  }
0x24: {  	s3 =	sadd.s32 $0x88, s3;
	s6 =	simm.s32 @!p1 $0x1082;
	[sflag:s4] =	ssyncset.s32 $0xFFFFF086  }
0x25: {  	[simem:s6], [sflag:s4] =	dma.local [hbm:s3], $0xF7A  }
0x26: {  	[smem:$0x3F9A] =	sst s1;
	(tag) =	ssettag s2;
	_ =	strace s9  }
0x27: {  	s1 =	sld [smem:$0x3FAA]  }
0x28: {  	s2 =	sld [smem:$0x3FAB]  }
0x29: {  	s4 =	sld [smem:$0x3FAD]  }
0x2a: {  	p0 =	seq.s32 s5, $0x0;
	s5 =	sld [smem:$0x3FAE]  }
0x2b: {  	s6 =	sld [smem:$0x3FAF]  }
0x2c: {  	s7 =	sld [smem:$0x3FB0]  }
0x2d: {  	s3 =	simm.s32 $0x108;
	s8 =	sld [smem:$0x3FB1]  }
0x2e: {  	s3 =	simm.s32 @!p0 $0x1082;
	s9 =	sld [smem:$0x3FB2]  }
0x2f: {  	lr =	sadd.s32 s0, s3;
	s0 =	sld [smem:$0x3FA9]  }
0x30: {  	s3 =	sld [smem:$0x3FAC]  }
0x31: {  	[smem:$0x3FB5] =	sst s10  }
0x32: {  	s10 =	sld [smem:$0x3FB3];
	_ =	sdelay $0x3  }
0x33: {  	p0 =	seq.s32 s10, $0x1;
	s10 =	sld [smem:$0x3FB5];
	_ =	sdelay $0x3  }
0x34: {  	[smem:$0x3FB5] =	sst s10  }
0x35: {  	s10 =	sld [smem:$0x3FB4];
	_ =	sdelay $0x3  }
0x36: {  	p1 =	seq.s32 s10, $0x1;
	s10 =	sld [smem:$0x3FB5];
	_ =	sdelay $0x3  }
0x37: {  	[smem:$0x3FB5] =	sst s10  }
0x38: {  	s10 =	sld [smem:$0x3FB6]  }
0x39: {  	_ = 	snop;
	(pc) =	sbr.ind lr, $3  }
0x3a: {  	_ = 	snop  }
0x3b: {  	_ = 	snop  }
0x3c: {  	p2 =	seq.s32 s10, $0x1;
	s10 =	sld [smem:$0x3FB5]  }
0x3d: {  	_ =	shalt  }
0x3e: {  	_ =	shalt  }
0x3f: {  	_ =	shalt  }
0x40: {  	_ =	shalt  }
0x41: {  	_ =	shalt  }
0x42: {  	_ =	shalt  }
0x43: {  	_ =	shalt  }
0x44: {  	_ =	shalt  }
0x45: {  	_ =	shalt  }
0x46: {  	_ =	shalt  }
0x47: {  	_ =	shalt  }
0x48: {  	_ =	shalt  }
0x49: {  	_ =	shalt  }
0x4a: {  	_ =	shalt  }
0x4b: {  	_ =	shalt  }
0x4c: {  	_ =	shalt  }
0x4d: {  	_ =	shalt  }
0x4e: {  	_ =	shalt  }
0x4f: {  	_ =	shalt  }
0x50: {  	_ =	shalt  }
0x51: {  	_ =	shalt  }
0x52: {  	_ =	shalt  }
0x53: {  	_ =	shalt  }
0x54: {  	_ =	shalt  }
0x55: {  	_ =	shalt  }
0x56: {  	_ =	shalt  }
0x57: {  	_ =	shalt  }
0x58: {  	_ =	shalt  }
0x59: {  	_ =	shalt  }
0x5a: {  	_ =	shalt  }
0x5b: {  	_ =	shalt  }
0x5c: {  	_ =	shalt  }
0x5d: {  	_ =	shalt  }
0x5e: {  	_ =	shalt  }
0x5f: {  	_ =	shalt  }
0x60: {  	_ =	shalt  }
0x61: {  	_ =	shalt  }
0x62: {  	_ =	shalt  }
0x63: {  	_ =	shalt  }
0x64: {  	_ =	shalt  }
0x65: {  	_ =	shalt  }
0x66: {  	_ =	shalt  }
0x67: {  	_ =	shalt  }
0x68: {  	_ =	shalt  }
0x69: {  	_ =	shalt  }
0x6a: {  	_ =	shalt  }
0x6b: {  	_ =	shalt  }
0x6c: {  	_ =	shalt  }
0x6d: {  	_ =	shalt  }
0x6e: {  	_ =	shalt  }
0x6f: {  	_ =	shalt  }
0x70: {  	_ =	shalt  }
0x71: {  	_ =	shalt  }
0x72: {  	_ =	shalt  }
0x73: {  	_ =	shalt  }
0x74: {  	_ =	shalt  }
0x75: {  	_ =	shalt  }
0x76: {  	_ =	shalt  }
0x77: {  	_ =	shalt  }
0x78: {  	_ =	shalt  }
0x79: {  	_ =	shalt  }
0x7a: {  	_ =	shalt  }
0x7b: {  	_ =	shalt  }
0x7c: {  	_ =	shalt  }
0x7d: {  	_ =	shalt  }
0x7e: {  	_ =	shalt  }
0x7f: {  	_ =	shalt  }
0x80: {  	_ =	shalt  }
0x81: {  	_ =	shalt  }
0x82: {  	_ =	shalt  }
0x83: {  	_ =	shalt  }
0x84: {  	_ =	shalt  }
0x85: {  	_ =	shalt  }
0x86: {  	_ =	shalt  }
0x87: {  	_ =	shalt  }
.Lfunc_end0:
.L_simem_size_0:
called_computation_lowered:
.L_overlay_start_0:
0x88: {  	s2 =	sld [smem:$0x3FD9]  }
0x89: {  	s3 =	sld [smem:$0x3FFE];
	_ =	sdelay $0x1  }
0x8a: {  	s1 =	srdreg.scid  }
0x8b: {  	s0 =	sand.u32 $0x1, s1  }
0x8c: {  	s17 =	sshll.u32 s0, $0xA;
	s2 =	sadd.s32 s3, s2  }
0x8d: {  	s2 =	sadd.s32 s2, s17  }
0x8e: {  	[smem:$0x3FC1] =	sst s2  }
0x8f: {  	_ = 	snop  }
0x90: {  	s2 =	sld [smem:$0x3FC9];
	(tm) =	ssettm $0x1  }
0x91: {  	s18 =	sld [smem:$0x3FFB];
	_ =	sdelay $0x3  }
0x92: {  	_ =	strace s18  }
0x93: {  	s3 =	sld [smem:$0x3FFC];
	_ =	sdelay $0x3  }
0x94: {  	_ =	strace s3  }
0x95: {  	s3 =	sld [smem:$0x3FFD];
	_ =	sdelay $0x3  }
0x96: {  	_ =	strace s3  }
0x97: {  	_ =	strace $0x8FFFFFFF  }
0x98: {  	s19 =	sld [smem:$0x3FDB];
	_ =	sdelay $0x1  }
0x99: {  	s4 =	simm.s32 $_scs_section_size  }
0x9a: {  	s5 =	simm.s32 $_size__tile_overlayer_lowered;
	s6 =	simm.s32 $_tile_overlayer_lowered  }
0x9b: {  	s22 =	simm.s32 $0x1BFF;
	s21 =	sshll.u32 s6, $0x1;
	s3 =	sadd.s32 s4, s19  }
0x9c: {  	s7 =	simm.s32 $0x0;
	s20 =	sshll.u32 s5, $0x1;
	s5 =	sadd.s32 s21, s3  }
0x9d: {  	[timem:s7], [sflag:s22] =	dma.local [hbm:s5], s20  }
0x9e: {  	_ =	swait.ge [sflag:s22], s20  }
0x9f: {  	s4 =	ssub.s32 $0x0, s20;
	[sflag:s22] =	ssyncset.done $0x0  }
0xa0: {  	[sflag:s22] =	ssyncadd.s32 s4;
	_ =	sdelay $0x1  }
0xa1: {  	s23 =	simm.s32 $0x1B8B  }
0xa2: {  	_ =	swait.ge [sflag:s23], $0x1  }
0xa3: {  	[sflag:s23] =	ssyncset.done $0x0  }
0xa4: {  	s25 =	simm.s32 $0x1B8E;
	s24 =	sld [smem:$0x3FFE];
	[sflag:s23] =	ssyncadd.s32 $0xFFFFFFFF  }
0xa5: {  	s26 =	simm.s32 $execute0_lowered;
	[smem:$0x3FD2] =	sst s25  }
0xa6: {  	s5 =	sshll.u32 s26, $0x1;
	_ =	strace $0x80000046;
	[dreg:$0x1] =	wrdreg $0xFFFFFFFF  }
0xa7: {  	s28 =	simm.s32 $_size_execute0_lowered;
	s3 =	sadd.s32 s3, s5;
	[dreg:$0x0] =	wrdreg $0x0  }
0xa8: {  	s5 =	sshll.u32 s28, $0x1;
	[dreg:$0x2] =	wrdreg s3  }
0xa9: {  	[dreg:$0x3] =	wrdreg s5  }
0xaa: {  	[dreg:$0x4] =	wrdreg $0xC0  }
0xab: {  	_ =	task [dreg:s7], $0x5FFFF  }
0xac: {  	[dreg:$0x1] =	wrdreg $0xFFFFFFFF  }
0xad: {  	[dreg:$0x0] =	wrdreg $0x60  }
0xae: {  	[dreg:$0x2] =	wrdreg s2  }
0xaf: {  	[dreg:$0x3] =	wrdreg s24  }
0xb0: {  	[dreg:$0x4] =	wrdreg $0x50800  }
0xb1: {  	[dreg:$0x5] =	wrdreg $0x9  }
0xb2: {  	_ =	task.clear_ibuf [dreg:s7], $0x6FFFF;
	_ =	strace $0x90000046  }
0xb3: {  	s29 =	simm.s32 $0x9;
	_ =	strace $0x80000048  }
0xb4: {  	_ =	swait.ge [sflag:s29], $0x1  }
0xb5: {  	[sflag:s29] =	ssyncadd.s32 $0xFFFFFFFF  }
0xb6: {  	_ =	strace $0x90000048  }
0xb7: {  	_ =	sfence  }
0xb8: {  	s30 =	sld [smem:$0x0];
	_ =	sdelay $0x2  }
0xb9: {  	s31 =	sshll.u32 s1, $0xD;
	s1 =	sshrl.u32 s1, $0x2  }
0xba: {  	s3 =	sand.u32 $0x4000, s31;
	s1 =	sadd.s32 s1, s30  }
0xbb: {  	s0 =	sor.u32 s3, s0;
	s1 =	sshll.u32 s1, $0x11  }
0xbc: {  	s0 =	sor.u32 s1, s0  }
0xbd: {  	s0 =	sadd.s32 $0x8F2B, s0  }
0xbe: {  	[sflag:s0] =	ssyncadd.remote.s32 $0x1  }
0xbf: {  	_ =	sfence.sel $0xFFFF  }
0xc0: {  	[dreg:$0x0] =	wrdreg $0xFFFFFFFF;
	(pc) =	sbr.abs _section_cstart, $3  }
0xc1: {  	[dreg:$0x1] =	wrdreg $0xFFFFFFFF  }
0xc2: {  	_ =	task.clear_ibuf [dreg:s7], $0x2FFFF;
	_ =	strace $0x9FFFFFFF  }
0xc3: {  	(tm) =	ssettm $0x7FFFFFFF  }
tec
execute0_lowered:
.L_overlay_start_1:
0x0: {  	(tag) =	ssettag $0x1  }
0x1: {  	s1 =	rddreg [dreg:$0x0]  }
0x2: {  	s0 =	srdreg.scid;
	s2 =	rddreg [dreg:$0x1]  }
0x3: {  	s20 =	stileid.u32;
	s3 =	rddreg [dreg:$0x2]  }
0x4: {  	s21 =	simm.s32 $0x2;
	s22 =	simm.s32 $0x80;
	s24 =	simm.s32 $0x100  }
0x5: {  	s25 =	simm.s32 $0x50;
	s26 =	simm.s32 $0x1;
	s28 =	simm.s32 $0x0  }
0x6: {  	s0 =	sand.u32 $0x1, s0;
	s6 =	sshll.u32 s20, $0x7;
	s7 =	smul.u32 $0x4E000, s20  }
0x7: {  	s17 =	smul.u32 $0x13800, s20;
	s14 =	sadd.s32 $0x138000, s3;
	p0 =	sne.s32 s20, $0xF  }
0x8: {  	s4 =	sshll.u32 s0, $0x4;
	s6 =	sand.u32 $0x380, s6;
	s8 =	ssub.s32 $0x2, s0  }
0x9: {  	s0 =	smul.u32 $0x138800, s0;
	s16 =	sor.u32 s20, s4;
	s4 =	simm.s32 $0x0  }
0xa: {  	s31 =	sshrl.u32 s8, $0x1;
	s7 =	sshrl.u32 s7, $0x2;
	s5 =	sshrl.u32 s16, $0x3  }
0xb: {  	s20 =	simm.s32 $0x2880;
	[smem:$0x7FF] =	sst s4;
	s5 =	smul.u32 $0x13C00, s5  }
0xc: {  	s19 =	ssub.s32 s8, s31;
	s17 =	sadd.s32 s17, s0;
	s0 =	sshrl.u32 s0, $0x3  }
0xd: {  	s16 =	smul.u32 $0x7D00, s16;
	_ =	strace $0x80000047;
	s6 =	sor.u32 s6, s5  }
0xe: {  	s17 =	sshrl.u32 s17, $0x3;
	s19 =	smax.u32 s19, $0x1;
	s6 =	sshrl.u32 s6, $0x3  }
0xf: {  	s5 =	sadd.s32 $0xC800, s2;
	s15 =	sadd.s32 s6, s2;
	s6 =	sadd.s32 s7, s3  }
0x10: {  	s2 =	sadd.s32 $0x2BC00, s2;
	s7 =	sadd.s32 $0x2800, s6;
	s8 =	sadd.s32 $0x5000, s6  }
0x11: {  	s9 =	sadd.s32 $0x7800, s6;
	s10 =	sadd.s32 $0xA000, s6;
	s11 =	sadd.s32 $0xC800, s6  }
0x12: {  	s12 =	sadd.s32 $0xF000, s6;
	s13 =	sadd.s32 $0x11800, s6;
	s0 =	sadd.s32 s2, s0  }
0x13: {  	v0 =	vimm.f32 $0.0e+00;
	s15 =	sadd.s32 $0x2A00, s15;
	s17 =	sadd.s32 s2, s17;
	s18 =	sadd.s32 $0x27000, s0  }
.LBB2_1:
0x14: {  	s0 =	simm.s32 $0x0;
	s2 =	simm.s32 $0x200  }
.LBB2_2:
0x15: {  	p1 =	sne.s32 s2, $0x9E00;
	[tilespmem:s0+$0x28F0] =	vst v0  }
0x16: {  	[tilespmem:s0+$0x2880] =	vst v0  }
0x17: {  	[tilespmem:s0+$0x2890] =	vst v0  }
.Ltmp0:
0x18: {  	[tilespmem:s0+$0x28A0] =	vst v0;
	(pc) =	sbr.rel @p1 .LBB2_2-.Ltmp0, $4  }
0x19: {  	[tilespmem:s0+$0x28B0] =	vst v0  }
0x1a: {  	[tilespmem:s0+$0x28C0] =	vst v0  }
0x1b: {  	[tilespmem:s0+$0x28D0] =	vst v0  }
0x1c: {  	[tilespmem:s0+$0x28E0] =	vst v0;
	s0 =	sshra.s32 s2, $0x2;
	s2 =	sadd.s32 $0x200, s2  }
0x1d: {  	[tilespmem:s0+$0x28F0] =	vst v0  }
0x1e: {  	[tilespmem:s0+$0x2880] =	vst v0  }
0x1f: {  	[tilespmem:s0+$0x2890] =	vst v0  }
0x20: {  	[tilespmem:s0+$0x28A0] =	vst v0  }
0x21: {  	[tilespmem:s0+$0x28B0] =	vst v0  }
0x22: {  	[tilespmem:s0+$0x28C0] =	vst v0  }
0x23: {  	[tilespmem:s0+$0x28D0] =	vst v0  }
0x24: {  	[tilespmem:s0+$0x28E0] =	vst v0  }
0x25: {  	[spmem:s6] =	stream.linear.scatter [tilespmem:s20], [sflag:$0x2], $0x2800, $0x38;
	[tilespmem:$0x18900] =	vst v63  }
0x26: {  	_ =	swait.ge [sflag:s21], $0x2800  }
0x27: {  	[sflag:s21] =	ssyncset.done $0x0  }
0x28: {  	[sflag:s21] =	ssyncadd.s32 $0xFFFFD800  }
0x29: {  	[spmem:s7] =	stream.linear.scatter [tilespmem:s20], [sflag:$0x2], $0x2800, $0x38;
	[tilespmem:$0x18900] =	vst v63  }
0x2a: {  	_ =	swait.ge [sflag:s21], $0x2800  }
0x2b: {  	[sflag:s21] =	ssyncset.done $0x0  }
0x2c: {  	[sflag:s21] =	ssyncadd.s32 $0xFFFFD800  }
0x2d: {  	[spmem:s8] =	stream.linear.scatter [tilespmem:s20], [sflag:$0x2], $0x2800, $0x38;
	[tilespmem:$0x18900] =	vst v63  }
0x2e: {  	_ =	swait.ge [sflag:s21], $0x2800  }
0x2f: {  	[sflag:s21] =	ssyncset.done $0x0  }
0x30: {  	[sflag:s21] =	ssyncadd.s32 $0xFFFFD800  }
0x31: {  	[spmem:s9] =	stream.linear.scatter [tilespmem:s20], [sflag:$0x2], $0x2800, $0x38;
	[tilespmem:$0x18900] =	vst v63  }
0x32: {  	_ =	swait.ge [sflag:s21], $0x2800  }
0x33: {  	[sflag:s21] =	ssyncset.done $0x0  }
0x34: {  	[sflag:s21] =	ssyncadd.s32 $0xFFFFD800  }
0x35: {  	[spmem:s10] =	stream.linear.scatter [tilespmem:s20], [sflag:$0x2], $0x2800, $0x38;
	[tilespmem:$0x18900] =	vst v63  }
0x36: {  	_ =	swait.ge [sflag:s21], $0x2800  }
0x37: {  	[sflag:s21] =	ssyncset.done $0x0  }
0x38: {  	[sflag:s21] =	ssyncadd.s32 $0xFFFFD800  }
0x39: {  	[spmem:s11] =	stream.linear.scatter [tilespmem:s20], [sflag:$0x2], $0x2800, $0x38;
	[tilespmem:$0x18900] =	vst v63  }
0x3a: {  	_ =	swait.ge [sflag:s21], $0x2800  }
0x3b: {  	[sflag:s21] =	ssyncset.done $0x0  }
0x3c: {  	[sflag:s21] =	ssyncadd.s32 $0xFFFFD800  }
0x3d: {  	[spmem:s12] =	stream.linear.scatter [tilespmem:s20], [sflag:$0x2], $0x2800, $0x38;
	[tilespmem:$0x18900] =	vst v63  }
0x3e: {  	_ =	swait.ge [sflag:s21], $0x2800  }
0x3f: {  	[sflag:s21] =	ssyncset.done $0x0  }
0x40: {  	[sflag:s21] =	ssyncadd.s32 $0xFFFFD800  }
0x41: {  	[spmem:s13] =	stream.linear.scatter [tilespmem:s20], [sflag:$0x2], $0x2000, $0x38;
	[tilespmem:$0x18900] =	vst v63  }
0x42: {  	_ =	swait.ge [sflag:s21], $0x2000  }
0x43: {  	[sflag:s21] =	ssyncset.done $0x0  }
0x44: {  	s0 =	simm.s32 @!p0 $0x2880;
	[sflag:s21] =	ssyncadd.s32 $0xFFFFE000  }
0x45: {  	[spmem:s14] =	stream.linear.scatter @!p0 [tilespmem:s0], [sflag:$0x2], $0x800, $0x38;
	[tilespmem:$0x18900] =	vst v63  }
0x46: {  	s0 =	simm.s32 @!p0 $0x2  }
0x47: {  	_ =	swait.ge @!p0 [sflag:s0], $0x800  }
0x48: {  	[sflag:s0] =	ssyncset.done @!p0 $0x0  }
0x49: {  	[sflag:s0] =	ssyncadd.s32 @!p0 $0xFFFFF800  }
0x4a: {  	s31 =	simm.s32 $0x400;
	[bflag:$0x0] =	sbarrier.arrive $0xFFFF  }
0x4b: {  	[tilespmem:s24], [sflag:$0x2] =	stream.strided.gather [hbm4b:s15+s22], $0x2780, s31, s22, $0x38;
	[tilespmem:$0x18900] =	vst v63  }
0x4c: {  	_ =	swait.ge [sflag:s21], $0x2780  }
0x4d: {  	[sflag:s21] =	ssyncset.done $0x0  }
0x4e: {  	s29 =	simm.s32 $0x0;
	s30 =	simm.s32 $0x0;
	[sflag:s21] =	ssyncadd.s32 $0xFFFFD880  }
.LBB2_4:
0x4f: {  	s0 =	sshll.u32 s30, $0x8  }
0x50: {  	s0 =	sadd.s32 s16, s0  }
0x51: {  	s0 =	sshrl.u32 s0, $0x3  }
0x52: {  	s0 =	sadd.s32 s5, s0  }
0x53: {  	[tilespmem:s28], [sflag:$0x2] =	stream.linear.gather [hbm4b:s0+s28], $0x100, $0x38;
	[tilespmem:$0x18900] =	vst v63  }
0x54: {  	_ =	swait.ge [sflag:s21], $0x100  }
0x55: {  	[sflag:s21] =	ssyncset.done $0x0  }
0x56: {  	[sflag:s21] =	ssyncadd.s32 $0xFFFFFF00  }
0x57: {  	[tilespmem:s20], [sflag:$0x1] =	stream.indirect.gather [hbm4b:s1+s25], $0x80, s28, s25, $0xb8;
	[tilespmem:$0x18900] =	vst v63  }
0x58: {  	s23 =	sadd.s32 $0x0, s29;
	_ =	swait.ge [sflag:s26], $0x2800  }
0x59: {  	v1 =	vmov s23;
	[sflag:s26] =	ssyncset.done $0x0  }
0x5a: {  	s31 =	simm.s32 $0x28C0;
	[sflag:s26] =	ssyncadd.s32 $0xFFFFD800  }
0x5b: {  	v5 =	vld [tilespmem:s31+$0x30]  }
0x5c: {  	v8 =	vld [tilespmem:s31+$0x10]  }
0x5d: {  	v6 =	vld [tilespmem:s31+$0xFFFFFFC0]  }
0x5e: {  	v2 =	vld.idx.msk [tilespmem:v1+s24+$0x0], $0xffff  }
0x5f: {  	v10 =	vld [tilespmem:s31+$0xFFFFFFE0]  }
0x60: {  	v1 =	vld [tilespmem:s31+$0xFFFFFFF0]  }
0x61: {  	v3 =	vld [tilespmem:s31+$0x20]  }
0x62: {  	v4 =	vld [tilespmem:s31+$0xFFFFFFD0]  }
0x63: {  	v9 =	vmul.f32 v5, v2;
	v5 =	vld [tilespmem:s31+$0x0]  }
0x64: {  	v7 =	vmul.f32 v6, v2  }
0x65: {  	s2 =	simm.s32 $0x1;
	s0 =	simm.s32 $0x28C0;
	v6 =	vmul.f32 v10, v2;
	v8 =	vmul.f32 v8, v2  }
.LBB2_5:
0x66: {  	p1 =	sne.s32 s2, $0x4F  }
0x67: {  	v4 =	vmul.f32 v4, v2;
	v3 =	vmul.f32 v3, v2;
	[tilespmem:s31+$0x30] =	vst v9;
	s0 =	sadd.s32 $0x80, s0;
	s23 =	smov.u32 s2;
	s2 =	sadd.s32 $0x1, s2  }
0x68: {  	[tilespmem:s31+$0xFFFFFFC0] =	vst v7;
	v7 =	vmul.f32 v1, v2;
	v2 =	vmul.f32 v5, v2  }
0x69: {  	s23 =	sadd.s32 s23, s29;
	[tilespmem:s31+$0x10] =	vst v8  }
0x6a: {  	v5 =	vmov s23;
	[tilespmem:s31+$0xFFFFFFE0] =	vst v6  }
0x6b: {  	v1 =	vld [tilespmem:s0+$0xFFFFFFF0];
	[tilespmem:s31+$0xFFFFFFF0] =	vst v7  }
0x6c: {  	v6 =	vld [tilespmem:s0+$0x30];
	[tilespmem:s31+$0x0] =	vst v2  }
0x6d: {  	v8 =	vld [tilespmem:s0+$0x10];
	[tilespmem:s31+$0x20] =	vst v3  }
0x6e: {  	v7 =	vld [tilespmem:s0+$0xFFFFFFC0];
	[tilespmem:s31+$0xFFFFFFD0] =	vst v4;
	s31 =	smov.u32 s0  }
0x6f: {  	v2 =	vld.idx.msk [tilespmem:v5+s24+$0x0], $0xffff  }
0x70: {  	v10 =	vld [tilespmem:s0+$0xFFFFFFE0]  }
0x71: {  	v3 =	vld [tilespmem:s0+$0x20]  }
.Ltmp1:
0x72: {  	v4 =	vld [tilespmem:s0+$0xFFFFFFD0];
	(pc) =	sbr.rel @p1 .LBB2_5-.Ltmp1, $3  }
0x73: {  	v5 =	vld [tilespmem:s0+$0x0];
	_ =	sdelay $0x1  }
0x74: {  	v7 =	vmul.f32 v7, v2;
	v9 =	vmul.f32 v6, v2  }
0x75: {  	v8 =	vmul.f32 v8, v2;
	v6 =	vmul.f32 v10, v2  }
0x76: {  	[tilespmem:s31+$0x30] =	vst v9  }
0x77: {  	[tilespmem:s31+$0xFFFFFFC0] =	vst v7  }
0x78: {  	v1 =	vmul.f32 v1, v2;
	[tilespmem:s31+$0x10] =	vst v8  }
0x79: {  	v3 =	vmul.f32 v3, v2;
	[tilespmem:s31+$0xFFFFFFE0] =	vst v6  }
0x7a: {  	v5 =	vmul.f32 v5, v2;
	[tilespmem:s31+$0xFFFFFFF0] =	vst v1  }
0x7b: {  	s30 =	sadd.s32 $0x1, s30;
	v1 =	vmul.f32 v4, v2;
	[tilespmem:s31+$0x20] =	vst v3  }
0x7c: {  	p1 =	sne.s32 s30, $0x7D;
	[tilespmem:s31+$0x0] =	vst v5  }
.Ltmp2:
0x7d: {  	[tilespmem:s31+$0xFFFFFFD0] =	vst v1;
	(pc) =	sbr.rel @p1 .LBB2_4-.Ltmp2, $4  }
0x7e: {  	[spmem:s3] =	stream.indirect.scatter.add.f32 [tilespmem:s20], [sflag:$0x2], $0x80, s22, s25, $0xb8;
	[tilespmem:$0x18900] =	vst v63  }
0x7f: {  	_ =	swait.ge [sflag:s21], $0x2800  }
0x80: {  	[sflag:s21] =	ssyncset.done $0x0  }
0x81: {  	s29 =	sadd.s32 $0x50, s29;
	[sflag:s21] =	ssyncadd.s32 $0xFFFFD800  }
0x82: {  	s0 =	stileid.u32  }
0x83: {  	s0 =	sshll.u32 s0, $0x6  }
0x84: {  	[bflag:$0x0] =	sbarrier.arrive $0xFFFF;
	s2 =	sshrl.u32 s6, $0x3;
	s0 =	sor.u32 $0x1C02, s0  }
0x85: {  	[hbm:s17], [sflag:s0] =	dma.local [spmem:s2], $0x2700  }
0x86: {  	_ =	swait.ge [sflag:s21], $0x2700  }
0x87: {  	s4 =	sadd.s32 $0x1, s4;
	[sflag:s21] =	ssyncset.done $0x0  }
0x88: {  	p1 =	sne.s32 s4, s19;
	s2 =	sshrl.u32 @!p0 s14, $0x3;
	[sflag:s21] =	ssyncadd.s32 $0xFFFFD900  }
0x89: {  	[hbm:s18], [sflag:s0] =	dma.local @!p0 [spmem:s2], $0x100  }
.Ltmp3:
0x8a: {  	_ = 	snop;
	(pc) =	sbr.rel @p1 .LBB2_1-.Ltmp3, $4  }
0x8b: {  	s0 =	simm.s32 @!p0 $0x2  }
0x8c: {  	_ =	swait.ge @!p0 [sflag:s0], $0x100  }
0x8d: {  	[sflag:s0] =	ssyncset.done @!p0 $0x0  }
0x8e: {  	[sflag:s0] =	ssyncadd.s32 @!p0 $0xFFFFFF00  }
0x8f: {  	_ =	sfence.sel $0x180000  }
0x90: {  	[bflag:$0x0] =	sbarrier.arrive $0xFFFF  }
0x91: {  	_ =	strace $0x90000047  }
0x92: {  	s0 =	stileid.u32;
	[bflag:$0x2] =	sbarrier.arrive $0xFFFF  }
0x93: {  	p0 =	sne.s32 s0, $0x0;
	s0 =	rddreg [dreg:$0x3]  }
0x94: {  	s0 =	sadd.s32 @!p0 $0x100000, s0  }
0x95: {  	[sflag:s0] =	ssyncadd.tile.s32 @!p0 $0x1;
	_ =	shalt  }
.Lfunc_end2:
_tile_overlayer_lowered:
.L_overlay_start_2:
0x96: {  	(tag) =	ssettag $0x2  }
0x97: {  	s0 =	rddreg [dreg:$0x0];
	s2 =	stileid.u32  }
0x98: {  	s1 =	rddreg [dreg:$0x1];
	p0 =	sne.s32 s2, $0x0  }
0x99: {  	s3 =	rddreg [dreg:$0x2];
	[bflag:$0x3] =	sbarrier.arrive $0xFFFF;
	s2 =	simm.s32 @!p0 $0x1C02  }
0x9a: {  	[timem:s3], [sflag:s2] =	dma.local @!p0 [hbm:s0], s1  }
0x9b: {  	s0 =	simm.s32 @!p0 $0x2  }
0x9c: {  	_ =	swait.ge @!p0 [sflag:s0], s1  }
0x9d: {  	s1 =	ssub.s32 @!p0 $0x0, s1;
	[sflag:s0] =	ssyncset.done @!p0 $0x0  }
0x9e: {  	[sflag:s0] =	ssyncadd.s32 @!p0 s1  }
0x9f: {  	[bflag:$0x3] =	sbarrier.arrive $0xFFFF  }
0xa0: {  	_ =	shalt  }

</sc_bundles>
